<compile_context>
chip_gen: v7x
topology: tpu7x:2x2x1
jax: 0.10.2.dev20260603
libtpu: 0.0.44.dev20260713+nightly
codegen_flags: <defaults>
</compile_context>

<pallas_src>
import functools

import jax
import jax.numpy as jnp
from jax import lax
from jax.experimental import pallas as pl
from jax.experimental.pallas import tpu as pltpu
from jax.experimental.pallas import tpu_sc as plsc

VOCAB = 100000
EMBED = 128
WINDOW = 200
BATCH = 1024

N = BATCH * WINDOW
NC = 2
NS = 16
NW = NC * NS
ROWS_W = N // NW
CHUNK = 128
NCHUNK = ROWS_W // CHUNK
GROUPS = EMBED // 16
NBUF = 4

_mesh = plsc.VectorSubcoreMesh(core_axis_name="c", subcore_axis_name="s")


@functools.partial(
    pl.kernel,
    mesh=_mesh,
    out_type=jax.ShapeDtypeStruct((N, EMBED), jnp.float32),
    scratch_types=(
        [pltpu.VMEM((ROWS_W,), jnp.int32),
         pltpu.VMEM((2 * WINDOW, EMBED), jnp.float32)]
        + [pltpu.VMEM((CHUNK, EMBED), jnp.float32) for _ in range(NBUF)]
        + [pltpu.SemaphoreType.DMA for _ in range(2 * NBUF + 1)]
    ),
)
def _embed(x_hbm, table_hbm, pos_hbm, out_hbm, idx_v, pos_v, *rest):
    bufs = rest[:NBUF]
    gsems = rest[NBUF:2 * NBUF]
    ssems = rest[2 * NBUF:3 * NBUF]
    psem = rest[3 * NBUF]
    wid = lax.axis_index("s") * NC + lax.axis_index("c")
    base = wid * ROWS_W

    pos_lo = pltpu.async_copy(pos_hbm, pos_v.at[pl.ds(0, WINDOW)], psem)
    pos_hi = pltpu.async_copy(pos_hbm, pos_v.at[pl.ds(WINDOW, WINDOW)], psem)
    pltpu.sync_copy(x_hbm.at[pl.ds(base, ROWS_W)], idx_v)

    def _idx(c):
        return idx_v.at[pl.ds(c * CHUNK, CHUNK)]

    def start_gather(c, b):
        pltpu.async_copy(table_hbm.at[_idx(c)], bufs[b], gsems[b])

    def wait_gather(c, b):
        pltpu.make_async_copy(table_hbm.at[_idx(c)], bufs[b], gsems[b]).wait()

    def start_store(c, b):
        pltpu.async_copy(bufs[b], out_hbm.at[pl.ds(base + c * CHUNK, CHUNK)],
                         ssems[b])

    def wait_store(c, b):
        pltpu.make_async_copy(bufs[b], out_hbm.at[pl.ds(base + c * CHUNK, CHUNK)],
                              ssems[b]).wait()

    def compute(c, b):
        cbase = lax.rem(c * CHUNK, WINDOW)
        buf = bufs[b]

        @plsc.parallel_loop(0, CHUNK, unroll=4)
        def row_body(i):
            w = cbase + i
            for g in range(GROUPS):
                s = pl.ds(g * 16, 16)
                plsc.addupdate(buf.at[i, s], pos_v[w, s])

    for c in range(NBUF - 1):
        start_gather(c, c)

    start_gather(NBUF - 1, NBUF - 1)
    wait_gather(0, 0)
    pos_lo.wait()
    pos_hi.wait()
    compute(0, 0)
    start_store(0, 0)

    def loop_body(j, carry):
        for k in range(NBUF):
            c = 1 + j * NBUF + k
            b = (1 + k) % NBUF
            bl = k % NBUF
            wait_gather(c, b)
            compute(c, b)
            start_store(c, b)
            wait_store(c - 1, bl)
            start_gather(c + NBUF - 1, bl)
        return carry

    steady_iters = (NCHUNK - NBUF) // NBUF
    lax.fori_loop(0, steady_iters, loop_body, 0)

    for c in range(steady_iters * NBUF + 1, NCHUNK):
        b = c % NBUF
        wait_gather(c, b)
        compute(c, b)
        start_store(c, b)
        if c + NBUF - 1 < NCHUNK:
            wait_store(c - 1, (c - 1) % NBUF)
            start_gather(c + NBUF - 1, (c - 1) % NBUF)

    for c in range(NCHUNK - NBUF, NCHUNK):
        wait_store(c, c % NBUF)


def kernel(x, table, pos):
    xr = x.astype(jnp.int32).reshape(N)
    out = _embed(xr, table, pos)
    return out.reshape(BATCH, WINDOW, EMBED)

# --- scband reference (transcript-rebuilt; emitter-appended) ---
"""Pipeline reference for scband-bertembedding-11330123727321 (READ-ONLY COPY).

The authoritative reference and input builder live on the scoring server;
editing this copy changes nothing except your own understanding.
"""

import jax, jax.numpy as jnp
import numpy as np

VOCAB = 100000
EMBED = 128
WINDOW = 200
BATCH = 1024

def _position_encoding(window_size, d, n=10000):
    k = np.arange(window_size)[:, None].astype(np.float64)
    i = np.arange(d // 2)[None, :].astype(np.float64)
    denom = np.power(n, 2.0 * i / d)
    P = np.zeros((window_size, d), dtype=np.float64)
    P[:, 0::2] = np.sin(k / denom)
    P[:, 1::2] = np.cos(k / denom)
    return P.astype(np.float32)

def setup_inputs(seed: int = 0) -> dict:
    key = jax.random.key(seed)
    k1, k2 = jax.random.split(key)
    x = jax.random.randint(k1, (BATCH, WINDOW), 0, VOCAB, dtype=jnp.int64 if jax.config.jax_enable_x64 else jnp.int32)
    table = jax.random.normal(k2, (VOCAB, EMBED), dtype=jnp.float32) * 0.05
    pos = jnp.asarray(_position_encoding(WINDOW, EMBED))
    return {"x": x, "table": table, "pos": pos}

def reference(x, table, pos):
    # LogTemplateEmbedding: trainable embedding lookup
    log_embed = jnp.take(table, x, axis=0)  # [B, W, D]
    # PositionalEmbedding: fixed sinusoidal table added across the window dim
    out = log_embed + pos[None, :, :]
    return out

if __name__ == "__main__":
    import jax
    _d = setup_inputs()
    print(jax.jit(kernel)(*tuple(_d.values())))

</pallas_src>

<mosaic_0001>
#map = affine_map<(d0, d1) -> (0)>
#map1 = affine_map<(d0, d1) -> (0, 0)>
module attributes {stable_mosaic.version = 14 : i64} {
  func.func @_embed(%arg0: i32, %arg1: i32, %arg2: memref<204800xi32, #tpu.memory_space<hbm>>, %arg3: memref<100000x128xf32, #tpu.memory_space<hbm>>, %arg4: memref<200x128xf32, #tpu.memory_space<hbm>>, %arg5: memref<204800x128xf32, #tpu.memory_space<hbm>>, %arg6: memref<6400xi32, #tpu.memory_space<vmem>>, %arg7: memref<400x128xf32, #tpu.memory_space<vmem>>, %arg8: memref<128x128xf32, #tpu.memory_space<vmem>>, %arg9: memref<128x128xf32, #tpu.memory_space<vmem>>, %arg10: memref<128x128xf32, #tpu.memory_space<vmem>>, %arg11: memref<128x128xf32, #tpu.memory_space<vmem>>, %arg12: memref<!tpu.dma_semaphore, #tpu.memory_space<semaphore_mem>>, %arg13: memref<!tpu.dma_semaphore, #tpu.memory_space<semaphore_mem>>, %arg14: memref<!tpu.dma_semaphore, #tpu.memory_space<semaphore_mem>>, %arg15: memref<!tpu.dma_semaphore, #tpu.memory_space<semaphore_mem>>, %arg16: memref<!tpu.dma_semaphore, #tpu.memory_space<semaphore_mem>>, %arg17: memref<!tpu.dma_semaphore, #tpu.memory_space<semaphore_mem>>, %arg18: memref<!tpu.dma_semaphore, #tpu.memory_space<semaphore_mem>>, %arg19: memref<!tpu.dma_semaphore, #tpu.memory_space<semaphore_mem>>, %arg20: memref<!tpu.dma_semaphore, #tpu.memory_space<semaphore_mem>>) attributes {dimension_semantics = [#tpu.dimension_semantics<core_parallel>, #tpu.dimension_semantics<subcore_parallel>], iteration_bounds = array<i64: 2, 16>, scalar_prefetch = 0 : i64, scratch_operands = 15 : i64, tpu.core_type = #tpu.core_type<sc_vector_subcore>, window_params = [{transform_indices = #map}, {transform_indices = #map1}, {transform_indices = #map1}, {transform_indices = #map1}]} {
    %mul3A = arith.constant 2 : i32
    %mul3A_0 = arith.muli %arg1, %mul3A : i32
    %add3A = arith.addi %mul3A_0, %arg0 : i32
    %mul3A_1 = arith.constant 6400 : i32
    %mul3A_2 = arith.muli %add3A, %mul3A_1 : i32
    %dma_start3A = arith.constant 0 : i32
    %dma_start3A_3 = arith.constant 0 : i32
    %dma_start3A_4 = tpu.memref_slice %arg7[%dma_start3A, %dma_start3A_3] : memref<400x128xf32, #tpu.memory_space<vmem>> -> memref<200x128xf32, #tpu.memory_space<vmem>>
    %dma_start3A_5 = arith.constant 0 : i32
    %dma_start3A_6 = arith.constant 0 : i32
    %dma_start3A_7 = tpu.memref_slice %arg7[%dma_start3A_5, %dma_start3A_6] : memref<400x128xf32, #tpu.memory_space<vmem>> -> memref<200x128xf32, #tpu.memory_space<vmem>>
    tpu.enqueue_dma source(%arg4 : memref<200x128xf32, #tpu.memory_space<hbm>>) target(%dma_start3A_7 : memref<200x128xf32, #tpu.memory_space<vmem>>) target_semaphore(%arg20 : memref<!tpu.dma_semaphore, #tpu.memory_space<semaphore_mem>>)
    %dma_start3A_8 = arith.constant 200 : i32
    %dma_start3A_9 = arith.constant 0 : i32
    %dma_start3A_10 = tpu.memref_slice %arg7[%dma_start3A_8, %dma_start3A_9] : memref<400x128xf32, #tpu.memory_space<vmem>> -> memref<200x128xf32, #tpu.memory_space<vmem>>
    %dma_start3A_11 = arith.constant 200 : i32
    %dma_start3A_12 = arith.constant 0 : i32
    %dma_start3A_13 = tpu.memref_slice %arg7[%dma_start3A_11, %dma_start3A_12] : memref<400x128xf32, #tpu.memory_space<vmem>> -> memref<200x128xf32, #tpu.memory_space<vmem>>
    tpu.enqueue_dma source(%arg4 : memref<200x128xf32, #tpu.memory_space<hbm>>) target(%dma_start3A_13 : memref<200x128xf32, #tpu.memory_space<vmem>>) target_semaphore(%arg20 : memref<!tpu.dma_semaphore, #tpu.memory_space<semaphore_mem>>)
    "tpu.region"() ({
      %run_scoped3A = tpu.sem_alloc : memref<!tpu.dma_semaphore, #tpu.memory_space<semaphore_mem>>
      %dma_start3A_196 = tpu.memref_slice %arg2[%mul3A_2] : memref<204800xi32, #tpu.memory_space<hbm>> -> memref<6400xi32, #tpu.memory_space<hbm>>
      %dma_start3A_197 = tpu.memref_slice %arg2[%mul3A_2] : memref<204800xi32, #tpu.memory_space<hbm>> -> memref<6400xi32, #tpu.memory_space<hbm>>
      tpu.enqueue_dma source(%dma_start3A_197 : memref<6400xi32, #tpu.memory_space<hbm>>) target(%arg6 : memref<6400xi32, #tpu.memory_space<vmem>>) target_semaphore(%run_scoped3A : memref<!tpu.dma_semaphore, #tpu.memory_space<semaphore_mem>>)
      %dma_wait3A_198 = tpu.memref_slice %arg2[%mul3A_2] : memref<204800xi32, #tpu.memory_space<hbm>> -> memref<6400xi32, #tpu.memory_space<hbm>>
      %dma_wait3A_199 = tpu.memref_slice %arg2[%mul3A_2] : memref<204800xi32, #tpu.memory_space<hbm>> -> memref<6400xi32, #tpu.memory_space<hbm>>
      tpu.wait_dma2 semaphore(%run_scoped3A : memref<!tpu.dma_semaphore, #tpu.memory_space<semaphore_mem>>) src(%dma_wait3A_199 : memref<6400xi32, #tpu.memory_space<hbm>>) dst(%arg6 : memref<6400xi32, #tpu.memory_space<vmem>>)
      tpu.yield
    }) : () -> ()
    %dma_start3A_14 = arith.constant 0 : i32
    %dma_start3A_15 = tpu.memref_slice %arg6[%dma_start3A_14] : memref<6400xi32, #tpu.memory_space<vmem>> -> memref<128xi32, #tpu.memory_space<vmem>>
    %dma_start3A_16 = arith.constant 0 : i32
    %dma_start3A_17 = arith.constant 0 : i32
    %dma_start3A_18 = tpu.memref_slice %arg3[%dma_start3A_16, %dma_start3A_17] : memref<100000x128xf32, #tpu.memory_space<hbm>> -> memref<100000x128xf32, #tpu.memory_space<hbm>>
    tpu.enqueue_indirect_dma source(%dma_start3A_18 : memref<100000x128xf32, #tpu.memory_space<hbm>>) target(%arg8 : memref<128x128xf32, #tpu.memory_space<vmem>>) offsets(%dma_start3A_15 : memref<128xi32, #tpu.memory_space<vmem>>) semaphore(%arg12 : memref<!tpu.dma_semaphore, #tpu.memory_space<semaphore_mem>>)
    %dma_start3A_19 = arith.constant 128 : i32
    %dma_start3A_20 = tpu.memref_slice %arg6[%dma_start3A_19] : memref<6400xi32, #tpu.memory_space<vmem>> -> memref<128xi32, #tpu.memory_space<vmem>>
    %dma_start3A_21 = arith.constant 0 : i32
    %dma_start3A_22 = arith.constant 0 : i32
    %dma_start3A_23 = tpu.memref_slice %arg3[%dma_start3A_21, %dma_start3A_22] : memref<100000x128xf32, #tpu.memory_space<hbm>> -> memref<100000x128xf32, #tpu.memory_space<hbm>>
    tpu.enqueue_indirect_dma source(%dma_start3A_23 : memref<100000x128xf32, #tpu.memory_space<hbm>>) target(%arg9 : memref<128x128xf32, #tpu.memory_space<vmem>>) offsets(%dma_start3A_20 : memref<128xi32, #tpu.memory_space<vmem>>) semaphore(%arg13 : memref<!tpu.dma_semaphore, #tpu.memory_space<semaphore_mem>>)
    %dma_start3A_24 = arith.constant 256 : i32
    %dma_start3A_25 = tpu.memref_slice %arg6[%dma_start3A_24] : memref<6400xi32, #tpu.memory_space<vmem>> -> memref<128xi32, #tpu.memory_space<vmem>>
    %dma_start3A_26 = arith.constant 0 : i32
    %dma_start3A_27 = arith.constant 0 : i32
    %dma_start3A_28 = tpu.memref_slice %arg3[%dma_start3A_26, %dma_start3A_27] : memref<100000x128xf32, #tpu.memory_space<hbm>> -> memref<100000x128xf32, #tpu.memory_space<hbm>>
    tpu.enqueue_indirect_dma source(%dma_start3A_28 : memref<100000x128xf32, #tpu.memory_space<hbm>>) target(%arg10 : memref<128x128xf32, #tpu.memory_space<vmem>>) offsets(%dma_start3A_25 : memref<128xi32, #tpu.memory_space<vmem>>) semaphore(%arg14 : memref<!tpu.dma_semaphore, #tpu.memory_space<semaphore_mem>>)
    %dma_start3A_29 = arith.constant 384 : i32
    %dma_start3A_30 = tpu.memref_slice %arg6[%dma_start3A_29] : memref<6400xi32, #tpu.memory_space<vmem>> -> memref<128xi32, #tpu.memory_space<vmem>>
    %dma_start3A_31 = arith.constant 0 : i32
    %dma_start3A_32 = arith.constant 0 : i32
    %dma_start3A_33 = tpu.memref_slice %arg3[%dma_start3A_31, %dma_start3A_32] : memref<100000x128xf32, #tpu.memory_space<hbm>> -> memref<100000x128xf32, #tpu.memory_space<hbm>>
    tpu.enqueue_indirect_dma source(%dma_start3A_33 : memref<100000x128xf32, #tpu.memory_space<hbm>>) target(%arg11 : memref<128x128xf32, #tpu.memory_space<vmem>>) offsets(%dma_start3A_30 : memref<128xi32, #tpu.memory_space<vmem>>) semaphore(%arg15 : memref<!tpu.dma_semaphore, #tpu.memory_space<semaphore_mem>>)
    %dma_wait3A = arith.constant 0 : i32
    %dma_wait3A_34 = tpu.memref_slice %arg6[%dma_wait3A] : memref<6400xi32, #tpu.memory_space<vmem>> -> memref<128xi32, #tpu.memory_space<vmem>>
    %dma_wait3A_35 = arith.constant 0 : i32
    %dma_wait3A_36 = arith.constant 0 : i32
    %dma_wait3A_37 = tpu.memref_slice %arg3[%dma_wait3A_35, %dma_wait3A_36] : memref<100000x128xf32, #tpu.memory_space<hbm>> -> memref<100000x128xf32, #tpu.memory_space<hbm>>
    tpu.wait_indirect_dma semaphore(%arg12 : memref<!tpu.dma_semaphore, #tpu.memory_space<semaphore_mem>>) src(%dma_wait3A_37 : memref<100000x128xf32, #tpu.memory_space<hbm>>) dst(%arg8 : memref<128x128xf32, #tpu.memory_space<vmem>>)
    %dma_wait3A_38 = arith.constant 0 : i32
    %dma_wait3A_39 = arith.constant 0 : i32
    %dma_wait3A_40 = tpu.memref_slice %arg7[%dma_wait3A_38, %dma_wait3A_39] : memref<400x128xf32, #tpu.memory_space<vmem>> -> memref<200x128xf32, #tpu.memory_space<vmem>>
    %dma_wait3A_41 = arith.constant 0 : i32
    %dma_wait3A_42 = arith.constant 0 : i32
    %dma_wait3A_43 = tpu.memref_slice %arg7[%dma_wait3A_41, %dma_wait3A_42] : memref<400x128xf32, #tpu.memory_space<vmem>> -> memref<200x128xf32, #tpu.memory_space<vmem>>
    tpu.wait_dma2 semaphore(%arg20 : memref<!tpu.dma_semaphore, #tpu.memory_space<semaphore_mem>>) src(%arg4 : memref<200x128xf32, #tpu.memory_space<hbm>>) dst(%dma_wait3A_43 : memref<200x128xf32, #tpu.memory_space<vmem>>)
    %dma_wait3A_44 = arith.constant 200 : i32
    %dma_wait3A_45 = arith.constant 0 : i32
    %dma_wait3A_46 = tpu.memref_slice %arg7[%dma_wait3A_44, %dma_wait3A_45] : memref<400x128xf32, #tpu.memory_space<vmem>> -> memref<200x128xf32, #tpu.memory_space<vmem>>
    %dma_wait3A_47 = arith.constant 200 : i32
    %dma_wait3A_48 = arith.constant 0 : i32
    %dma_wait3A_49 = tpu.memref_slice %arg7[%dma_wait3A_47, %dma_wait3A_48] : memref<400x128xf32, #tpu.memory_space<vmem>> -> memref<200x128xf32, #tpu.memory_space<vmem>>
    tpu.wait_dma2 semaphore(%arg20 : memref<!tpu.dma_semaphore, #tpu.memory_space<semaphore_mem>>) src(%arg4 : memref<200x128xf32, #tpu.memory_space<hbm>>) dst(%dma_wait3A_49 : memref<200x128xf32, #tpu.memory_space<vmem>>)
    %rem3A = arith.constant 0 : i32
    %rem3A_50 = arith.constant 200 : i32
    %rem3A_51 = arith.remsi %rem3A, %rem3A_50 : i32
    %parallel_loop3A = arith.constant 0 : i32
    %parallel_loop3A_52 = arith.constant 128 : i32
    %parallel_loop3A_53 = arith.constant 1 : i32
    scf.for %parallel_loop3A_196 = %parallel_loop3A to %parallel_loop3A_52 step %parallel_loop3A_53  : i32 {
      %parallel_loop3A_197 = arith.addi %rem3A_51, %parallel_loop3A_196 : i32
      %parallel_loop3A_198 = arith.index_cast %parallel_loop3A_197 : i32 to index
      %parallel_loop3A_199 = arith.constant 0 : index
      %parallel_loop3A_200 = tpu.vector_load %arg7[%parallel_loop3A_198, %parallel_loop3A_199] {strides = array<i32>} : memref<400x128xf32, #tpu.memory_space<vmem>>, vector<1x16xf32>,
      %parallel_loop3A_201 = vector.shape_cast %parallel_loop3A_200 : vector<1x16xf32> to vector<16xf32>
      %parallel_loop3A_202 = arith.index_cast %parallel_loop3A_196 : i32 to index
      %parallel_loop3A_203 = arith.constant 0 : index
      %parallel_loop3A_204 = tpu.vector_load %arg8[%parallel_loop3A_202, %parallel_loop3A_203] {strides = array<i32>} : memref<128x128xf32, #tpu.memory_space<vmem>>, vector<1x16xf32>,
      %parallel_loop3A_205 = vector.shape_cast %parallel_loop3A_204 : vector<1x16xf32> to vector<16xf32>
      %parallel_loop3A_206 = vector.shape_cast %parallel_loop3A_201 : vector<16xf32> to vector<1x16xf32>
      tpu.vector_store %arg8[%parallel_loop3A_202, %parallel_loop3A_203], %parallel_loop3A_206 {add = true, strides = array<i32>} : memref<128x128xf32, #tpu.memory_space<vmem>>, vector<1x16xf32>,
      %parallel_loop3A_207 = arith.index_cast %parallel_loop3A_197 : i32 to index
      %parallel_loop3A_208 = arith.constant 16 : index
      %parallel_loop3A_209 = tpu.vector_load %arg7[%parallel_loop3A_207, %parallel_loop3A_208] {strides = array<i32>} : memref<400x128xf32, #tpu.memory_space<vmem>>, vector<1x16xf32>,
      %parallel_loop3A_210 = vector.shape_cast %parallel_loop3A_209 : vector<1x16xf32> to vector<16xf32>
      %parallel_loop3A_211 = arith.index_cast %parallel_loop3A_196 : i32 to index
      %parallel_loop3A_212 = arith.constant 16 : index
      %parallel_loop3A_213 = tpu.vector_load %arg8[%parallel_loop3A_211, %parallel_loop3A_212] {strides = array<i32>} : memref<128x128xf32, #tpu.memory_space<vmem>>, vector<1x16xf32>,
      %parallel_loop3A_214 = vector.shape_cast %parallel_loop3A_213 : vector<1x16xf32> to vector<16xf32>
      %parallel_loop3A_215 = vector.shape_cast %parallel_loop3A_210 : vector<16xf32> to vector<1x16xf32>
      tpu.vector_store %arg8[%parallel_loop3A_211, %parallel_loop3A_212], %parallel_loop3A_215 {add = true, strides = array<i32>} : memref<128x128xf32, #tpu.memory_space<vmem>>, vector<1x16xf32>,
      %parallel_loop3A_216 = arith.index_cast %parallel_loop3A_197 : i32 to index
      %parallel_loop3A_217 = arith.constant 32 : index
      %parallel_loop3A_218 = tpu.vector_load %arg7[%parallel_loop3A_216, %parallel_loop3A_217] {strides = array<i32>} : memref<400x128xf32, #tpu.memory_space<vmem>>, vector<1x16xf32>,
      %parallel_loop3A_219 = vector.shape_cast %parallel_loop3A_218 : vector<1x16xf32> to vector<16xf32>
      %parallel_loop3A_220 = arith.index_cast %parallel_loop3A_196 : i32 to index
      %parallel_loop3A_221 = arith.constant 32 : index
      %parallel_loop3A_222 = tpu.vector_load %arg8[%parallel_loop3A_220, %parallel_loop3A_221] {strides = array<i32>} : memref<128x128xf32, #tpu.memory_space<vmem>>, vector<1x16xf32>,
      %parallel_loop3A_223 = vector.shape_cast %parallel_loop3A_222 : vector<1x16xf32> to vector<16xf32>
      %parallel_loop3A_224 = vector.shape_cast %parallel_loop3A_219 : vector<16xf32> to vector<1x16xf32>
      tpu.vector_store %arg8[%parallel_loop3A_220, %parallel_loop3A_221], %parallel_loop3A_224 {add = true, strides = array<i32>} : memref<128x128xf32, #tpu.memory_space<vmem>>, vector<1x16xf32>,
      %parallel_loop3A_225 = arith.index_cast %parallel_loop3A_197 : i32 to index
      %parallel_loop3A_226 = arith.constant 48 : index
      %parallel_loop3A_227 = tpu.vector_load %arg7[%parallel_loop3A_225, %parallel_loop3A_226] {strides = array<i32>} : memref<400x128xf32, #tpu.memory_space<vmem>>, vector<1x16xf32>,
      %parallel_loop3A_228 = vector.shape_cast %parallel_loop3A_227 : vector<1x16xf32> to vector<16xf32>
      %parallel_loop3A_229 = arith.index_cast %parallel_loop3A_196 : i32 to index
      %parallel_loop3A_230 = arith.constant 48 : index
      %parallel_loop3A_231 = tpu.vector_load %arg8[%parallel_loop3A_229, %parallel_loop3A_230] {strides = array<i32>} : memref<128x128xf32, #tpu.memory_space<vmem>>, vector<1x16xf32>,
      %parallel_loop3A_232 = vector.shape_cast %parallel_loop3A_231 : vector<1x16xf32> to vector<16xf32>
      %parallel_loop3A_233 = vector.shape_cast %parallel_loop3A_228 : vector<16xf32> to vector<1x16xf32>
      tpu.vector_store %arg8[%parallel_loop3A_229, %parallel_loop3A_230], %parallel_loop3A_233 {add = true, strides = array<i32>} : memref<128x128xf32, #tpu.memory_space<vmem>>, vector<1x16xf32>,
      %parallel_loop3A_234 = arith.index_cast %parallel_loop3A_197 : i32 to index
      %parallel_loop3A_235 = arith.constant 64 : index
      %parallel_loop3A_236 = tpu.vector_load %arg7[%parallel_loop3A_234, %parallel_loop3A_235] {strides = array<i32>} : memref<400x128xf32, #tpu.memory_space<vmem>>, vector<1x16xf32>,
      %parallel_loop3A_237 = vector.shape_cast %parallel_loop3A_236 : vector<1x16xf32> to vector<16xf32>
      %parallel_loop3A_238 = arith.index_cast %parallel_loop3A_196 : i32 to index
      %parallel_loop3A_239 = arith.constant 64 : index
      %parallel_loop3A_240 = tpu.vector_load %arg8[%parallel_loop3A_238, %parallel_loop3A_239] {strides = array<i32>} : memref<128x128xf32, #tpu.memory_space<vmem>>, vector<1x16xf32>,
      %parallel_loop3A_241 = vector.shape_cast %parallel_loop3A_240 : vector<1x16xf32> to vector<16xf32>
      %parallel_loop3A_242 = vector.shape_cast %parallel_loop3A_237 : vector<16xf32> to vector<1x16xf32>
      tpu.vector_store %arg8[%parallel_loop3A_238, %parallel_loop3A_239], %parallel_loop3A_242 {add = true, strides = array<i32>} : memref<128x128xf32, #tpu.memory_space<vmem>>, vector<1x16xf32>,
      %parallel_loop3A_243 = arith.index_cast %parallel_loop3A_197 : i32 to index
      %parallel_loop3A_244 = arith.constant 80 : index
      %parallel_loop3A_245 = tpu.vector_load %arg7[%parallel_loop3A_243, %parallel_loop3A_244] {strides = array<i32>} : memref<400x128xf32, #tpu.memory_space<vmem>>, vector<1x16xf32>,
      %parallel_loop3A_246 = vector.shape_cast %parallel_loop3A_245 : vector<1x16xf32> to vector<16xf32>
      %parallel_loop3A_247 = arith.index_cast %parallel_loop3A_196 : i32 to index
      %parallel_loop3A_248 = arith.constant 80 : index
      %parallel_loop3A_249 = tpu.vector_load %arg8[%parallel_loop3A_247, %parallel_loop3A_248] {strides = array<i32>} : memref<128x128xf32, #tpu.memory_space<vmem>>, vector<1x16xf32>,
      %parallel_loop3A_250 = vector.shape_cast %parallel_loop3A_249 : vector<1x16xf32> to vector<16xf32>
      %parallel_loop3A_251 = vector.shape_cast %parallel_loop3A_246 : vector<16xf32> to vector<1x16xf32>
      tpu.vector_store %arg8[%parallel_loop3A_247, %parallel_loop3A_248], %parallel_loop3A_251 {add = true, strides = array<i32>} : memref<128x128xf32, #tpu.memory_space<vmem>>, vector<1x16xf32>,
      %parallel_loop3A_252 = arith.index_cast %parallel_loop3A_197 : i32 to index
      %parallel_loop3A_253 = arith.constant 96 : index
      %parallel_loop3A_254 = tpu.vector_load %arg7[%parallel_loop3A_252, %parallel_loop3A_253] {strides = array<i32>} : memref<400x128xf32, #tpu.memory_space<vmem>>, vector<1x16xf32>,
      %parallel_loop3A_255 = vector.shape_cast %parallel_loop3A_254 : vector<1x16xf32> to vector<16xf32>
      %parallel_loop3A_256 = arith.index_cast %parallel_loop3A_196 : i32 to index
      %parallel_loop3A_257 = arith.constant 96 : index
      %parallel_loop3A_258 = tpu.vector_load %arg8[%parallel_loop3A_256, %parallel_loop3A_257] {strides = array<i32>} : memref<128x128xf32, #tpu.memory_space<vmem>>, vector<1x16xf32>,
      %parallel_loop3A_259 = vector.shape_cast %parallel_loop3A_258 : vector<1x16xf32> to vector<16xf32>
      %parallel_loop3A_260 = vector.shape_cast %parallel_loop3A_255 : vector<16xf32> to vector<1x16xf32>
      tpu.vector_store %arg8[%parallel_loop3A_256, %parallel_loop3A_257], %parallel_loop3A_260 {add = true, strides = array<i32>} : memref<128x128xf32, #tpu.memory_space<vmem>>, vector<1x16xf32>,
      %parallel_loop3A_261 = arith.index_cast %parallel_loop3A_197 : i32 to index
      %parallel_loop3A_262 = arith.constant 112 : index
      %parallel_loop3A_263 = tpu.vector_load %arg7[%parallel_loop3A_261, %parallel_loop3A_262] {strides = array<i32>} : memref<400x128xf32, #tpu.memory_space<vmem>>, vector<1x16xf32>,
      %parallel_loop3A_264 = vector.shape_cast %parallel_loop3A_263 : vector<1x16xf32> to vector<16xf32>
      %parallel_loop3A_265 = arith.index_cast %parallel_loop3A_196 : i32 to index
      %parallel_loop3A_266 = arith.constant 112 : index
      %parallel_loop3A_267 = tpu.vector_load %arg8[%parallel_loop3A_265, %parallel_loop3A_266] {strides = array<i32>} : memref<128x128xf32, #tpu.memory_space<vmem>>, vector<1x16xf32>,
      %parallel_loop3A_268 = vector.shape_cast %parallel_loop3A_267 : vector<1x16xf32> to vector<16xf32>
      %parallel_loop3A_269 = vector.shape_cast %parallel_loop3A_264 : vector<16xf32> to vector<1x16xf32>
      tpu.vector_store %arg8[%parallel_loop3A_265, %parallel_loop3A_266], %parallel_loop3A_269 {add = true, strides = array<i32>} : memref<128x128xf32, #tpu.memory_space<vmem>>, vector<1x16xf32>,
    } {sc.loop_unroll_factor = 4 : i64, sc.parallel_access}
    %add3A_54 = arith.constant 0 : i32
    %add3A_55 = arith.addi %mul3A_2, %add3A_54 : i32
    %dma_start3A_56 = arith.constant 0 : i32
    %dma_start3A_57 = tpu.memref_slice %arg5[%add3A_55, %dma_start3A_56] : memref<204800x128xf32, #tpu.memory_space<hbm>> -> memref<128x128xf32, #tpu.memory_space<hbm>>
    %dma_start3A_58 = arith.constant 0 : i32
    %dma_start3A_59 = tpu.memref_slice %arg5[%add3A_55, %dma_start3A_58] : memref<204800x128xf32, #tpu.memory_space<hbm>> -> memref<128x128xf32, #tpu.memory_space<hbm>>
    tpu.enqueue_dma source(%arg8 : memref<128x128xf32, #tpu.memory_space<vmem>>) target(%dma_start3A_59 : memref<128x128xf32, #tpu.memory_space<hbm>>) target_semaphore(%arg16 : memref<!tpu.dma_semaphore, #tpu.memory_space<semaphore_mem>>)
    %scan3A = arith.constant 0 : i32
    %scan3A_60 = arith.constant 0 : i32
    %scan3A_61 = arith.constant 11 : i32
    %scan3A_62 = arith.addi %scan3A_60, %scan3A_61 : i32
    %scan3A_63 = arith.constant 1 : i32
    scf.for %scan3A_196 = %scan3A_60 to %scan3A_62 step %scan3A_63  : i32 {
      %mul3A_197 = arith.constant 4 : i32
      %mul3A_198 = arith.muli %scan3A_196, %mul3A_197 : i32
      %add3A_199 = arith.constant 1 : i32
      %add3A_200 = arith.addi %add3A_199, %mul3A_198 : i32
      %add3A_201 = arith.constant 0 : i32
      %add3A_202 = arith.addi %add3A_200, %add3A_201 : i32
      %mul3A_203 = arith.constant 128 : i32
      %mul3A_204 = arith.muli %add3A_202, %mul3A_203 : i32
      %dma_wait3A_205 = tpu.memref_slice %arg6[%mul3A_204] : memref<6400xi32, #tpu.memory_space<vmem>> -> memref<128xi32, #tpu.memory_space<vmem>>
      %dma_wait3A_206 = arith.constant 0 : i32
      %dma_wait3A_207 = arith.constant 0 : i32
      %dma_wait3A_208 = tpu.memref_slice %arg3[%dma_wait3A_206, %dma_wait3A_207] : memref<100000x128xf32, #tpu.memory_space<hbm>> -> memref<100000x128xf32, #tpu.memory_space<hbm>>
      tpu.wait_indirect_dma semaphore(%arg13 : memref<!tpu.dma_semaphore, #tpu.memory_space<semaphore_mem>>) src(%dma_wait3A_208 : memref<100000x128xf32, #tpu.memory_space<hbm>>) dst(%arg9 : memref<128x128xf32, #tpu.memory_space<vmem>>)
      %mul3A_209 = arith.constant 128 : i32
      %mul3A_210 = arith.muli %add3A_202, %mul3A_209 : i32
      %rem3A_211 = arith.constant 200 : i32
      %rem3A_212 = arith.remsi %mul3A_210, %rem3A_211 : i32
      %parallel_loop3A_213 = arith.constant 0 : i32
      %parallel_loop3A_214 = arith.constant 128 : i32
      %parallel_loop3A_215 = arith.constant 1 : i32
      scf.for %parallel_loop3A_376 = %parallel_loop3A_213 to %parallel_loop3A_214 step %parallel_loop3A_215  : i32 {
        %parallel_loop3A_377 = arith.addi %rem3A_212, %parallel_loop3A_376 : i32
        %parallel_loop3A_378 = arith.index_cast %parallel_loop3A_377 : i32 to index
        %parallel_loop3A_379 = arith.constant 0 : index
        %parallel_loop3A_380 = tpu.vector_load %arg7[%parallel_loop3A_378, %parallel_loop3A_379] {strides = array<i32>} : memref<400x128xf32, #tpu.memory_space<vmem>>, vector<1x16xf32>,
        %parallel_loop3A_381 = vector.shape_cast %parallel_loop3A_380 : vector<1x16xf32> to vector<16xf32>
        %parallel_loop3A_382 = arith.index_cast %parallel_loop3A_376 : i32 to index
        %parallel_loop3A_383 = arith.constant 0 : index
        %parallel_loop3A_384 = tpu.vector_load %arg9[%parallel_loop3A_382, %parallel_loop3A_383] {strides = array<i32>} : memref<128x128xf32, #tpu.memory_space<vmem>>, vector<1x16xf32>,
        %parallel_loop3A_385 = vector.shape_cast %parallel_loop3A_384 : vector<1x16xf32> to vector<16xf32>
        %parallel_loop3A_386 = vector.shape_cast %parallel_loop3A_381 : vector<16xf32> to vector<1x16xf32>
        tpu.vector_store %arg9[%parallel_loop3A_382, %parallel_loop3A_383], %parallel_loop3A_386 {add = true, strides = array<i32>} : memref<128x128xf32, #tpu.memory_space<vmem>>, vector<1x16xf32>,
        %parallel_loop3A_387 = arith.index_cast %parallel_loop3A_377 : i32 to index
        %parallel_loop3A_388 = arith.constant 16 : index
        %parallel_loop3A_389 = tpu.vector_load %arg7[%parallel_loop3A_387, %parallel_loop3A_388] {strides = array<i32>} : memref<400x128xf32, #tpu.memory_space<vmem>>, vector<1x16xf32>,
        %parallel_loop3A_390 = vector.shape_cast %parallel_loop3A_389 : vector<1x16xf32> to vector<16xf32>
        %parallel_loop3A_391 = arith.index_cast %parallel_loop3A_376 : i32 to index
        %parallel_loop3A_392 = arith.constant 16 : index
        %parallel_loop3A_393 = tpu.vector_load %arg9[%parallel_loop3A_391, %parallel_loop3A_392] {strides = array<i32>} : memref<128x128xf32, #tpu.memory_space<vmem>>, vector<1x16xf32>,
        %parallel_loop3A_394 = vector.shape_cast %parallel_loop3A_393 : vector<1x16xf32> to vector<16xf32>
        %parallel_loop3A_395 = vector.shape_cast %parallel_loop3A_390 : vector<16xf32> to vector<1x16xf32>
        tpu.vector_store %arg9[%parallel_loop3A_391, %parallel_loop3A_392], %parallel_loop3A_395 {add = true, strides = array<i32>} : memref<128x128xf32, #tpu.memory_space<vmem>>, vector<1x16xf32>,
        %parallel_loop3A_396 = arith.index_cast %parallel_loop3A_377 : i32 to index
        %parallel_loop3A_397 = arith.constant 32 : index
        %parallel_loop3A_398 = tpu.vector_load %arg7[%parallel_loop3A_396, %parallel_loop3A_397] {strides = array<i32>} : memref<400x128xf32, #tpu.memory_space<vmem>>, vector<1x16xf32>,
        %parallel_loop3A_399 = vector.shape_cast %parallel_loop3A_398 : vector<1x16xf32> to vector<16xf32>
        %parallel_loop3A_400 = arith.index_cast %parallel_loop3A_376 : i32 to index
        %parallel_loop3A_401 = arith.constant 32 : index
        %parallel_loop3A_402 = tpu.vector_load %arg9[%parallel_loop3A_400, %parallel_loop3A_401] {strides = array<i32>} : memref<128x128xf32, #tpu.memory_space<vmem>>, vector<1x16xf32>,
        %parallel_loop3A_403 = vector.shape_cast %parallel_loop3A_402 : vector<1x16xf32> to vector<16xf32>
        %parallel_loop3A_404 = vector.shape_cast %parallel_loop3A_399 : vector<16xf32> to vector<1x16xf32>
        tpu.vector_store %arg9[%parallel_loop3A_400, %parallel_loop3A_401], %parallel_loop3A_404 {add = true, strides = array<i32>} : memref<128x128xf32, #tpu.memory_space<vmem>>, vector<1x16xf32>,
        %parallel_loop3A_405 = arith.index_cast %parallel_loop3A_377 : i32 to index
        %parallel_loop3A_406 = arith.constant 48 : index
        %parallel_loop3A_407 = tpu.vector_load %arg7[%parallel_loop3A_405, %parallel_loop3A_406] {strides = array<i32>} : memref<400x128xf32, #tpu.memory_space<vmem>>, vector<1x16xf32>,
        %parallel_loop3A_408 = vector.shape_cast %parallel_loop3A_407 : vector<1x16xf32> to vector<16xf32>
        %parallel_loop3A_409 = arith.index_cast %parallel_loop3A_376 : i32 to index
        %parallel_loop3A_410 = arith.constant 48 : index
        %parallel_loop3A_411 = tpu.vector_load %arg9[%parallel_loop3A_409, %parallel_loop3A_410] {strides = array<i32>} : memref<128x128xf32, #tpu.memory_space<vmem>>, vector<1x16xf32>,
        %parallel_loop3A_412 = vector.shape_cast %parallel_loop3A_411 : vector<1x16xf32> to vector<16xf32>
        %parallel_loop3A_413 = vector.shape_cast %parallel_loop3A_408 : vector<16xf32> to vector<1x16xf32>
        tpu.vector_store %arg9[%parallel_loop3A_409, %parallel_loop3A_410], %parallel_loop3A_413 {add = true, strides = array<i32>} : memref<128x128xf32, #tpu.memory_space<vmem>>, vector<1x16xf32>,
        %parallel_loop3A_414 = arith.index_cast %parallel_loop3A_377 : i32 to index
        %parallel_loop3A_415 = arith.constant 64 : index
        %parallel_loop3A_416 = tpu.vector_load %arg7[%parallel_loop3A_414, %parallel_loop3A_415] {strides = array<i32>} : memref<400x128xf32, #tpu.memory_space<vmem>>, vector<1x16xf32>,
        %parallel_loop3A_417 = vector.shape_cast %parallel_loop3A_416 : vector<1x16xf32> to vector<16xf32>
        %parallel_loop3A_418 = arith.index_cast %parallel_loop3A_376 : i32 to index
        %parallel_loop3A_419 = arith.constant 64 : index
        %parallel_loop3A_420 = tpu.vector_load %arg9[%parallel_loop3A_418, %parallel_loop3A_419] {strides = array<i32>} : memref<128x128xf32, #tpu.memory_space<vmem>>, vector<1x16xf32>,
        %parallel_loop3A_421 = vector.shape_cast %parallel_loop3A_420 : vector<1x16xf32> to vector<16xf32>
        %parallel_loop3A_422 = vector.shape_cast %parallel_loop3A_417 : vector<16xf32> to vector<1x16xf32>
        tpu.vector_store %arg9[%parallel_loop3A_418, %parallel_loop3A_419], %parallel_loop3A_422 {add = true, strides = array<i32>} : memref<128x128xf32, #tpu.memory_space<vmem>>, vector<1x16xf32>,
        %parallel_loop3A_423 = arith.index_cast %parallel_loop3A_377 : i32 to index
        %parallel_loop3A_424 = arith.constant 80 : index
        %parallel_loop3A_425 = tpu.vector_load %arg7[%parallel_loop3A_423, %parallel_loop3A_424] {strides = array<i32>} : memref<400x128xf32, #tpu.memory_space<vmem>>, vector<1x16xf32>,
        %parallel_loop3A_426 = vector.shape_cast %parallel_loop3A_425 : vector<1x16xf32> to vector<16xf32>
        %parallel_loop3A_427 = arith.index_cast %parallel_loop3A_376 : i32 to index
        %parallel_loop3A_428 = arith.constant 80 : index
        %parallel_loop3A_429 = tpu.vector_load %arg9[%parallel_loop3A_427, %parallel_loop3A_428] {strides = array<i32>} : memref<128x128xf32, #tpu.memory_space<vmem>>, vector<1x16xf32>,
        %parallel_loop3A_430 = vector.shape_cast %parallel_loop3A_429 : vector<1x16xf32> to vector<16xf32>
        %parallel_loop3A_431 = vector.shape_cast %parallel_loop3A_426 : vector<16xf32> to vector<1x16xf32>
        tpu.vector_store %arg9[%parallel_loop3A_427, %parallel_loop3A_428], %parallel_loop3A_431 {add = true, strides = array<i32>} : memref<128x128xf32, #tpu.memory_space<vmem>>, vector<1x16xf32>,
        %parallel_loop3A_432 = arith.index_cast %parallel_loop3A_377 : i32 to index
        %parallel_loop3A_433 = arith.constant 96 : index
        %parallel_loop3A_434 = tpu.vector_load %arg7[%parallel_loop3A_432, %parallel_loop3A_433] {strides = array<i32>} : memref<400x128xf32, #tpu.memory_space<vmem>>, vector<1x16xf32>,
        %parallel_loop3A_435 = vector.shape_cast %parallel_loop3A_434 : vector<1x16xf32> to vector<16xf32>
        %parallel_loop3A_436 = arith.index_cast %parallel_loop3A_376 : i32 to index
        %parallel_loop3A_437 = arith.constant 96 : index
        %parallel_loop3A_438 = tpu.vector_load %arg9[%parallel_loop3A_436, %parallel_loop3A_437] {strides = array<i32>} : memref<128x128xf32, #tpu.memory_space<vmem>>, vector<1x16xf32>,
        %parallel_loop3A_439 = vector.shape_cast %parallel_loop3A_438 : vector<1x16xf32> to vector<16xf32>
        %parallel_loop3A_440 = vector.shape_cast %parallel_loop3A_435 : vector<16xf32> to vector<1x16xf32>
        tpu.vector_store %arg9[%parallel_loop3A_436, %parallel_loop3A_437], %parallel_loop3A_440 {add = true, strides = array<i32>} : memref<128x128xf32, #tpu.memory_space<vmem>>, vector<1x16xf32>,
        %parallel_loop3A_441 = arith.index_cast %parallel_loop3A_377 : i32 to index
        %parallel_loop3A_442 = arith.constant 112 : index
        %parallel_loop3A_443 = tpu.vector_load %arg7[%parallel_loop3A_441, %parallel_loop3A_442] {strides = array<i32>} : memref<400x128xf32, #tpu.memory_space<vmem>>, vector<1x16xf32>,
        %parallel_loop3A_444 = vector.shape_cast %parallel_loop3A_443 : vector<1x16xf32> to vector<16xf32>
        %parallel_loop3A_445 = arith.index_cast %parallel_loop3A_376 : i32 to index
        %parallel_loop3A_446 = arith.constant 112 : index
        %parallel_loop3A_447 = tpu.vector_load %arg9[%parallel_loop3A_445, %parallel_loop3A_446] {strides = array<i32>} : memref<128x128xf32, #tpu.memory_space<vmem>>, vector<1x16xf32>,
        %parallel_loop3A_448 = vector.shape_cast %parallel_loop3A_447 : vector<1x16xf32> to vector<16xf32>
        %parallel_loop3A_449 = vector.shape_cast %parallel_loop3A_444 : vector<16xf32> to vector<1x16xf32>
        tpu.vector_store %arg9[%parallel_loop3A_445, %parallel_loop3A_446], %parallel_loop3A_449 {add = true, strides = array<i32>} : memref<128x128xf32, #tpu.memory_space<vmem>>, vector<1x16xf32>,
      } {sc.loop_unroll_factor = 4 : i64, sc.parallel_access}
      %mul3A_216 = arith.constant 128 : i32
      %mul3A_217 = arith.muli %add3A_202, %mul3A_216 : i32
      %add3A_218 = arith.addi %mul3A_2, %mul3A_217 : i32
      %dma_start3A_219 = arith.constant 0 : i32
      %dma_start3A_220 = tpu.memref_slice %arg5[%add3A_218, %dma_start3A_219] : memref<204800x128xf32, #tpu.memory_space<hbm>> -> memref<128x128xf32, #tpu.memory_space<hbm>>
      %dma_start3A_221 = arith.constant 0 : i32
      %dma_start3A_222 = tpu.memref_slice %arg5[%add3A_218, %dma_start3A_221] : memref<204800x128xf32, #tpu.memory_space<hbm>> -> memref<128x128xf32, #tpu.memory_space<hbm>>
      tpu.enqueue_dma source(%arg9 : memref<128x128xf32, #tpu.memory_space<vmem>>) target(%dma_start3A_222 : memref<128x128xf32, #tpu.memory_space<hbm>>) target_semaphore(%arg17 : memref<!tpu.dma_semaphore, #tpu.memory_space<semaphore_mem>>)
      %sub3A = arith.constant 1 : i32
      %sub3A_223 = arith.subi %add3A_202, %sub3A : i32
      %mul3A_224 = arith.constant 128 : i32
      %mul3A_225 = arith.muli %sub3A_223, %mul3A_224 : i32
      %add3A_226 = arith.addi %mul3A_2, %mul3A_225 : i32
      %dma_wait3A_227 = arith.constant 0 : i32
      %dma_wait3A_228 = tpu.memref_slice %arg5[%add3A_226, %dma_wait3A_227] : memref<204800x128xf32, #tpu.memory_space<hbm>> -> memref<128x128xf32, #tpu.memory_space<hbm>>
      %dma_wait3A_229 = arith.constant 0 : i32
      %dma_wait3A_230 = tpu.memref_slice %arg5[%add3A_226, %dma_wait3A_229] : memref<204800x128xf32, #tpu.memory_space<hbm>> -> memref<128x128xf32, #tpu.memory_space<hbm>>
      tpu.wait_dma2 semaphore(%arg16 : memref<!tpu.dma_semaphore, #tpu.memory_space<semaphore_mem>>) src(%arg8 : memref<128x128xf32, #tpu.memory_space<vmem>>) dst(%dma_wait3A_230 : memref<128x128xf32, #tpu.memory_space<hbm>>)
      %add3A_231 = arith.constant 4 : i32
      %add3A_232 = arith.addi %add3A_202, %add3A_231 : i32
      %sub3A_233 = arith.constant 1 : i32
      %sub3A_234 = arith.subi %add3A_232, %sub3A_233 : i32
      %mul3A_235 = arith.constant 128 : i32
      %mul3A_236 = arith.muli %sub3A_234, %mul3A_235 : i32
      %dma_start3A_237 = tpu.memref_slice %arg6[%mul3A_236] : memref<6400xi32, #tpu.memory_space<vmem>> -> memref<128xi32, #tpu.memory_space<vmem>>
      %dma_start3A_238 = arith.constant 0 : i32
      %dma_start3A_239 = arith.constant 0 : i32
      %dma_start3A_240 = tpu.memref_slice %arg3[%dma_start3A_238, %dma_start3A_239] : memref<100000x128xf32, #tpu.memory_space<hbm>> -> memref<100000x128xf32, #tpu.memory_space<hbm>>
      tpu.enqueue_indirect_dma source(%dma_start3A_240 : memref<100000x128xf32, #tpu.memory_space<hbm>>) target(%arg8 : memref<128x128xf32, #tpu.memory_space<vmem>>) offsets(%dma_start3A_237 : memref<128xi32, #tpu.memory_space<vmem>>) semaphore(%arg12 : memref<!tpu.dma_semaphore, #tpu.memory_space<semaphore_mem>>)
      %mul3A_241 = arith.constant 4 : i32
      %mul3A_242 = arith.muli %scan3A_196, %mul3A_241 : i32
      %add3A_243 = arith.constant 1 : i32
      %add3A_244 = arith.addi %add3A_243, %mul3A_242 : i32
      %add3A_245 = arith.constant 1 : i32
      %add3A_246 = arith.addi %add3A_244, %add3A_245 : i32
      %mul3A_247 = arith.constant 128 : i32
      %mul3A_248 = arith.muli %add3A_246, %mul3A_247 : i32
      %dma_wait3A_249 = tpu.memref_slice %arg6[%mul3A_248] : memref<6400xi32, #tpu.memory_space<vmem>> -> memref<128xi32, #tpu.memory_space<vmem>>
      %dma_wait3A_250 = arith.constant 0 : i32
      %dma_wait3A_251 = arith.constant 0 : i32
      %dma_wait3A_252 = tpu.memref_slice %arg3[%dma_wait3A_250, %dma_wait3A_251] : memref<100000x128xf32, #tpu.memory_space<hbm>> -> memref<100000x128xf32, #tpu.memory_space<hbm>>
      tpu.wait_indirect_dma semaphore(%arg14 : memref<!tpu.dma_semaphore, #tpu.memory_space<semaphore_mem>>) src(%dma_wait3A_252 : memref<100000x128xf32, #tpu.memory_space<hbm>>) dst(%arg10 : memref<128x128xf32, #tpu.memory_space<vmem>>)
      %mul3A_253 = arith.constant 128 : i32
      %mul3A_254 = arith.muli %add3A_246, %mul3A_253 : i32
      %rem3A_255 = arith.constant 200 : i32
      %rem3A_256 = arith.remsi %mul3A_254, %rem3A_255 : i32
      %parallel_loop3A_257 = arith.constant 0 : i32
      %parallel_loop3A_258 = arith.constant 128 : i32
      %parallel_loop3A_259 = arith.constant 1 : i32
      scf.for %parallel_loop3A_376 = %parallel_loop3A_257 to %parallel_loop3A_258 step %parallel_loop3A_259  : i32 {
        %parallel_loop3A_377 = arith.addi %rem3A_256, %parallel_loop3A_376 : i32
        %parallel_loop3A_378 = arith.index_cast %parallel_loop3A_377 : i32 to index
        %parallel_loop3A_379 = arith.constant 0 : index
        %parallel_loop3A_380 = tpu.vector_load %arg7[%parallel_loop3A_378, %parallel_loop3A_379] {strides = array<i32>} : memref<400x128xf32, #tpu.memory_space<vmem>>, vector<1x16xf32>,
        %parallel_loop3A_381 = vector.shape_cast %parallel_loop3A_380 : vector<1x16xf32> to vector<16xf32>
        %parallel_loop3A_382 = arith.index_cast %parallel_loop3A_376 : i32 to index
        %parallel_loop3A_383 = arith.constant 0 : index
        %parallel_loop3A_384 = tpu.vector_load %arg10[%parallel_loop3A_382, %parallel_loop3A_383] {strides = array<i32>} : memref<128x128xf32, #tpu.memory_space<vmem>>, vector<1x16xf32>,
        %parallel_loop3A_385 = vector.shape_cast %parallel_loop3A_384 : vector<1x16xf32> to vector<16xf32>
        %parallel_loop3A_386 = vector.shape_cast %parallel_loop3A_381 : vector<16xf32> to vector<1x16xf32>
        tpu.vector_store %arg10[%parallel_loop3A_382, %parallel_loop3A_383], %parallel_loop3A_386 {add = true, strides = array<i32>} : memref<128x128xf32, #tpu.memory_space<vmem>>, vector<1x16xf32>,
        %parallel_loop3A_387 = arith.index_cast %parallel_loop3A_377 : i32 to index
        %parallel_loop3A_388 = arith.constant 16 : index
        %parallel_loop3A_389 = tpu.vector_load %arg7[%parallel_loop3A_387, %parallel_loop3A_388] {strides = array<i32>} : memref<400x128xf32, #tpu.memory_space<vmem>>, vector<1x16xf32>,
        %parallel_loop3A_390 = vector.shape_cast %parallel_loop3A_389 : vector<1x16xf32> to vector<16xf32>
        %parallel_loop3A_391 = arith.index_cast %parallel_loop3A_376 : i32 to index
        %parallel_loop3A_392 = arith.constant 16 : index
        %parallel_loop3A_393 = tpu.vector_load %arg10[%parallel_loop3A_391, %parallel_loop3A_392] {strides = array<i32>} : memref<128x128xf32, #tpu.memory_space<vmem>>, vector<1x16xf32>,
        %parallel_loop3A_394 = vector.shape_cast %parallel_loop3A_393 : vector<1x16xf32> to vector<16xf32>
        %parallel_loop3A_395 = vector.shape_cast %parallel_loop3A_390 : vector<16xf32> to vector<1x16xf32>
        tpu.vector_store %arg10[%parallel_loop3A_391, %parallel_loop3A_392], %parallel_loop3A_395 {add = true, strides = array<i32>} : memref<128x128xf32, #tpu.memory_space<vmem>>, vector<1x16xf32>,
        %parallel_loop3A_396 = arith.index_cast %parallel_loop3A_377 : i32 to index
        %parallel_loop3A_397 = arith.constant 32 : index
        %parallel_loop3A_398 = tpu.vector_load %arg7[%parallel_loop3A_396, %parallel_loop3A_397] {strides = array<i32>} : memref<400x128xf32, #tpu.memory_space<vmem>>, vector<1x16xf32>,
        %parallel_loop3A_399 = vector.shape_cast %parallel_loop3A_398 : vector<1x16xf32> to vector<16xf32>
        %parallel_loop3A_400 = arith.index_cast %parallel_loop3A_376 : i32 to index
        %parallel_loop3A_401 = arith.constant 32 : index
        %parallel_loop3A_402 = tpu.vector_load %arg10[%parallel_loop3A_400, %parallel_loop3A_401] {strides = array<i32>} : memref<128x128xf32, #tpu.memory_space<vmem>>, vector<1x16xf32>,
        %parallel_loop3A_403 = vector.shape_cast %parallel_loop3A_402 : vector<1x16xf32> to vector<16xf32>
        %parallel_loop3A_404 = vector.shape_cast %parallel_loop3A_399 : vector<16xf32> to vector<1x16xf32>
        tpu.vector_store %arg10[%parallel_loop3A_400, %parallel_loop3A_401], %parallel_loop3A_404 {add = true, strides = array<i32>} : memref<128x128xf32, #tpu.memory_space<vmem>>, vector<1x16xf32>,
        %parallel_loop3A_405 = arith.index_cast %parallel_loop3A_377 : i32 to index
        %parallel_loop3A_406 = arith.constant 48 : index
        %parallel_loop3A_407 = tpu.vector_load %arg7[%parallel_loop3A_405, %parallel_loop3A_406] {strides = array<i32>} : memref<400x128xf32, #tpu.memory_space<vmem>>, vector<1x16xf32>,
        %parallel_loop3A_408 = vector.shape_cast %parallel_loop3A_407 : vector<1x16xf32> to vector<16xf32>
        %parallel_loop3A_409 = arith.index_cast %parallel_loop3A_376 : i32 to index
        %parallel_loop3A_410 = arith.constant 48 : index
        %parallel_loop3A_411 = tpu.vector_load %arg10[%parallel_loop3A_409, %parallel_loop3A_410] {strides = array<i32>} : memref<128x128xf32, #tpu.memory_space<vmem>>, vector<1x16xf32>,
        %parallel_loop3A_412 = vector.shape_cast %parallel_loop3A_411 : vector<1x16xf32> to vector<16xf32>
        %parallel_loop3A_413 = vector.shape_cast %parallel_loop3A_408 : vector<16xf32> to vector<1x16xf32>
        tpu.vector_store %arg10[%parallel_loop3A_409, %parallel_loop3A_410], %parallel_loop3A_413 {add = true, strides = array<i32>} : memref<128x128xf32, #tpu.memory_space<vmem>>, vector<1x16xf32>,
        %parallel_loop3A_414 = arith.index_cast %parallel_loop3A_377 : i32 to index
        %parallel_loop3A_415 = arith.constant 64 : index
        %parallel_loop3A_416 = tpu.vector_load %arg7[%parallel_loop3A_414, %parallel_loop3A_415] {strides = array<i32>} : memref<400x128xf32, #tpu.memory_space<vmem>>, vector<1x16xf32>,
        %parallel_loop3A_417 = vector.shape_cast %parallel_loop3A_416 : vector<1x16xf32> to vector<16xf32>
        %parallel_loop3A_418 = arith.index_cast %parallel_loop3A_376 : i32 to index
        %parallel_loop3A_419 = arith.constant 64 : index
        %parallel_loop3A_420 = tpu.vector_load %arg10[%parallel_loop3A_418, %parallel_loop3A_419] {strides = array<i32>} : memref<128x128xf32, #tpu.memory_space<vmem>>, vector<1x16xf32>,
        %parallel_loop3A_421 = vector.shape_cast %parallel_loop3A_420 : vector<1x16xf32> to vector<16xf32>
        %parallel_loop3A_422 = vector.shape_cast %parallel_loop3A_417 : vector<16xf32> to vector<1x16xf32>
        tpu.vector_store %arg10[%parallel_loop3A_418, %parallel_loop3A_419], %parallel_loop3A_422 {add = true, strides = array<i32>} : memref<128x128xf32, #tpu.memory_space<vmem>>, vector<1x16xf32>,
        %parallel_loop3A_423 = arith.index_cast %parallel_loop3A_377 : i32 to index
        %parallel_loop3A_424 = arith.constant 80 : index
        %parallel_loop3A_425 = tpu.vector_load %arg7[%parallel_loop3A_423, %parallel_loop3A_424] {strides = array<i32>} : memref<400x128xf32, #tpu.memory_space<vmem>>, vector<1x16xf32>,
        %parallel_loop3A_426 = vector.shape_cast %parallel_loop3A_425 : vector<1x16xf32> to vector<16xf32>
        %parallel_loop3A_427 = arith.index_cast %parallel_loop3A_376 : i32 to index
        %parallel_loop3A_428 = arith.constant 80 : index
        %parallel_loop3A_429 = tpu.vector_load %arg10[%parallel_loop3A_427, %parallel_loop3A_428] {strides = array<i32>} : memref<128x128xf32, #tpu.memory_space<vmem>>, vector<1x16xf32>,
        %parallel_loop3A_430 = vector.shape_cast %parallel_loop3A_429 : vector<1x16xf32> to vector<16xf32>
        %parallel_loop3A_431 = vector.shape_cast %parallel_loop3A_426 : vector<16xf32> to vector<1x16xf32>
        tpu.vector_store %arg10[%parallel_loop3A_427, %parallel_loop3A_428], %parallel_loop3A_431 {add = true, strides = array<i32>} : memref<128x128xf32, #tpu.memory_space<vmem>>, vector<1x16xf32>,
        %parallel_loop3A_432 = arith.index_cast %parallel_loop3A_377 : i32 to index
        %parallel_loop3A_433 = arith.constant 96 : index
        %parallel_loop3A_434 = tpu.vector_load %arg7[%parallel_loop3A_432, %parallel_loop3A_433] {strides = array<i32>} : memref<400x128xf32, #tpu.memory_space<vmem>>, vector<1x16xf32>,
        %parallel_loop3A_435 = vector.shape_cast %parallel_loop3A_434 : vector<1x16xf32> to vector<16xf32>
        %parallel_loop3A_436 = arith.index_cast %parallel_loop3A_376 : i32 to index
        %parallel_loop3A_437 = arith.constant 96 : index
        %parallel_loop3A_438 = tpu.vector_load %arg10[%parallel_loop3A_436, %parallel_loop3A_437] {strides = array<i32>} : memref<128x128xf32, #tpu.memory_space<vmem>>, vector<1x16xf32>,
        %parallel_loop3A_439 = vector.shape_cast %parallel_loop3A_438 : vector<1x16xf32> to vector<16xf32>
        %parallel_loop3A_440 = vector.shape_cast %parallel_loop3A_435 : vector<16xf32> to vector<1x16xf32>
        tpu.vector_store %arg10[%parallel_loop3A_436, %parallel_loop3A_437], %parallel_loop3A_440 {add = true, strides = array<i32>} : memref<128x128xf32, #tpu.memory_space<vmem>>, vector<1x16xf32>,
        %parallel_loop3A_441 = arith.index_cast %parallel_loop3A_377 : i32 to index
        %parallel_loop3A_442 = arith.constant 112 : index
        %parallel_loop3A_443 = tpu.vector_load %arg7[%parallel_loop3A_441, %parallel_loop3A_442] {strides = array<i32>} : memref<400x128xf32, #tpu.memory_space<vmem>>, vector<1x16xf32>,
        %parallel_loop3A_444 = vector.shape_cast %parallel_loop3A_443 : vector<1x16xf32> to vector<16xf32>
        %parallel_loop3A_445 = arith.index_cast %parallel_loop3A_376 : i32 to index
        %parallel_loop3A_446 = arith.constant 112 : index
        %parallel_loop3A_447 = tpu.vector_load %arg10[%parallel_loop3A_445, %parallel_loop3A_446] {strides = array<i32>} : memref<128x128xf32, #tpu.memory_space<vmem>>, vector<1x16xf32>,
        %parallel_loop3A_448 = vector.shape_cast %parallel_loop3A_447 : vector<1x16xf32> to vector<16xf32>
        %parallel_loop3A_449 = vector.shape_cast %parallel_loop3A_444 : vector<16xf32> to vector<1x16xf32>
        tpu.vector_store %arg10[%parallel_loop3A_445, %parallel_loop3A_446], %parallel_loop3A_449 {add = true, strides = array<i32>} : memref<128x128xf32, #tpu.memory_space<vmem>>, vector<1x16xf32>,
      } {sc.loop_unroll_factor = 4 : i64, sc.parallel_access}
      %mul3A_260 = arith.constant 128 : i32
      %mul3A_261 = arith.muli %add3A_246, %mul3A_260 : i32
      %add3A_262 = arith.addi %mul3A_2, %mul3A_261 : i32
      %dma_start3A_263 = arith.constant 0 : i32
      %dma_start3A_264 = tpu.memref_slice %arg5[%add3A_262, %dma_start3A_263] : memref<204800x128xf32, #tpu.memory_space<hbm>> -> memref<128x128xf32, #tpu.memory_space<hbm>>
      %dma_start3A_265 = arith.constant 0 : i32
      %dma_start3A_266 = tpu.memref_slice %arg5[%add3A_262, %dma_start3A_265] : memref<204800x128xf32, #tpu.memory_space<hbm>> -> memref<128x128xf32, #tpu.memory_space<hbm>>
      tpu.enqueue_dma source(%arg10 : memref<128x128xf32, #tpu.memory_space<vmem>>) target(%dma_start3A_266 : memref<128x128xf32, #tpu.memory_space<hbm>>) target_semaphore(%arg18 : memref<!tpu.dma_semaphore, #tpu.memory_space<semaphore_mem>>)
      %sub3A_267 = arith.constant 1 : i32
      %sub3A_268 = arith.subi %add3A_246, %sub3A_267 : i32
      %mul3A_269 = arith.constant 128 : i32
      %mul3A_270 = arith.muli %sub3A_268, %mul3A_269 : i32
      %add3A_271 = arith.addi %mul3A_2, %mul3A_270 : i32
      %dma_wait3A_272 = arith.constant 0 : i32
      %dma_wait3A_273 = tpu.memref_slice %arg5[%add3A_271, %dma_wait3A_272] : memref<204800x128xf32, #tpu.memory_space<hbm>> -> memref<128x128xf32, #tpu.memory_space<hbm>>
      %dma_wait3A_274 = arith.constant 0 : i32
      %dma_wait3A_275 = tpu.memref_slice %arg5[%add3A_271, %dma_wait3A_274] : memref<204800x128xf32, #tpu.memory_space<hbm>> -> memref<128x128xf32, #tpu.memory_space<hbm>>
      tpu.wait_dma2 semaphore(%arg17 : memref<!tpu.dma_semaphore, #tpu.memory_space<semaphore_mem>>) src(%arg9 : memref<128x128xf32, #tpu.memory_space<vmem>>) dst(%dma_wait3A_275 : memref<128x128xf32, #tpu.memory_space<hbm>>)
      %add3A_276 = arith.constant 4 : i32
      %add3A_277 = arith.addi %add3A_246, %add3A_276 : i32
      %sub3A_278 = arith.constant 1 : i32
      %sub3A_279 = arith.subi %add3A_277, %sub3A_278 : i32
      %mul3A_280 = arith.constant 128 : i32
      %mul3A_281 = arith.muli %sub3A_279, %mul3A_280 : i32
      %dma_start3A_282 = tpu.memref_slice %arg6[%mul3A_281] : memref<6400xi32, #tpu.memory_space<vmem>> -> memref<128xi32, #tpu.memory_space<vmem>>
      %dma_start3A_283 = arith.constant 0 : i32
      %dma_start3A_284 = arith.constant 0 : i32
      %dma_start3A_285 = tpu.memref_slice %arg3[%dma_start3A_283, %dma_start3A_284] : memref<100000x128xf32, #tpu.memory_space<hbm>> -> memref<100000x128xf32, #tpu.memory_space<hbm>>
      tpu.enqueue_indirect_dma source(%dma_start3A_285 : memref<100000x128xf32, #tpu.memory_space<hbm>>) target(%arg9 : memref<128x128xf32, #tpu.memory_space<vmem>>) offsets(%dma_start3A_282 : memref<128xi32, #tpu.memory_space<vmem>>) semaphore(%arg13 : memref<!tpu.dma_semaphore, #tpu.memory_space<semaphore_mem>>)
      %mul3A_286 = arith.constant 4 : i32
      %mul3A_287 = arith.muli %scan3A_196, %mul3A_286 : i32
      %add3A_288 = arith.constant 1 : i32
      %add3A_289 = arith.addi %add3A_288, %mul3A_287 : i32
      %add3A_290 = arith.constant 2 : i32
      %add3A_291 = arith.addi %add3A_289, %add3A_290 : i32
      %mul3A_292 = arith.constant 128 : i32
      %mul3A_293 = arith.muli %add3A_291, %mul3A_292 : i32
      %dma_wait3A_294 = tpu.memref_slice %arg6[%mul3A_293] : memref<6400xi32, #tpu.memory_space<vmem>> -> memref<128xi32, #tpu.memory_space<vmem>>
      %dma_wait3A_295 = arith.constant 0 : i32
      %dma_wait3A_296 = arith.constant 0 : i32
      %dma_wait3A_297 = tpu.memref_slice %arg3[%dma_wait3A_295, %dma_wait3A_296] : memref<100000x128xf32, #tpu.memory_space<hbm>> -> memref<100000x128xf32, #tpu.memory_space<hbm>>
      tpu.wait_indirect_dma semaphore(%arg15 : memref<!tpu.dma_semaphore, #tpu.memory_space<semaphore_mem>>) src(%dma_wait3A_297 : memref<100000x128xf32, #tpu.memory_space<hbm>>) dst(%arg11 : memref<128x128xf32, #tpu.memory_space<vmem>>)
      %mul3A_298 = arith.constant 128 : i32
      %mul3A_299 = arith.muli %add3A_291, %mul3A_298 : i32
      %rem3A_300 = arith.constant 200 : i32
      %rem3A_301 = arith.remsi %mul3A_299, %rem3A_300 : i32
      %parallel_loop3A_302 = arith.constant 0 : i32
      %parallel_loop3A_303 = arith.constant 128 : i32
      %parallel_loop3A_304 = arith.constant 1 : i32
      scf.for %parallel_loop3A_376 = %parallel_loop3A_302 to %parallel_loop3A_303 step %parallel_loop3A_304  : i32 {
        %parallel_loop3A_377 = arith.addi %rem3A_301, %parallel_loop3A_376 : i32
        %parallel_loop3A_378 = arith.index_cast %parallel_loop3A_377 : i32 to index
        %parallel_loop3A_379 = arith.constant 0 : index
        %parallel_loop3A_380 = tpu.vector_load %arg7[%parallel_loop3A_378, %parallel_loop3A_379] {strides = array<i32>} : memref<400x128xf32, #tpu.memory_space<vmem>>, vector<1x16xf32>,
        %parallel_loop3A_381 = vector.shape_cast %parallel_loop3A_380 : vector<1x16xf32> to vector<16xf32>
        %parallel_loop3A_382 = arith.index_cast %parallel_loop3A_376 : i32 to index
        %parallel_loop3A_383 = arith.constant 0 : index
        %parallel_loop3A_384 = tpu.vector_load %arg11[%parallel_loop3A_382, %parallel_loop3A_383] {strides = array<i32>} : memref<128x128xf32, #tpu.memory_space<vmem>>, vector<1x16xf32>,
        %parallel_loop3A_385 = vector.shape_cast %parallel_loop3A_384 : vector<1x16xf32> to vector<16xf32>
        %parallel_loop3A_386 = vector.shape_cast %parallel_loop3A_381 : vector<16xf32> to vector<1x16xf32>
        tpu.vector_store %arg11[%parallel_loop3A_382, %parallel_loop3A_383], %parallel_loop3A_386 {add = true, strides = array<i32>} : memref<128x128xf32, #tpu.memory_space<vmem>>, vector<1x16xf32>,
        %parallel_loop3A_387 = arith.index_cast %parallel_loop3A_377 : i32 to index
        %parallel_loop3A_388 = arith.constant 16 : index
        %parallel_loop3A_389 = tpu.vector_load %arg7[%parallel_loop3A_387, %parallel_loop3A_388] {strides = array<i32>} : memref<400x128xf32, #tpu.memory_space<vmem>>, vector<1x16xf32>,
        %parallel_loop3A_390 = vector.shape_cast %parallel_loop3A_389 : vector<1x16xf32> to vector<16xf32>
        %parallel_loop3A_391 = arith.index_cast %parallel_loop3A_376 : i32 to index
        %parallel_loop3A_392 = arith.constant 16 : index
        %parallel_loop3A_393 = tpu.vector_load %arg11[%parallel_loop3A_391, %parallel_loop3A_392] {strides = array<i32>} : memref<128x128xf32, #tpu.memory_space<vmem>>, vector<1x16xf32>,
        %parallel_loop3A_394 = vector.shape_cast %parallel_loop3A_393 : vector<1x16xf32> to vector<16xf32>
        %parallel_loop3A_395 = vector.shape_cast %parallel_loop3A_390 : vector<16xf32> to vector<1x16xf32>
        tpu.vector_store %arg11[%parallel_loop3A_391, %parallel_loop3A_392], %parallel_loop3A_395 {add = true, strides = array<i32>} : memref<128x128xf32, #tpu.memory_space<vmem>>, vector<1x16xf32>,
        %parallel_loop3A_396 = arith.index_cast %parallel_loop3A_377 : i32 to index
        %parallel_loop3A_397 = arith.constant 32 : index
        %parallel_loop3A_398 = tpu.vector_load %arg7[%parallel_loop3A_396, %parallel_loop3A_397] {strides = array<i32>} : memref<400x128xf32, #tpu.memory_space<vmem>>, vector<1x16xf32>,
        %parallel_loop3A_399 = vector.shape_cast %parallel_loop3A_398 : vector<1x16xf32> to vector<16xf32>
        %parallel_loop3A_400 = arith.index_cast %parallel_loop3A_376 : i32 to index
        %parallel_loop3A_401 = arith.constant 32 : index
        %parallel_loop3A_402 = tpu.vector_load %arg11[%parallel_loop3A_400, %parallel_loop3A_401] {strides = array<i32>} : memref<128x128xf32, #tpu.memory_space<vmem>>, vector<1x16xf32>,
        %parallel_loop3A_403 = vector.shape_cast %parallel_loop3A_402 : vector<1x16xf32> to vector<16xf32>
        %parallel_loop3A_404 = vector.shape_cast %parallel_loop3A_399 : vector<16xf32> to vector<1x16xf32>
        tpu.vector_store %arg11[%parallel_loop3A_400, %parallel_loop3A_401], %parallel_loop3A_404 {add = true, strides = array<i32>} : memref<128x128xf32, #tpu.memory_space<vmem>>, vector<1x16xf32>,
        %parallel_loop3A_405 = arith.index_cast %parallel_loop3A_377 : i32 to index
        %parallel_loop3A_406 = arith.constant 48 : index
        %parallel_loop3A_407 = tpu.vector_load %arg7[%parallel_loop3A_405, %parallel_loop3A_406] {strides = array<i32>} : memref<400x128xf32, #tpu.memory_space<vmem>>, vector<1x16xf32>,
        %parallel_loop3A_408 = vector.shape_cast %parallel_loop3A_407 : vector<1x16xf32> to vector<16xf32>
        %parallel_loop3A_409 = arith.index_cast %parallel_loop3A_376 : i32 to index
        %parallel_loop3A_410 = arith.constant 48 : index
        %parallel_loop3A_411 = tpu.vector_load %arg11[%parallel_loop3A_409, %parallel_loop3A_410] {strides = array<i32>} : memref<128x128xf32, #tpu.memory_space<vmem>>, vector<1x16xf32>,
        %parallel_loop3A_412 = vector.shape_cast %parallel_loop3A_411 : vector<1x16xf32> to vector<16xf32>
        %parallel_loop3A_413 = vector.shape_cast %parallel_loop3A_408 : vector<16xf32> to vector<1x16xf32>
        tpu.vector_store %arg11[%parallel_loop3A_409, %parallel_loop3A_410], %parallel_loop3A_413 {add = true, strides = array<i32>} : memref<128x128xf32, #tpu.memory_space<vmem>>, vector<1x16xf32>,
        %parallel_loop3A_414 = arith.index_cast %parallel_loop3A_377 : i32 to index
        %parallel_loop3A_415 = arith.constant 64 : index
        %parallel_loop3A_416 = tpu.vector_load %arg7[%parallel_loop3A_414, %parallel_loop3A_415] {strides = array<i32>} : memref<400x128xf32, #tpu.memory_space<vmem>>, vector<1x16xf32>,
        %parallel_loop3A_417 = vector.shape_cast %parallel_loop3A_416 : vector<1x16xf32> to vector<16xf32>
        %parallel_loop3A_418 = arith.index_cast %parallel_loop3A_376 : i32 to index
        %parallel_loop3A_419 = arith.constant 64 : index
        %parallel_loop3A_420 = tpu.vector_load %arg11[%parallel_loop3A_418, %parallel_loop3A_419] {strides = array<i32>} : memref<128x128xf32, #tpu.memory_space<vmem>>, vector<1x16xf32>,
        %parallel_loop3A_421 = vector.shape_cast %parallel_loop3A_420 : vector<1x16xf32> to vector<16xf32>
        %parallel_loop3A_422 = vector.shape_cast %parallel_loop3A_417 : vector<16xf32> to vector<1x16xf32>
        tpu.vector_store %arg11[%parallel_loop3A_418, %parallel_loop3A_419], %parallel_loop3A_422 {add = true, strides = array<i32>} : memref<128x128xf32, #tpu.memory_space<vmem>>, vector<1x16xf32>,
        %parallel_loop3A_423 = arith.index_cast %parallel_loop3A_377 : i32 to index
        %parallel_loop3A_424 = arith.constant 80 : index
        %parallel_loop3A_425 = tpu.vector_load %arg7[%parallel_loop3A_423, %parallel_loop3A_424] {strides = array<i32>} : memref<400x128xf32, #tpu.memory_space<vmem>>, vector<1x16xf32>,
        %parallel_loop3A_426 = vector.shape_cast %parallel_loop3A_425 : vector<1x16xf32> to vector<16xf32>
        %parallel_loop3A_427 = arith.index_cast %parallel_loop3A_376 : i32 to index
        %parallel_loop3A_428 = arith.constant 80 : index
        %parallel_loop3A_429 = tpu.vector_load %arg11[%parallel_loop3A_427, %parallel_loop3A_428] {strides = array<i32>} : memref<128x128xf32, #tpu.memory_space<vmem>>, vector<1x16xf32>,
        %parallel_loop3A_430 = vector.shape_cast %parallel_loop3A_429 : vector<1x16xf32> to vector<16xf32>
        %parallel_loop3A_431 = vector.shape_cast %parallel_loop3A_426 : vector<16xf32> to vector<1x16xf32>
        tpu.vector_store %arg11[%parallel_loop3A_427, %parallel_loop3A_428], %parallel_loop3A_431 {add = true, strides = array<i32>} : memref<128x128xf32, #tpu.memory_space<vmem>>, vector<1x16xf32>,
        %parallel_loop3A_432 = arith.index_cast %parallel_loop3A_377 : i32 to index
        %parallel_loop3A_433 = arith.constant 96 : index
        %parallel_loop3A_434 = tpu.vector_load %arg7[%parallel_loop3A_432, %parallel_loop3A_433] {strides = array<i32>} : memref<400x128xf32, #tpu.memory_space<vmem>>, vector<1x16xf32>,
        %parallel_loop3A_435 = vector.shape_cast %parallel_loop3A_434 : vector<1x16xf32> to vector<16xf32>
        %parallel_loop3A_436 = arith.index_cast %parallel_loop3A_376 : i32 to index
        %parallel_loop3A_437 = arith.constant 96 : index
        %parallel_loop3A_438 = tpu.vector_load %arg11[%parallel_loop3A_436, %parallel_loop3A_437] {strides = array<i32>} : memref<128x128xf32, #tpu.memory_space<vmem>>, vector<1x16xf32>,
        %parallel_loop3A_439 = vector.shape_cast %parallel_loop3A_438 : vector<1x16xf32> to vector<16xf32>
        %parallel_loop3A_440 = vector.shape_cast %parallel_loop3A_435 : vector<16xf32> to vector<1x16xf32>
        tpu.vector_store %arg11[%parallel_loop3A_436, %parallel_loop3A_437], %parallel_loop3A_440 {add = true, strides = array<i32>} : memref<128x128xf32, #tpu.memory_space<vmem>>, vector<1x16xf32>,
        %parallel_loop3A_441 = arith.index_cast %parallel_loop3A_377 : i32 to index
        %parallel_loop3A_442 = arith.constant 112 : index
        %parallel_loop3A_443 = tpu.vector_load %arg7[%parallel_loop3A_441, %parallel_loop3A_442] {strides = array<i32>} : memref<400x128xf32, #tpu.memory_space<vmem>>, vector<1x16xf32>,
        %parallel_loop3A_444 = vector.shape_cast %parallel_loop3A_443 : vector<1x16xf32> to vector<16xf32>
        %parallel_loop3A_445 = arith.index_cast %parallel_loop3A_376 : i32 to index
        %parallel_loop3A_446 = arith.constant 112 : index
        %parallel_loop3A_447 = tpu.vector_load %arg11[%parallel_loop3A_445, %parallel_loop3A_446] {strides = array<i32>} : memref<128x128xf32, #tpu.memory_space<vmem>>, vector<1x16xf32>,
        %parallel_loop3A_448 = vector.shape_cast %parallel_loop3A_447 : vector<1x16xf32> to vector<16xf32>
        %parallel_loop3A_449 = vector.shape_cast %parallel_loop3A_444 : vector<16xf32> to vector<1x16xf32>
        tpu.vector_store %arg11[%parallel_loop3A_445, %parallel_loop3A_446], %parallel_loop3A_449 {add = true, strides = array<i32>} : memref<128x128xf32, #tpu.memory_space<vmem>>, vector<1x16xf32>,
      } {sc.loop_unroll_factor = 4 : i64, sc.parallel_access}
      %mul3A_305 = arith.constant 128 : i32
      %mul3A_306 = arith.muli %add3A_291, %mul3A_305 : i32
      %add3A_307 = arith.addi %mul3A_2, %mul3A_306 : i32
      %dma_start3A_308 = arith.constant 0 : i32
      %dma_start3A_309 = tpu.memref_slice %arg5[%add3A_307, %dma_start3A_308] : memref<204800x128xf32, #tpu.memory_space<hbm>> -> memref<128x128xf32, #tpu.memory_space<hbm>>
      %dma_start3A_310 = arith.constant 0 : i32
      %dma_start3A_311 = tpu.memref_slice %arg5[%add3A_307, %dma_start3A_310] : memref<204800x128xf32, #tpu.memory_space<hbm>> -> memref<128x128xf32, #tpu.memory_space<hbm>>
      tpu.enqueue_dma source(%arg11 : memref<128x128xf32, #tpu.memory_space<vmem>>) target(%dma_start3A_311 : memref<128x128xf32, #tpu.memory_space<hbm>>) target_semaphore(%arg19 : memref<!tpu.dma_semaphore, #tpu.memory_space<semaphore_mem>>)
      %sub3A_312 = arith.constant 1 : i32
      %sub3A_313 = arith.subi %add3A_291, %sub3A_312 : i32
      %mul3A_314 = arith.constant 128 : i32
      %mul3A_315 = arith.muli %sub3A_313, %mul3A_314 : i32
      %add3A_316 = arith.addi %mul3A_2, %mul3A_315 : i32
      %dma_wait3A_317 = arith.constant 0 : i32
      %dma_wait3A_318 = tpu.memref_slice %arg5[%add3A_316, %dma_wait3A_317] : memref<204800x128xf32, #tpu.memory_space<hbm>> -> memref<128x128xf32, #tpu.memory_space<hbm>>
      %dma_wait3A_319 = arith.constant 0 : i32
      %dma_wait3A_320 = tpu.memref_slice %arg5[%add3A_316, %dma_wait3A_319] : memref<204800x128xf32, #tpu.memory_space<hbm>> -> memref<128x128xf32, #tpu.memory_space<hbm>>
      tpu.wait_dma2 semaphore(%arg18 : memref<!tpu.dma_semaphore, #tpu.memory_space<semaphore_mem>>) src(%arg10 : memref<128x128xf32, #tpu.memory_space<vmem>>) dst(%dma_wait3A_320 : memref<128x128xf32, #tpu.memory_space<hbm>>)
      %add3A_321 = arith.constant 4 : i32
      %add3A_322 = arith.addi %add3A_291, %add3A_321 : i32
      %sub3A_323 = arith.constant 1 : i32
      %sub3A_324 = arith.subi %add3A_322, %sub3A_323 : i32
      %mul3A_325 = arith.constant 128 : i32
      %mul3A_326 = arith.muli %sub3A_324, %mul3A_325 : i32
      %dma_start3A_327 = tpu.memref_slice %arg6[%mul3A_326] : memref<6400xi32, #tpu.memory_space<vmem>> -> memref<128xi32, #tpu.memory_space<vmem>>
      %dma_start3A_328 = arith.constant 0 : i32
      %dma_start3A_329 = arith.constant 0 : i32
      %dma_start3A_330 = tpu.memref_slice %arg3[%dma_start3A_328, %dma_start3A_329] : memref<100000x128xf32, #tpu.memory_space<hbm>> -> memref<100000x128xf32, #tpu.memory_space<hbm>>
      tpu.enqueue_indirect_dma source(%dma_start3A_330 : memref<100000x128xf32, #tpu.memory_space<hbm>>) target(%arg10 : memref<128x128xf32, #tpu.memory_space<vmem>>) offsets(%dma_start3A_327 : memref<128xi32, #tpu.memory_space<vmem>>) semaphore(%arg14 : memref<!tpu.dma_semaphore, #tpu.memory_space<semaphore_mem>>)
      %mul3A_331 = arith.constant 4 : i32
      %mul3A_332 = arith.muli %scan3A_196, %mul3A_331 : i32
      %add3A_333 = arith.constant 1 : i32
      %add3A_334 = arith.addi %add3A_333, %mul3A_332 : i32
      %add3A_335 = arith.constant 3 : i32
      %add3A_336 = arith.addi %add3A_334, %add3A_335 : i32
      %mul3A_337 = arith.constant 128 : i32
      %mul3A_338 = arith.muli %add3A_336, %mul3A_337 : i32
      %dma_wait3A_339 = tpu.memref_slice %arg6[%mul3A_338] : memref<6400xi32, #tpu.memory_space<vmem>> -> memref<128xi32, #tpu.memory_space<vmem>>
      %dma_wait3A_340 = arith.constant 0 : i32
      %dma_wait3A_341 = arith.constant 0 : i32
      %dma_wait3A_342 = tpu.memref_slice %arg3[%dma_wait3A_340, %dma_wait3A_341] : memref<100000x128xf32, #tpu.memory_space<hbm>> -> memref<100000x128xf32, #tpu.memory_space<hbm>>
      tpu.wait_indirect_dma semaphore(%arg12 : memref<!tpu.dma_semaphore, #tpu.memory_space<semaphore_mem>>) src(%dma_wait3A_342 : memref<100000x128xf32, #tpu.memory_space<hbm>>) dst(%arg8 : memref<128x128xf32, #tpu.memory_space<vmem>>)
      %mul3A_343 = arith.constant 128 : i32
      %mul3A_344 = arith.muli %add3A_336, %mul3A_343 : i32
      %rem3A_345 = arith.constant 200 : i32
      %rem3A_346 = arith.remsi %mul3A_344, %rem3A_345 : i32
      %parallel_loop3A_347 = arith.constant 0 : i32
      %parallel_loop3A_348 = arith.constant 128 : i32
      %parallel_loop3A_349 = arith.constant 1 : i32
      scf.for %parallel_loop3A_376 = %parallel_loop3A_347 to %parallel_loop3A_348 step %parallel_loop3A_349  : i32 {
        %parallel_loop3A_377 = arith.addi %rem3A_346, %parallel_loop3A_376 : i32
        %parallel_loop3A_378 = arith.index_cast %parallel_loop3A_377 : i32 to index
        %parallel_loop3A_379 = arith.constant 0 : index
        %parallel_loop3A_380 = tpu.vector_load %arg7[%parallel_loop3A_378, %parallel_loop3A_379] {strides = array<i32>} : memref<400x128xf32, #tpu.memory_space<vmem>>, vector<1x16xf32>,
        %parallel_loop3A_381 = vector.shape_cast %parallel_loop3A_380 : vector<1x16xf32> to vector<16xf32>
        %parallel_loop3A_382 = arith.index_cast %parallel_loop3A_376 : i32 to index
        %parallel_loop3A_383 = arith.constant 0 : index
        %parallel_loop3A_384 = tpu.vector_load %arg8[%parallel_loop3A_382, %parallel_loop3A_383] {strides = array<i32>} : memref<128x128xf32, #tpu.memory_space<vmem>>, vector<1x16xf32>,
        %parallel_loop3A_385 = vector.shape_cast %parallel_loop3A_384 : vector<1x16xf32> to vector<16xf32>
        %parallel_loop3A_386 = vector.shape_cast %parallel_loop3A_381 : vector<16xf32> to vector<1x16xf32>
        tpu.vector_store %arg8[%parallel_loop3A_382, %parallel_loop3A_383], %parallel_loop3A_386 {add = true, strides = array<i32>} : memref<128x128xf32, #tpu.memory_space<vmem>>, vector<1x16xf32>,
        %parallel_loop3A_387 = arith.index_cast %parallel_loop3A_377 : i32 to index
        %parallel_loop3A_388 = arith.constant 16 : index
        %parallel_loop3A_389 = tpu.vector_load %arg7[%parallel_loop3A_387, %parallel_loop3A_388] {strides = array<i32>} : memref<400x128xf32, #tpu.memory_space<vmem>>, vector<1x16xf32>,
        %parallel_loop3A_390 = vector.shape_cast %parallel_loop3A_389 : vector<1x16xf32> to vector<16xf32>
        %parallel_loop3A_391 = arith.index_cast %parallel_loop3A_376 : i32 to index
        %parallel_loop3A_392 = arith.constant 16 : index
        %parallel_loop3A_393 = tpu.vector_load %arg8[%parallel_loop3A_391, %parallel_loop3A_392] {strides = array<i32>} : memref<128x128xf32, #tpu.memory_space<vmem>>, vector<1x16xf32>,
        %parallel_loop3A_394 = vector.shape_cast %parallel_loop3A_393 : vector<1x16xf32> to vector<16xf32>
        %parallel_loop3A_395 = vector.shape_cast %parallel_loop3A_390 : vector<16xf32> to vector<1x16xf32>
        tpu.vector_store %arg8[%parallel_loop3A_391, %parallel_loop3A_392], %parallel_loop3A_395 {add = true, strides = array<i32>} : memref<128x128xf32, #tpu.memory_space<vmem>>, vector<1x16xf32>,
        %parallel_loop3A_396 = arith.index_cast %parallel_loop3A_377 : i32 to index
        %parallel_loop3A_397 = arith.constant 32 : index
        %parallel_loop3A_398 = tpu.vector_load %arg7[%parallel_loop3A_396, %parallel_loop3A_397] {strides = array<i32>} : memref<400x128xf32, #tpu.memory_space<vmem>>, vector<1x16xf32>,
        %parallel_loop3A_399 = vector.shape_cast %parallel_loop3A_398 : vector<1x16xf32> to vector<16xf32>
        %parallel_loop3A_400 = arith.index_cast %parallel_loop3A_376 : i32 to index
        %parallel_loop3A_401 = arith.constant 32 : index
        %parallel_loop3A_402 = tpu.vector_load %arg8[%parallel_loop3A_400, %parallel_loop3A_401] {strides = array<i32>} : memref<128x128xf32, #tpu.memory_space<vmem>>, vector<1x16xf32>,
        %parallel_loop3A_403 = vector.shape_cast %parallel_loop3A_402 : vector<1x16xf32> to vector<16xf32>
        %parallel_loop3A_404 = vector.shape_cast %parallel_loop3A_399 : vector<16xf32> to vector<1x16xf32>
        tpu.vector_store %arg8[%parallel_loop3A_400, %parallel_loop3A_401], %parallel_loop3A_404 {add = true, strides = array<i32>} : memref<128x128xf32, #tpu.memory_space<vmem>>, vector<1x16xf32>,
        %parallel_loop3A_405 = arith.index_cast %parallel_loop3A_377 : i32 to index
        %parallel_loop3A_406 = arith.constant 48 : index
        %parallel_loop3A_407 = tpu.vector_load %arg7[%parallel_loop3A_405, %parallel_loop3A_406] {strides = array<i32>} : memref<400x128xf32, #tpu.memory_space<vmem>>, vector<1x16xf32>,
        %parallel_loop3A_408 = vector.shape_cast %parallel_loop3A_407 : vector<1x16xf32> to vector<16xf32>
        %parallel_loop3A_409 = arith.index_cast %parallel_loop3A_376 : i32 to index
        %parallel_loop3A_410 = arith.constant 48 : index
        %parallel_loop3A_411 = tpu.vector_load %arg8[%parallel_loop3A_409, %parallel_loop3A_410] {strides = array<i32>} : memref<128x128xf32, #tpu.memory_space<vmem>>, vector<1x16xf32>,
        %parallel_loop3A_412 = vector.shape_cast %parallel_loop3A_411 : vector<1x16xf32> to vector<16xf32>
        %parallel_loop3A_413 = vector.shape_cast %parallel_loop3A_408 : vector<16xf32> to vector<1x16xf32>
        tpu.vector_store %arg8[%parallel_loop3A_409, %parallel_loop3A_410], %parallel_loop3A_413 {add = true, strides = array<i32>} : memref<128x128xf32, #tpu.memory_space<vmem>>, vector<1x16xf32>,
        %parallel_loop3A_414 = arith.index_cast %parallel_loop3A_377 : i32 to index
        %parallel_loop3A_415 = arith.constant 64 : index
        %parallel_loop3A_416 = tpu.vector_load %arg7[%parallel_loop3A_414, %parallel_loop3A_415] {strides = array<i32>} : memref<400x128xf32, #tpu.memory_space<vmem>>, vector<1x16xf32>,
        %parallel_loop3A_417 = vector.shape_cast %parallel_loop3A_416 : vector<1x16xf32> to vector<16xf32>
        %parallel_loop3A_418 = arith.index_cast %parallel_loop3A_376 : i32 to index
        %parallel_loop3A_419 = arith.constant 64 : index
        %parallel_loop3A_420 = tpu.vector_load %arg8[%parallel_loop3A_418, %parallel_loop3A_419] {strides = array<i32>} : memref<128x128xf32, #tpu.memory_space<vmem>>, vector<1x16xf32>,
        %parallel_loop3A_421 = vector.shape_cast %parallel_loop3A_420 : vector<1x16xf32> to vector<16xf32>
        %parallel_loop3A_422 = vector.shape_cast %parallel_loop3A_417 : vector<16xf32> to vector<1x16xf32>
        tpu.vector_store %arg8[%parallel_loop3A_418, %parallel_loop3A_419], %parallel_loop3A_422 {add = true, strides = array<i32>} : memref<128x128xf32, #tpu.memory_space<vmem>>, vector<1x16xf32>,
        %parallel_loop3A_423 = arith.index_cast %parallel_loop3A_377 : i32 to index
        %parallel_loop3A_424 = arith.constant 80 : index
        %parallel_loop3A_425 = tpu.vector_load %arg7[%parallel_loop3A_423, %parallel_loop3A_424] {strides = array<i32>} : memref<400x128xf32, #tpu.memory_space<vmem>>, vector<1x16xf32>,
        %parallel_loop3A_426 = vector.shape_cast %parallel_loop3A_425 : vector<1x16xf32> to vector<16xf32>
        %parallel_loop3A_427 = arith.index_cast %parallel_loop3A_376 : i32 to index
        %parallel_loop3A_428 = arith.constant 80 : index
        %parallel_loop3A_429 = tpu.vector_load %arg8[%parallel_loop3A_427, %parallel_loop3A_428] {strides = array<i32>} : memref<128x128xf32, #tpu.memory_space<vmem>>, vector<1x16xf32>,
        %parallel_loop3A_430 = vector.shape_cast %parallel_loop3A_429 : vector<1x16xf32> to vector<16xf32>
        %parallel_loop3A_431 = vector.shape_cast %parallel_loop3A_426 : vector<16xf32> to vector<1x16xf32>
        tpu.vector_store %arg8[%parallel_loop3A_427, %parallel_loop3A_428], %parallel_loop3A_431 {add = true, strides = array<i32>} : memref<128x128xf32, #tpu.memory_space<vmem>>, vector<1x16xf32>,
        %parallel_loop3A_432 = arith.index_cast %parallel_loop3A_377 : i32 to index
        %parallel_loop3A_433 = arith.constant 96 : index
        %parallel_loop3A_434 = tpu.vector_load %arg7[%parallel_loop3A_432, %parallel_loop3A_433] {strides = array<i32>} : memref<400x128xf32, #tpu.memory_space<vmem>>, vector<1x16xf32>,
        %parallel_loop3A_435 = vector.shape_cast %parallel_loop3A_434 : vector<1x16xf32> to vector<16xf32>
        %parallel_loop3A_436 = arith.index_cast %parallel_loop3A_376 : i32 to index
        %parallel_loop3A_437 = arith.constant 96 : index
        %parallel_loop3A_438 = tpu.vector_load %arg8[%parallel_loop3A_436, %parallel_loop3A_437] {strides = array<i32>} : memref<128x128xf32, #tpu.memory_space<vmem>>, vector<1x16xf32>,
        %parallel_loop3A_439 = vector.shape_cast %parallel_loop3A_438 : vector<1x16xf32> to vector<16xf32>
        %parallel_loop3A_440 = vector.shape_cast %parallel_loop3A_435 : vector<16xf32> to vector<1x16xf32>
        tpu.vector_store %arg8[%parallel_loop3A_436, %parallel_loop3A_437], %parallel_loop3A_440 {add = true, strides = array<i32>} : memref<128x128xf32, #tpu.memory_space<vmem>>, vector<1x16xf32>,
        %parallel_loop3A_441 = arith.index_cast %parallel_loop3A_377 : i32 to index
        %parallel_loop3A_442 = arith.constant 112 : index
        %parallel_loop3A_443 = tpu.vector_load %arg7[%parallel_loop3A_441, %parallel_loop3A_442] {strides = array<i32>} : memref<400x128xf32, #tpu.memory_space<vmem>>, vector<1x16xf32>,
        %parallel_loop3A_444 = vector.shape_cast %parallel_loop3A_443 : vector<1x16xf32> to vector<16xf32>
        %parallel_loop3A_445 = arith.index_cast %parallel_loop3A_376 : i32 to index
        %parallel_loop3A_446 = arith.constant 112 : index
        %parallel_loop3A_447 = tpu.vector_load %arg8[%parallel_loop3A_445, %parallel_loop3A_446] {strides = array<i32>} : memref<128x128xf32, #tpu.memory_space<vmem>>, vector<1x16xf32>,
        %parallel_loop3A_448 = vector.shape_cast %parallel_loop3A_447 : vector<1x16xf32> to vector<16xf32>
        %parallel_loop3A_449 = vector.shape_cast %parallel_loop3A_444 : vector<16xf32> to vector<1x16xf32>
        tpu.vector_store %arg8[%parallel_loop3A_445, %parallel_loop3A_446], %parallel_loop3A_449 {add = true, strides = array<i32>} : memref<128x128xf32, #tpu.memory_space<vmem>>, vector<1x16xf32>,
      } {sc.loop_unroll_factor = 4 : i64, sc.parallel_access}
      %mul3A_350 = arith.constant 128 : i32
      %mul3A_351 = arith.muli %add3A_336, %mul3A_350 : i32
      %add3A_352 = arith.addi %mul3A_2, %mul3A_351 : i32
      %dma_start3A_353 = arith.constant 0 : i32
      %dma_start3A_354 = tpu.memref_slice %arg5[%add3A_352, %dma_start3A_353] : memref<204800x128xf32, #tpu.memory_space<hbm>> -> memref<128x128xf32, #tpu.memory_space<hbm>>
      %dma_start3A_355 = arith.constant 0 : i32
      %dma_start3A_356 = tpu.memref_slice %arg5[%add3A_352, %dma_start3A_355] : memref<204800x128xf32, #tpu.memory_space<hbm>> -> memref<128x128xf32, #tpu.memory_space<hbm>>
      tpu.enqueue_dma source(%arg8 : memref<128x128xf32, #tpu.memory_space<vmem>>) target(%dma_start3A_356 : memref<128x128xf32, #tpu.memory_space<hbm>>) target_semaphore(%arg16 : memref<!tpu.dma_semaphore, #tpu.memory_space<semaphore_mem>>)
      %sub3A_357 = arith.constant 1 : i32
      %sub3A_358 = arith.subi %add3A_336, %sub3A_357 : i32
      %mul3A_359 = arith.constant 128 : i32
      %mul3A_360 = arith.muli %sub3A_358, %mul3A_359 : i32
      %add3A_361 = arith.addi %mul3A_2, %mul3A_360 : i32
      %dma_wait3A_362 = arith.constant 0 : i32
      %dma_wait3A_363 = tpu.memref_slice %arg5[%add3A_361, %dma_wait3A_362] : memref<204800x128xf32, #tpu.memory_space<hbm>> -> memref<128x128xf32, #tpu.memory_space<hbm>>
      %dma_wait3A_364 = arith.constant 0 : i32
      %dma_wait3A_365 = tpu.memref_slice %arg5[%add3A_361, %dma_wait3A_364] : memref<204800x128xf32, #tpu.memory_space<hbm>> -> memref<128x128xf32, #tpu.memory_space<hbm>>
      tpu.wait_dma2 semaphore(%arg19 : memref<!tpu.dma_semaphore, #tpu.memory_space<semaphore_mem>>) src(%arg11 : memref<128x128xf32, #tpu.memory_space<vmem>>) dst(%dma_wait3A_365 : memref<128x128xf32, #tpu.memory_space<hbm>>)
      %add3A_366 = arith.constant 4 : i32
      %add3A_367 = arith.addi %add3A_336, %add3A_366 : i32
      %sub3A_368 = arith.constant 1 : i32
      %sub3A_369 = arith.subi %add3A_367, %sub3A_368 : i32
      %mul3A_370 = arith.constant 128 : i32
      %mul3A_371 = arith.muli %sub3A_369, %mul3A_370 : i32
      %dma_start3A_372 = tpu.memref_slice %arg6[%mul3A_371] : memref<6400xi32, #tpu.memory_space<vmem>> -> memref<128xi32, #tpu.memory_space<vmem>>
      %dma_start3A_373 = arith.constant 0 : i32
      %dma_start3A_374 = arith.constant 0 : i32
      %dma_start3A_375 = tpu.memref_slice %arg3[%dma_start3A_373, %dma_start3A_374] : memref<100000x128xf32, #tpu.memory_space<hbm>> -> memref<100000x128xf32, #tpu.memory_space<hbm>>
      tpu.enqueue_indirect_dma source(%dma_start3A_375 : memref<100000x128xf32, #tpu.memory_space<hbm>>) target(%arg11 : memref<128x128xf32, #tpu.memory_space<vmem>>) offsets(%dma_start3A_372 : memref<128xi32, #tpu.memory_space<vmem>>) semaphore(%arg15 : memref<!tpu.dma_semaphore, #tpu.memory_space<semaphore_mem>>)
    }
    %scan3A_64 = arith.constant 11 : i32
    %dma_wait3A_65 = arith.constant 5760 : i32
    %dma_wait3A_66 = tpu.memref_slice %arg6[%dma_wait3A_65] : memref<6400xi32, #tpu.memory_space<vmem>> -> memref<128xi32, #tpu.memory_space<vmem>>
    %dma_wait3A_67 = arith.constant 0 : i32
    %dma_wait3A_68 = arith.constant 0 : i32
    %dma_wait3A_69 = tpu.memref_slice %arg3[%dma_wait3A_67, %dma_wait3A_68] : memref<100000x128xf32, #tpu.memory_space<hbm>> -> memref<100000x128xf32, #tpu.memory_space<hbm>>
    tpu.wait_indirect_dma semaphore(%arg13 : memref<!tpu.dma_semaphore, #tpu.memory_space<semaphore_mem>>) src(%dma_wait3A_69 : memref<100000x128xf32, #tpu.memory_space<hbm>>) dst(%arg9 : memref<128x128xf32, #tpu.memory_space<vmem>>)
    %rem3A_70 = arith.constant 5760 : i32
    %rem3A_71 = arith.constant 200 : i32
    %rem3A_72 = arith.remsi %rem3A_70, %rem3A_71 : i32
    %parallel_loop3A_73 = arith.constant 0 : i32
    %parallel_loop3A_74 = arith.constant 128 : i32
    %parallel_loop3A_75 = arith.constant 1 : i32
    scf.for %parallel_loop3A_196 = %parallel_loop3A_73 to %parallel_loop3A_74 step %parallel_loop3A_75  : i32 {
      %parallel_loop3A_197 = arith.addi %rem3A_72, %parallel_loop3A_196 : i32
      %parallel_loop3A_198 = arith.index_cast %parallel_loop3A_197 : i32 to index
      %parallel_loop3A_199 = arith.constant 0 : index
      %parallel_loop3A_200 = tpu.vector_load %arg7[%parallel_loop3A_198, %parallel_loop3A_199] {strides = array<i32>} : memref<400x128xf32, #tpu.memory_space<vmem>>, vector<1x16xf32>,
      %parallel_loop3A_201 = vector.shape_cast %parallel_loop3A_200 : vector<1x16xf32> to vector<16xf32>
      %parallel_loop3A_202 = arith.index_cast %parallel_loop3A_196 : i32 to index
      %parallel_loop3A_203 = arith.constant 0 : index
      %parallel_loop3A_204 = tpu.vector_load %arg9[%parallel_loop3A_202, %parallel_loop3A_203] {strides = array<i32>} : memref<128x128xf32, #tpu.memory_space<vmem>>, vector<1x16xf32>,
      %parallel_loop3A_205 = vector.shape_cast %parallel_loop3A_204 : vector<1x16xf32> to vector<16xf32>
      %parallel_loop3A_206 = vector.shape_cast %parallel_loop3A_201 : vector<16xf32> to vector<1x16xf32>
      tpu.vector_store %arg9[%parallel_loop3A_202, %parallel_loop3A_203], %parallel_loop3A_206 {add = true, strides = array<i32>} : memref<128x128xf32, #tpu.memory_space<vmem>>, vector<1x16xf32>,
      %parallel_loop3A_207 = arith.index_cast %parallel_loop3A_197 : i32 to index
      %parallel_loop3A_208 = arith.constant 16 : index
      %parallel_loop3A_209 = tpu.vector_load %arg7[%parallel_loop3A_207, %parallel_loop3A_208] {strides = array<i32>} : memref<400x128xf32, #tpu.memory_space<vmem>>, vector<1x16xf32>,
      %parallel_loop3A_210 = vector.shape_cast %parallel_loop3A_209 : vector<1x16xf32> to vector<16xf32>
      %parallel_loop3A_211 = arith.index_cast %parallel_loop3A_196 : i32 to index
      %parallel_loop3A_212 = arith.constant 16 : index
      %parallel_loop3A_213 = tpu.vector_load %arg9[%parallel_loop3A_211, %parallel_loop3A_212] {strides = array<i32>} : memref<128x128xf32, #tpu.memory_space<vmem>>, vector<1x16xf32>,
      %parallel_loop3A_214 = vector.shape_cast %parallel_loop3A_213 : vector<1x16xf32> to vector<16xf32>
      %parallel_loop3A_215 = vector.shape_cast %parallel_loop3A_210 : vector<16xf32> to vector<1x16xf32>
      tpu.vector_store %arg9[%parallel_loop3A_211, %parallel_loop3A_212], %parallel_loop3A_215 {add = true, strides = array<i32>} : memref<128x128xf32, #tpu.memory_space<vmem>>, vector<1x16xf32>,
      %parallel_loop3A_216 = arith.index_cast %parallel_loop3A_197 : i32 to index
      %parallel_loop3A_217 = arith.constant 32 : index
      %parallel_loop3A_218 = tpu.vector_load %arg7[%parallel_loop3A_216, %parallel_loop3A_217] {strides = array<i32>} : memref<400x128xf32, #tpu.memory_space<vmem>>, vector<1x16xf32>,
      %parallel_loop3A_219 = vector.shape_cast %parallel_loop3A_218 : vector<1x16xf32> to vector<16xf32>
      %parallel_loop3A_220 = arith.index_cast %parallel_loop3A_196 : i32 to index
      %parallel_loop3A_221 = arith.constant 32 : index
      %parallel_loop3A_222 = tpu.vector_load %arg9[%parallel_loop3A_220, %parallel_loop3A_221] {strides = array<i32>} : memref<128x128xf32, #tpu.memory_space<vmem>>, vector<1x16xf32>,
      %parallel_loop3A_223 = vector.shape_cast %parallel_loop3A_222 : vector<1x16xf32> to vector<16xf32>
      %parallel_loop3A_224 = vector.shape_cast %parallel_loop3A_219 : vector<16xf32> to vector<1x16xf32>
      tpu.vector_store %arg9[%parallel_loop3A_220, %parallel_loop3A_221], %parallel_loop3A_224 {add = true, strides = array<i32>} : memref<128x128xf32, #tpu.memory_space<vmem>>, vector<1x16xf32>,
      %parallel_loop3A_225 = arith.index_cast %parallel_loop3A_197 : i32 to index
      %parallel_loop3A_226 = arith.constant 48 : index
      %parallel_loop3A_227 = tpu.vector_load %arg7[%parallel_loop3A_225, %parallel_loop3A_226] {strides = array<i32>} : memref<400x128xf32, #tpu.memory_space<vmem>>, vector<1x16xf32>,
      %parallel_loop3A_228 = vector.shape_cast %parallel_loop3A_227 : vector<1x16xf32> to vector<16xf32>
      %parallel_loop3A_229 = arith.index_cast %parallel_loop3A_196 : i32 to index
      %parallel_loop3A_230 = arith.constant 48 : index
      %parallel_loop3A_231 = tpu.vector_load %arg9[%parallel_loop3A_229, %parallel_loop3A_230] {strides = array<i32>} : memref<128x128xf32, #tpu.memory_space<vmem>>, vector<1x16xf32>,
      %parallel_loop3A_232 = vector.shape_cast %parallel_loop3A_231 : vector<1x16xf32> to vector<16xf32>
      %parallel_loop3A_233 = vector.shape_cast %parallel_loop3A_228 : vector<16xf32> to vector<1x16xf32>
      tpu.vector_store %arg9[%parallel_loop3A_229, %parallel_loop3A_230], %parallel_loop3A_233 {add = true, strides = array<i32>} : memref<128x128xf32, #tpu.memory_space<vmem>>, vector<1x16xf32>,
      %parallel_loop3A_234 = arith.index_cast %parallel_loop3A_197 : i32 to index
      %parallel_loop3A_235 = arith.constant 64 : index
      %parallel_loop3A_236 = tpu.vector_load %arg7[%parallel_loop3A_234, %parallel_loop3A_235] {strides = array<i32>} : memref<400x128xf32, #tpu.memory_space<vmem>>, vector<1x16xf32>,
      %parallel_loop3A_237 = vector.shape_cast %parallel_loop3A_236 : vector<1x16xf32> to vector<16xf32>
      %parallel_loop3A_238 = arith.index_cast %parallel_loop3A_196 : i32 to index
      %parallel_loop3A_239 = arith.constant 64 : index
      %parallel_loop3A_240 = tpu.vector_load %arg9[%parallel_loop3A_238, %parallel_loop3A_239] {strides = array<i32>} : memref<128x128xf32, #tpu.memory_space<vmem>>, vector<1x16xf32>,
      %parallel_loop3A_241 = vector.shape_cast %parallel_loop3A_240 : vector<1x16xf32> to vector<16xf32>
      %parallel_loop3A_242 = vector.shape_cast %parallel_loop3A_237 : vector<16xf32> to vector<1x16xf32>
      tpu.vector_store %arg9[%parallel_loop3A_238, %parallel_loop3A_239], %parallel_loop3A_242 {add = true, strides = array<i32>} : memref<128x128xf32, #tpu.memory_space<vmem>>, vector<1x16xf32>,
      %parallel_loop3A_243 = arith.index_cast %parallel_loop3A_197 : i32 to index
      %parallel_loop3A_244 = arith.constant 80 : index
      %parallel_loop3A_245 = tpu.vector_load %arg7[%parallel_loop3A_243, %parallel_loop3A_244] {strides = array<i32>} : memref<400x128xf32, #tpu.memory_space<vmem>>, vector<1x16xf32>,
      %parallel_loop3A_246 = vector.shape_cast %parallel_loop3A_245 : vector<1x16xf32> to vector<16xf32>
      %parallel_loop3A_247 = arith.index_cast %parallel_loop3A_196 : i32 to index
      %parallel_loop3A_248 = arith.constant 80 : index
      %parallel_loop3A_249 = tpu.vector_load %arg9[%parallel_loop3A_247, %parallel_loop3A_248] {strides = array<i32>} : memref<128x128xf32, #tpu.memory_space<vmem>>, vector<1x16xf32>,
      %parallel_loop3A_250 = vector.shape_cast %parallel_loop3A_249 : vector<1x16xf32> to vector<16xf32>
      %parallel_loop3A_251 = vector.shape_cast %parallel_loop3A_246 : vector<16xf32> to vector<1x16xf32>
      tpu.vector_store %arg9[%parallel_loop3A_247, %parallel_loop3A_248], %parallel_loop3A_251 {add = true, strides = array<i32>} : memref<128x128xf32, #tpu.memory_space<vmem>>, vector<1x16xf32>,
      %parallel_loop3A_252 = arith.index_cast %parallel_loop3A_197 : i32 to index
      %parallel_loop3A_253 = arith.constant 96 : index
      %parallel_loop3A_254 = tpu.vector_load %arg7[%parallel_loop3A_252, %parallel_loop3A_253] {strides = array<i32>} : memref<400x128xf32, #tpu.memory_space<vmem>>, vector<1x16xf32>,
      %parallel_loop3A_255 = vector.shape_cast %parallel_loop3A_254 : vector<1x16xf32> to vector<16xf32>
      %parallel_loop3A_256 = arith.index_cast %parallel_loop3A_196 : i32 to index
      %parallel_loop3A_257 = arith.constant 96 : index
      %parallel_loop3A_258 = tpu.vector_load %arg9[%parallel_loop3A_256, %parallel_loop3A_257] {strides = array<i32>} : memref<128x128xf32, #tpu.memory_space<vmem>>, vector<1x16xf32>,
      %parallel_loop3A_259 = vector.shape_cast %parallel_loop3A_258 : vector<1x16xf32> to vector<16xf32>
      %parallel_loop3A_260 = vector.shape_cast %parallel_loop3A_255 : vector<16xf32> to vector<1x16xf32>
      tpu.vector_store %arg9[%parallel_loop3A_256, %parallel_loop3A_257], %parallel_loop3A_260 {add = true, strides = array<i32>} : memref<128x128xf32, #tpu.memory_space<vmem>>, vector<1x16xf32>,
      %parallel_loop3A_261 = arith.index_cast %parallel_loop3A_197 : i32 to index
      %parallel_loop3A_262 = arith.constant 112 : index
      %parallel_loop3A_263 = tpu.vector_load %arg7[%parallel_loop3A_261, %parallel_loop3A_262] {strides = array<i32>} : memref<400x128xf32, #tpu.memory_space<vmem>>, vector<1x16xf32>,
      %parallel_loop3A_264 = vector.shape_cast %parallel_loop3A_263 : vector<1x16xf32> to vector<16xf32>
      %parallel_loop3A_265 = arith.index_cast %parallel_loop3A_196 : i32 to index
      %parallel_loop3A_266 = arith.constant 112 : index
      %parallel_loop3A_267 = tpu.vector_load %arg9[%parallel_loop3A_265, %parallel_loop3A_266] {strides = array<i32>} : memref<128x128xf32, #tpu.memory_space<vmem>>, vector<1x16xf32>,
      %parallel_loop3A_268 = vector.shape_cast %parallel_loop3A_267 : vector<1x16xf32> to vector<16xf32>
      %parallel_loop3A_269 = vector.shape_cast %parallel_loop3A_264 : vector<16xf32> to vector<1x16xf32>
      tpu.vector_store %arg9[%parallel_loop3A_265, %parallel_loop3A_266], %parallel_loop3A_269 {add = true, strides = array<i32>} : memref<128x128xf32, #tpu.memory_space<vmem>>, vector<1x16xf32>,
    } {sc.loop_unroll_factor = 4 : i64, sc.parallel_access}
    %add3A_76 = arith.constant 5760 : i32
    %add3A_77 = arith.addi %mul3A_2, %add3A_76 : i32
    %dma_start3A_78 = arith.constant 0 : i32
    %dma_start3A_79 = tpu.memref_slice %arg5[%add3A_77, %dma_start3A_78] : memref<204800x128xf32, #tpu.memory_space<hbm>> -> memref<128x128xf32, #tpu.memory_space<hbm>>
    %dma_start3A_80 = arith.constant 0 : i32
    %dma_start3A_81 = tpu.memref_slice %arg5[%add3A_77, %dma_start3A_80] : memref<204800x128xf32, #tpu.memory_space<hbm>> -> memref<128x128xf32, #tpu.memory_space<hbm>>
    tpu.enqueue_dma source(%arg9 : memref<128x128xf32, #tpu.memory_space<vmem>>) target(%dma_start3A_81 : memref<128x128xf32, #tpu.memory_space<hbm>>) target_semaphore(%arg17 : memref<!tpu.dma_semaphore, #tpu.memory_space<semaphore_mem>>)
    %add3A_82 = arith.constant 5632 : i32
    %add3A_83 = arith.addi %mul3A_2, %add3A_82 : i32
    %dma_wait3A_84 = arith.constant 0 : i32
    %dma_wait3A_85 = tpu.memref_slice %arg5[%add3A_83, %dma_wait3A_84] : memref<204800x128xf32, #tpu.memory_space<hbm>> -> memref<128x128xf32, #tpu.memory_space<hbm>>
    %dma_wait3A_86 = arith.constant 0 : i32
    %dma_wait3A_87 = tpu.memref_slice %arg5[%add3A_83, %dma_wait3A_86] : memref<204800x128xf32, #tpu.memory_space<hbm>> -> memref<128x128xf32, #tpu.memory_space<hbm>>
    tpu.wait_dma2 semaphore(%arg16 : memref<!tpu.dma_semaphore, #tpu.memory_space<semaphore_mem>>) src(%arg8 : memref<128x128xf32, #tpu.memory_space<vmem>>) dst(%dma_wait3A_87 : memref<128x128xf32, #tpu.memory_space<hbm>>)
    %dma_start3A_88 = arith.constant 6144 : i32
    %dma_start3A_89 = tpu.memref_slice %arg6[%dma_start3A_88] : memref<6400xi32, #tpu.memory_space<vmem>> -> memref<128xi32, #tpu.memory_space<vmem>>
    %dma_start3A_90 = arith.constant 0 : i32
    %dma_start3A_91 = arith.constant 0 : i32
    %dma_start3A_92 = tpu.memref_slice %arg3[%dma_start3A_90, %dma_start3A_91] : memref<100000x128xf32, #tpu.memory_space<hbm>> -> memref<100000x128xf32, #tpu.memory_space<hbm>>
    tpu.enqueue_indirect_dma source(%dma_start3A_92 : memref<100000x128xf32, #tpu.memory_space<hbm>>) target(%arg8 : memref<128x128xf32, #tpu.memory_space<vmem>>) offsets(%dma_start3A_89 : memref<128xi32, #tpu.memory_space<vmem>>) semaphore(%arg12 : memref<!tpu.dma_semaphore, #tpu.memory_space<semaphore_mem>>)
    %dma_wait3A_93 = arith.constant 5888 : i32
    %dma_wait3A_94 = tpu.memref_slice %arg6[%dma_wait3A_93] : memref<6400xi32, #tpu.memory_space<vmem>> -> memref<128xi32, #tpu.memory_space<vmem>>
    %dma_wait3A_95 = arith.constant 0 : i32
    %dma_wait3A_96 = arith.constant 0 : i32
    %dma_wait3A_97 = tpu.memref_slice %arg3[%dma_wait3A_95, %dma_wait3A_96] : memref<100000x128xf32, #tpu.memory_space<hbm>> -> memref<100000x128xf32, #tpu.memory_space<hbm>>
    tpu.wait_indirect_dma semaphore(%arg14 : memref<!tpu.dma_semaphore, #tpu.memory_space<semaphore_mem>>) src(%dma_wait3A_97 : memref<100000x128xf32, #tpu.memory_space<hbm>>) dst(%arg10 : memref<128x128xf32, #tpu.memory_space<vmem>>)
    %rem3A_98 = arith.constant 5888 : i32
    %rem3A_99 = arith.constant 200 : i32
    %rem3A_100 = arith.remsi %rem3A_98, %rem3A_99 : i32
    %parallel_loop3A_101 = arith.constant 0 : i32
    %parallel_loop3A_102 = arith.constant 128 : i32
    %parallel_loop3A_103 = arith.constant 1 : i32
    scf.for %parallel_loop3A_196 = %parallel_loop3A_101 to %parallel_loop3A_102 step %parallel_loop3A_103  : i32 {
      %parallel_loop3A_197 = arith.addi %rem3A_100, %parallel_loop3A_196 : i32
      %parallel_loop3A_198 = arith.index_cast %parallel_loop3A_197 : i32 to index
      %parallel_loop3A_199 = arith.constant 0 : index
      %parallel_loop3A_200 = tpu.vector_load %arg7[%parallel_loop3A_198, %parallel_loop3A_199] {strides = array<i32>} : memref<400x128xf32, #tpu.memory_space<vmem>>, vector<1x16xf32>,
      %parallel_loop3A_201 = vector.shape_cast %parallel_loop3A_200 : vector<1x16xf32> to vector<16xf32>
      %parallel_loop3A_202 = arith.index_cast %parallel_loop3A_196 : i32 to index
      %parallel_loop3A_203 = arith.constant 0 : index
      %parallel_loop3A_204 = tpu.vector_load %arg10[%parallel_loop3A_202, %parallel_loop3A_203] {strides = array<i32>} : memref<128x128xf32, #tpu.memory_space<vmem>>, vector<1x16xf32>,
      %parallel_loop3A_205 = vector.shape_cast %parallel_loop3A_204 : vector<1x16xf32> to vector<16xf32>
      %parallel_loop3A_206 = vector.shape_cast %parallel_loop3A_201 : vector<16xf32> to vector<1x16xf32>
      tpu.vector_store %arg10[%parallel_loop3A_202, %parallel_loop3A_203], %parallel_loop3A_206 {add = true, strides = array<i32>} : memref<128x128xf32, #tpu.memory_space<vmem>>, vector<1x16xf32>,
      %parallel_loop3A_207 = arith.index_cast %parallel_loop3A_197 : i32 to index
      %parallel_loop3A_208 = arith.constant 16 : index
      %parallel_loop3A_209 = tpu.vector_load %arg7[%parallel_loop3A_207, %parallel_loop3A_208] {strides = array<i32>} : memref<400x128xf32, #tpu.memory_space<vmem>>, vector<1x16xf32>,
      %parallel_loop3A_210 = vector.shape_cast %parallel_loop3A_209 : vector<1x16xf32> to vector<16xf32>
      %parallel_loop3A_211 = arith.index_cast %parallel_loop3A_196 : i32 to index
      %parallel_loop3A_212 = arith.constant 16 : index
      %parallel_loop3A_213 = tpu.vector_load %arg10[%parallel_loop3A_211, %parallel_loop3A_212] {strides = array<i32>} : memref<128x128xf32, #tpu.memory_space<vmem>>, vector<1x16xf32>,
      %parallel_loop3A_214 = vector.shape_cast %parallel_loop3A_213 : vector<1x16xf32> to vector<16xf32>
      %parallel_loop3A_215 = vector.shape_cast %parallel_loop3A_210 : vector<16xf32> to vector<1x16xf32>
      tpu.vector_store %arg10[%parallel_loop3A_211, %parallel_loop3A_212], %parallel_loop3A_215 {add = true, strides = array<i32>} : memref<128x128xf32, #tpu.memory_space<vmem>>, vector<1x16xf32>,
      %parallel_loop3A_216 = arith.index_cast %parallel_loop3A_197 : i32 to index
      %parallel_loop3A_217 = arith.constant 32 : index
      %parallel_loop3A_218 = tpu.vector_load %arg7[%parallel_loop3A_216, %parallel_loop3A_217] {strides = array<i32>} : memref<400x128xf32, #tpu.memory_space<vmem>>, vector<1x16xf32>,
      %parallel_loop3A_219 = vector.shape_cast %parallel_loop3A_218 : vector<1x16xf32> to vector<16xf32>
      %parallel_loop3A_220 = arith.index_cast %parallel_loop3A_196 : i32 to index
      %parallel_loop3A_221 = arith.constant 32 : index
      %parallel_loop3A_222 = tpu.vector_load %arg10[%parallel_loop3A_220, %parallel_loop3A_221] {strides = array<i32>} : memref<128x128xf32, #tpu.memory_space<vmem>>, vector<1x16xf32>,
      %parallel_loop3A_223 = vector.shape_cast %parallel_loop3A_222 : vector<1x16xf32> to vector<16xf32>
      %parallel_loop3A_224 = vector.shape_cast %parallel_loop3A_219 : vector<16xf32> to vector<1x16xf32>
      tpu.vector_store %arg10[%parallel_loop3A_220, %parallel_loop3A_221], %parallel_loop3A_224 {add = true, strides = array<i32>} : memref<128x128xf32, #tpu.memory_space<vmem>>, vector<1x16xf32>,
      %parallel_loop3A_225 = arith.index_cast %parallel_loop3A_197 : i32 to index
      %parallel_loop3A_226 = arith.constant 48 : index
      %parallel_loop3A_227 = tpu.vector_load %arg7[%parallel_loop3A_225, %parallel_loop3A_226] {strides = array<i32>} : memref<400x128xf32, #tpu.memory_space<vmem>>, vector<1x16xf32>,
      %parallel_loop3A_228 = vector.shape_cast %parallel_loop3A_227 : vector<1x16xf32> to vector<16xf32>
      %parallel_loop3A_229 = arith.index_cast %parallel_loop3A_196 : i32 to index
      %parallel_loop3A_230 = arith.constant 48 : index
      %parallel_loop3A_231 = tpu.vector_load %arg10[%parallel_loop3A_229, %parallel_loop3A_230] {strides = array<i32>} : memref<128x128xf32, #tpu.memory_space<vmem>>, vector<1x16xf32>,
      %parallel_loop3A_232 = vector.shape_cast %parallel_loop3A_231 : vector<1x16xf32> to vector<16xf32>
      %parallel_loop3A_233 = vector.shape_cast %parallel_loop3A_228 : vector<16xf32> to vector<1x16xf32>
      tpu.vector_store %arg10[%parallel_loop3A_229, %parallel_loop3A_230], %parallel_loop3A_233 {add = true, strides = array<i32>} : memref<128x128xf32, #tpu.memory_space<vmem>>, vector<1x16xf32>,
      %parallel_loop3A_234 = arith.index_cast %parallel_loop3A_197 : i32 to index
      %parallel_loop3A_235 = arith.constant 64 : index
      %parallel_loop3A_236 = tpu.vector_load %arg7[%parallel_loop3A_234, %parallel_loop3A_235] {strides = array<i32>} : memref<400x128xf32, #tpu.memory_space<vmem>>, vector<1x16xf32>,
      %parallel_loop3A_237 = vector.shape_cast %parallel_loop3A_236 : vector<1x16xf32> to vector<16xf32>
      %parallel_loop3A_238 = arith.index_cast %parallel_loop3A_196 : i32 to index
      %parallel_loop3A_239 = arith.constant 64 : index
      %parallel_loop3A_240 = tpu.vector_load %arg10[%parallel_loop3A_238, %parallel_loop3A_239] {strides = array<i32>} : memref<128x128xf32, #tpu.memory_space<vmem>>, vector<1x16xf32>,
      %parallel_loop3A_241 = vector.shape_cast %parallel_loop3A_240 : vector<1x16xf32> to vector<16xf32>
      %parallel_loop3A_242 = vector.shape_cast %parallel_loop3A_237 : vector<16xf32> to vector<1x16xf32>
      tpu.vector_store %arg10[%parallel_loop3A_238, %parallel_loop3A_239], %parallel_loop3A_242 {add = true, strides = array<i32>} : memref<128x128xf32, #tpu.memory_space<vmem>>, vector<1x16xf32>,
      %parallel_loop3A_243 = arith.index_cast %parallel_loop3A_197 : i32 to index
      %parallel_loop3A_244 = arith.constant 80 : index
      %parallel_loop3A_245 = tpu.vector_load %arg7[%parallel_loop3A_243, %parallel_loop3A_244] {strides = array<i32>} : memref<400x128xf32, #tpu.memory_space<vmem>>, vector<1x16xf32>,
      %parallel_loop3A_246 = vector.shape_cast %parallel_loop3A_245 : vector<1x16xf32> to vector<16xf32>
      %parallel_loop3A_247 = arith.index_cast %parallel_loop3A_196 : i32 to index
      %parallel_loop3A_248 = arith.constant 80 : index
      %parallel_loop3A_249 = tpu.vector_load %arg10[%parallel_loop3A_247, %parallel_loop3A_248] {strides = array<i32>} : memref<128x128xf32, #tpu.memory_space<vmem>>, vector<1x16xf32>,
      %parallel_loop3A_250 = vector.shape_cast %parallel_loop3A_249 : vector<1x16xf32> to vector<16xf32>
      %parallel_loop3A_251 = vector.shape_cast %parallel_loop3A_246 : vector<16xf32> to vector<1x16xf32>
      tpu.vector_store %arg10[%parallel_loop3A_247, %parallel_loop3A_248], %parallel_loop3A_251 {add = true, strides = array<i32>} : memref<128x128xf32, #tpu.memory_space<vmem>>, vector<1x16xf32>,
      %parallel_loop3A_252 = arith.index_cast %parallel_loop3A_197 : i32 to index
      %parallel_loop3A_253 = arith.constant 96 : index
      %parallel_loop3A_254 = tpu.vector_load %arg7[%parallel_loop3A_252, %parallel_loop3A_253] {strides = array<i32>} : memref<400x128xf32, #tpu.memory_space<vmem>>, vector<1x16xf32>,
      %parallel_loop3A_255 = vector.shape_cast %parallel_loop3A_254 : vector<1x16xf32> to vector<16xf32>
      %parallel_loop3A_256 = arith.index_cast %parallel_loop3A_196 : i32 to index
      %parallel_loop3A_257 = arith.constant 96 : index
      %parallel_loop3A_258 = tpu.vector_load %arg10[%parallel_loop3A_256, %parallel_loop3A_257] {strides = array<i32>} : memref<128x128xf32, #tpu.memory_space<vmem>>, vector<1x16xf32>,
      %parallel_loop3A_259 = vector.shape_cast %parallel_loop3A_258 : vector<1x16xf32> to vector<16xf32>
      %parallel_loop3A_260 = vector.shape_cast %parallel_loop3A_255 : vector<16xf32> to vector<1x16xf32>
      tpu.vector_store %arg10[%parallel_loop3A_256, %parallel_loop3A_257], %parallel_loop3A_260 {add = true, strides = array<i32>} : memref<128x128xf32, #tpu.memory_space<vmem>>, vector<1x16xf32>,
      %parallel_loop3A_261 = arith.index_cast %parallel_loop3A_197 : i32 to index
      %parallel_loop3A_262 = arith.constant 112 : index
      %parallel_loop3A_263 = tpu.vector_load %arg7[%parallel_loop3A_261, %parallel_loop3A_262] {strides = array<i32>} : memref<400x128xf32, #tpu.memory_space<vmem>>, vector<1x16xf32>,
      %parallel_loop3A_264 = vector.shape_cast %parallel_loop3A_263 : vector<1x16xf32> to vector<16xf32>
      %parallel_loop3A_265 = arith.index_cast %parallel_loop3A_196 : i32 to index
      %parallel_loop3A_266 = arith.constant 112 : index
      %parallel_loop3A_267 = tpu.vector_load %arg10[%parallel_loop3A_265, %parallel_loop3A_266] {strides = array<i32>} : memref<128x128xf32, #tpu.memory_space<vmem>>, vector<1x16xf32>,
      %parallel_loop3A_268 = vector.shape_cast %parallel_loop3A_267 : vector<1x16xf32> to vector<16xf32>
      %parallel_loop3A_269 = vector.shape_cast %parallel_loop3A_264 : vector<16xf32> to vector<1x16xf32>
      tpu.vector_store %arg10[%parallel_loop3A_265, %parallel_loop3A_266], %parallel_loop3A_269 {add = true, strides = array<i32>} : memref<128x128xf32, #tpu.memory_space<vmem>>, vector<1x16xf32>,
    } {sc.loop_unroll_factor = 4 : i64, sc.parallel_access}
    %add3A_104 = arith.constant 5888 : i32
    %add3A_105 = arith.addi %mul3A_2, %add3A_104 : i32
    %dma_start3A_106 = arith.constant 0 : i32
    %dma_start3A_107 = tpu.memref_slice %arg5[%add3A_105, %dma_start3A_106] : memref<204800x128xf32, #tpu.memory_space<hbm>> -> memref<128x128xf32, #tpu.memory_space<hbm>>
    %dma_start3A_108 = arith.constant 0 : i32
    %dma_start3A_109 = tpu.memref_slice %arg5[%add3A_105, %dma_start3A_108] : memref<204800x128xf32, #tpu.memory_space<hbm>> -> memref<128x128xf32, #tpu.memory_space<hbm>>
    tpu.enqueue_dma source(%arg10 : memref<128x128xf32, #tpu.memory_space<vmem>>) target(%dma_start3A_109 : memref<128x128xf32, #tpu.memory_space<hbm>>) target_semaphore(%arg18 : memref<!tpu.dma_semaphore, #tpu.memory_space<semaphore_mem>>)
    %add3A_110 = arith.constant 5760 : i32
    %add3A_111 = arith.addi %mul3A_2, %add3A_110 : i32
    %dma_wait3A_112 = arith.constant 0 : i32
    %dma_wait3A_113 = tpu.memref_slice %arg5[%add3A_111, %dma_wait3A_112] : memref<204800x128xf32, #tpu.memory_space<hbm>> -> memref<128x128xf32, #tpu.memory_space<hbm>>
    %dma_wait3A_114 = arith.constant 0 : i32
    %dma_wait3A_115 = tpu.memref_slice %arg5[%add3A_111, %dma_wait3A_114] : memref<204800x128xf32, #tpu.memory_space<hbm>> -> memref<128x128xf32, #tpu.memory_space<hbm>>
    tpu.wait_dma2 semaphore(%arg17 : memref<!tpu.dma_semaphore, #tpu.memory_space<semaphore_mem>>) src(%arg9 : memref<128x128xf32, #tpu.memory_space<vmem>>) dst(%dma_wait3A_115 : memref<128x128xf32, #tpu.memory_space<hbm>>)
    %dma_start3A_116 = arith.constant 6272 : i32
    %dma_start3A_117 = tpu.memref_slice %arg6[%dma_start3A_116] : memref<6400xi32, #tpu.memory_space<vmem>> -> memref<128xi32, #tpu.memory_space<vmem>>
    %dma_start3A_118 = arith.constant 0 : i32
    %dma_start3A_119 = arith.constant 0 : i32
    %dma_start3A_120 = tpu.memref_slice %arg3[%dma_start3A_118, %dma_start3A_119] : memref<100000x128xf32, #tpu.memory_space<hbm>> -> memref<100000x128xf32, #tpu.memory_space<hbm>>
    tpu.enqueue_indirect_dma source(%dma_start3A_120 : memref<100000x128xf32, #tpu.memory_space<hbm>>) target(%arg9 : memref<128x128xf32, #tpu.memory_space<vmem>>) offsets(%dma_start3A_117 : memref<128xi32, #tpu.memory_space<vmem>>) semaphore(%arg13 : memref<!tpu.dma_semaphore, #tpu.memory_space<semaphore_mem>>)
    %dma_wait3A_121 = arith.constant 6016 : i32
    %dma_wait3A_122 = tpu.memref_slice %arg6[%dma_wait3A_121] : memref<6400xi32, #tpu.memory_space<vmem>> -> memref<128xi32, #tpu.memory_space<vmem>>
    %dma_wait3A_123 = arith.constant 0 : i32
    %dma_wait3A_124 = arith.constant 0 : i32
    %dma_wait3A_125 = tpu.memref_slice %arg3[%dma_wait3A_123, %dma_wait3A_124] : memref<100000x128xf32, #tpu.memory_space<hbm>> -> memref<100000x128xf32, #tpu.memory_space<hbm>>
    tpu.wait_indirect_dma semaphore(%arg15 : memref<!tpu.dma_semaphore, #tpu.memory_space<semaphore_mem>>) src(%dma_wait3A_125 : memref<100000x128xf32, #tpu.memory_space<hbm>>) dst(%arg11 : memref<128x128xf32, #tpu.memory_space<vmem>>)
    %rem3A_126 = arith.constant 6016 : i32
    %rem3A_127 = arith.constant 200 : i32
    %rem3A_128 = arith.remsi %rem3A_126, %rem3A_127 : i32
    %parallel_loop3A_129 = arith.constant 0 : i32
    %parallel_loop3A_130 = arith.constant 128 : i32
    %parallel_loop3A_131 = arith.constant 1 : i32
    scf.for %parallel_loop3A_196 = %parallel_loop3A_129 to %parallel_loop3A_130 step %parallel_loop3A_131  : i32 {
      %parallel_loop3A_197 = arith.addi %rem3A_128, %parallel_loop3A_196 : i32
      %parallel_loop3A_198 = arith.index_cast %parallel_loop3A_197 : i32 to index
      %parallel_loop3A_199 = arith.constant 0 : index
      %parallel_loop3A_200 = tpu.vector_load %arg7[%parallel_loop3A_198, %parallel_loop3A_199] {strides = array<i32>} : memref<400x128xf32, #tpu.memory_space<vmem>>, vector<1x16xf32>,
      %parallel_loop3A_201 = vector.shape_cast %parallel_loop3A_200 : vector<1x16xf32> to vector<16xf32>
      %parallel_loop3A_202 = arith.index_cast %parallel_loop3A_196 : i32 to index
      %parallel_loop3A_203 = arith.constant 0 : index
      %parallel_loop3A_204 = tpu.vector_load %arg11[%parallel_loop3A_202, %parallel_loop3A_203] {strides = array<i32>} : memref<128x128xf32, #tpu.memory_space<vmem>>, vector<1x16xf32>,
      %parallel_loop3A_205 = vector.shape_cast %parallel_loop3A_204 : vector<1x16xf32> to vector<16xf32>
      %parallel_loop3A_206 = vector.shape_cast %parallel_loop3A_201 : vector<16xf32> to vector<1x16xf32>
      tpu.vector_store %arg11[%parallel_loop3A_202, %parallel_loop3A_203], %parallel_loop3A_206 {add = true, strides = array<i32>} : memref<128x128xf32, #tpu.memory_space<vmem>>, vector<1x16xf32>,
      %parallel_loop3A_207 = arith.index_cast %parallel_loop3A_197 : i32 to index
      %parallel_loop3A_208 = arith.constant 16 : index
      %parallel_loop3A_209 = tpu.vector_load %arg7[%parallel_loop3A_207, %parallel_loop3A_208] {strides = array<i32>} : memref<400x128xf32, #tpu.memory_space<vmem>>, vector<1x16xf32>,
      %parallel_loop3A_210 = vector.shape_cast %parallel_loop3A_209 : vector<1x16xf32> to vector<16xf32>
      %parallel_loop3A_211 = arith.index_cast %parallel_loop3A_196 : i32 to index
      %parallel_loop3A_212 = arith.constant 16 : index
      %parallel_loop3A_213 = tpu.vector_load %arg11[%parallel_loop3A_211, %parallel_loop3A_212] {strides = array<i32>} : memref<128x128xf32, #tpu.memory_space<vmem>>, vector<1x16xf32>,
      %parallel_loop3A_214 = vector.shape_cast %parallel_loop3A_213 : vector<1x16xf32> to vector<16xf32>
      %parallel_loop3A_215 = vector.shape_cast %parallel_loop3A_210 : vector<16xf32> to vector<1x16xf32>
      tpu.vector_store %arg11[%parallel_loop3A_211, %parallel_loop3A_212], %parallel_loop3A_215 {add = true, strides = array<i32>} : memref<128x128xf32, #tpu.memory_space<vmem>>, vector<1x16xf32>,
      %parallel_loop3A_216 = arith.index_cast %parallel_loop3A_197 : i32 to index
      %parallel_loop3A_217 = arith.constant 32 : index
      %parallel_loop3A_218 = tpu.vector_load %arg7[%parallel_loop3A_216, %parallel_loop3A_217] {strides = array<i32>} : memref<400x128xf32, #tpu.memory_space<vmem>>, vector<1x16xf32>,
      %parallel_loop3A_219 = vector.shape_cast %parallel_loop3A_218 : vector<1x16xf32> to vector<16xf32>
      %parallel_loop3A_220 = arith.index_cast %parallel_loop3A_196 : i32 to index
      %parallel_loop3A_221 = arith.constant 32 : index
      %parallel_loop3A_222 = tpu.vector_load %arg11[%parallel_loop3A_220, %parallel_loop3A_221] {strides = array<i32>} : memref<128x128xf32, #tpu.memory_space<vmem>>, vector<1x16xf32>,
      %parallel_loop3A_223 = vector.shape_cast %parallel_loop3A_222 : vector<1x16xf32> to vector<16xf32>
      %parallel_loop3A_224 = vector.shape_cast %parallel_loop3A_219 : vector<16xf32> to vector<1x16xf32>
      tpu.vector_store %arg11[%parallel_loop3A_220, %parallel_loop3A_221], %parallel_loop3A_224 {add = true, strides = array<i32>} : memref<128x128xf32, #tpu.memory_space<vmem>>, vector<1x16xf32>,
      %parallel_loop3A_225 = arith.index_cast %parallel_loop3A_197 : i32 to index
      %parallel_loop3A_226 = arith.constant 48 : index
      %parallel_loop3A_227 = tpu.vector_load %arg7[%parallel_loop3A_225, %parallel_loop3A_226] {strides = array<i32>} : memref<400x128xf32, #tpu.memory_space<vmem>>, vector<1x16xf32>,
      %parallel_loop3A_228 = vector.shape_cast %parallel_loop3A_227 : vector<1x16xf32> to vector<16xf32>
      %parallel_loop3A_229 = arith.index_cast %parallel_loop3A_196 : i32 to index
      %parallel_loop3A_230 = arith.constant 48 : index
      %parallel_loop3A_231 = tpu.vector_load %arg11[%parallel_loop3A_229, %parallel_loop3A_230] {strides = array<i32>} : memref<128x128xf32, #tpu.memory_space<vmem>>, vector<1x16xf32>,
      %parallel_loop3A_232 = vector.shape_cast %parallel_loop3A_231 : vector<1x16xf32> to vector<16xf32>
      %parallel_loop3A_233 = vector.shape_cast %parallel_loop3A_228 : vector<16xf32> to vector<1x16xf32>
      tpu.vector_store %arg11[%parallel_loop3A_229, %parallel_loop3A_230], %parallel_loop3A_233 {add = true, strides = array<i32>} : memref<128x128xf32, #tpu.memory_space<vmem>>, vector<1x16xf32>,
      %parallel_loop3A_234 = arith.index_cast %parallel_loop3A_197 : i32 to index
      %parallel_loop3A_235 = arith.constant 64 : index
      %parallel_loop3A_236 = tpu.vector_load %arg7[%parallel_loop3A_234, %parallel_loop3A_235] {strides = array<i32>} : memref<400x128xf32, #tpu.memory_space<vmem>>, vector<1x16xf32>,
      %parallel_loop3A_237 = vector.shape_cast %parallel_loop3A_236 : vector<1x16xf32> to vector<16xf32>
      %parallel_loop3A_238 = arith.index_cast %parallel_loop3A_196 : i32 to index
      %parallel_loop3A_239 = arith.constant 64 : index
      %parallel_loop3A_240 = tpu.vector_load %arg11[%parallel_loop3A_238, %parallel_loop3A_239] {strides = array<i32>} : memref<128x128xf32, #tpu.memory_space<vmem>>, vector<1x16xf32>,
      %parallel_loop3A_241 = vector.shape_cast %parallel_loop3A_240 : vector<1x16xf32> to vector<16xf32>
      %parallel_loop3A_242 = vector.shape_cast %parallel_loop3A_237 : vector<16xf32> to vector<1x16xf32>
      tpu.vector_store %arg11[%parallel_loop3A_238, %parallel_loop3A_239], %parallel_loop3A_242 {add = true, strides = array<i32>} : memref<128x128xf32, #tpu.memory_space<vmem>>, vector<1x16xf32>,
      %parallel_loop3A_243 = arith.index_cast %parallel_loop3A_197 : i32 to index
      %parallel_loop3A_244 = arith.constant 80 : index
      %parallel_loop3A_245 = tpu.vector_load %arg7[%parallel_loop3A_243, %parallel_loop3A_244] {strides = array<i32>} : memref<400x128xf32, #tpu.memory_space<vmem>>, vector<1x16xf32>,
      %parallel_loop3A_246 = vector.shape_cast %parallel_loop3A_245 : vector<1x16xf32> to vector<16xf32>
      %parallel_loop3A_247 = arith.index_cast %parallel_loop3A_196 : i32 to index
      %parallel_loop3A_248 = arith.constant 80 : index
      %parallel_loop3A_249 = tpu.vector_load %arg11[%parallel_loop3A_247, %parallel_loop3A_248] {strides = array<i32>} : memref<128x128xf32, #tpu.memory_space<vmem>>, vector<1x16xf32>,
      %parallel_loop3A_250 = vector.shape_cast %parallel_loop3A_249 : vector<1x16xf32> to vector<16xf32>
      %parallel_loop3A_251 = vector.shape_cast %parallel_loop3A_246 : vector<16xf32> to vector<1x16xf32>
      tpu.vector_store %arg11[%parallel_loop3A_247, %parallel_loop3A_248], %parallel_loop3A_251 {add = true, strides = array<i32>} : memref<128x128xf32, #tpu.memory_space<vmem>>, vector<1x16xf32>,
      %parallel_loop3A_252 = arith.index_cast %parallel_loop3A_197 : i32 to index
      %parallel_loop3A_253 = arith.constant 96 : index
      %parallel_loop3A_254 = tpu.vector_load %arg7[%parallel_loop3A_252, %parallel_loop3A_253] {strides = array<i32>} : memref<400x128xf32, #tpu.memory_space<vmem>>, vector<1x16xf32>,
      %parallel_loop3A_255 = vector.shape_cast %parallel_loop3A_254 : vector<1x16xf32> to vector<16xf32>
      %parallel_loop3A_256 = arith.index_cast %parallel_loop3A_196 : i32 to index
      %parallel_loop3A_257 = arith.constant 96 : index
      %parallel_loop3A_258 = tpu.vector_load %arg11[%parallel_loop3A_256, %parallel_loop3A_257] {strides = array<i32>} : memref<128x128xf32, #tpu.memory_space<vmem>>, vector<1x16xf32>,
      %parallel_loop3A_259 = vector.shape_cast %parallel_loop3A_258 : vector<1x16xf32> to vector<16xf32>
      %parallel_loop3A_260 = vector.shape_cast %parallel_loop3A_255 : vector<16xf32> to vector<1x16xf32>
      tpu.vector_store %arg11[%parallel_loop3A_256, %parallel_loop3A_257], %parallel_loop3A_260 {add = true, strides = array<i32>} : memref<128x128xf32, #tpu.memory_space<vmem>>, vector<1x16xf32>,
      %parallel_loop3A_261 = arith.index_cast %parallel_loop3A_197 : i32 to index
      %parallel_loop3A_262 = arith.constant 112 : index
      %parallel_loop3A_263 = tpu.vector_load %arg7[%parallel_loop3A_261, %parallel_loop3A_262] {strides = array<i32>} : memref<400x128xf32, #tpu.memory_space<vmem>>, vector<1x16xf32>,
      %parallel_loop3A_264 = vector.shape_cast %parallel_loop3A_263 : vector<1x16xf32> to vector<16xf32>
      %parallel_loop3A_265 = arith.index_cast %parallel_loop3A_196 : i32 to index
      %parallel_loop3A_266 = arith.constant 112 : index
      %parallel_loop3A_267 = tpu.vector_load %arg11[%parallel_loop3A_265, %parallel_loop3A_266] {strides = array<i32>} : memref<128x128xf32, #tpu.memory_space<vmem>>, vector<1x16xf32>,
      %parallel_loop3A_268 = vector.shape_cast %parallel_loop3A_267 : vector<1x16xf32> to vector<16xf32>
      %parallel_loop3A_269 = vector.shape_cast %parallel_loop3A_264 : vector<16xf32> to vector<1x16xf32>
      tpu.vector_store %arg11[%parallel_loop3A_265, %parallel_loop3A_266], %parallel_loop3A_269 {add = true, strides = array<i32>} : memref<128x128xf32, #tpu.memory_space<vmem>>, vector<1x16xf32>,
    } {sc.loop_unroll_factor = 4 : i64, sc.parallel_access}
    %add3A_132 = arith.constant 6016 : i32
    %add3A_133 = arith.addi %mul3A_2, %add3A_132 : i32
    %dma_start3A_134 = arith.constant 0 : i32
    %dma_start3A_135 = tpu.memref_slice %arg5[%add3A_133, %dma_start3A_134] : memref<204800x128xf32, #tpu.memory_space<hbm>> -> memref<128x128xf32, #tpu.memory_space<hbm>>
    %dma_start3A_136 = arith.constant 0 : i32
    %dma_start3A_137 = tpu.memref_slice %arg5[%add3A_133, %dma_start3A_136] : memref<204800x128xf32, #tpu.memory_space<hbm>> -> memref<128x128xf32, #tpu.memory_space<hbm>>
    tpu.enqueue_dma source(%arg11 : memref<128x128xf32, #tpu.memory_space<vmem>>) target(%dma_start3A_137 : memref<128x128xf32, #tpu.memory_space<hbm>>) target_semaphore(%arg19 : memref<!tpu.dma_semaphore, #tpu.memory_space<semaphore_mem>>)
    %dma_wait3A_138 = arith.constant 6144 : i32
    %dma_wait3A_139 = tpu.memref_slice %arg6[%dma_wait3A_138] : memref<6400xi32, #tpu.memory_space<vmem>> -> memref<128xi32, #tpu.memory_space<vmem>>
    %dma_wait3A_140 = arith.constant 0 : i32
    %dma_wait3A_141 = arith.constant 0 : i32
    %dma_wait3A_142 = tpu.memref_slice %arg3[%dma_wait3A_140, %dma_wait3A_141] : memref<100000x128xf32, #tpu.memory_space<hbm>> -> memref<100000x128xf32, #tpu.memory_space<hbm>>
    tpu.wait_indirect_dma semaphore(%arg12 : memref<!tpu.dma_semaphore, #tpu.memory_space<semaphore_mem>>) src(%dma_wait3A_142 : memref<100000x128xf32, #tpu.memory_space<hbm>>) dst(%arg8 : memref<128x128xf32, #tpu.memory_space<vmem>>)
    %rem3A_143 = arith.constant 6144 : i32
    %rem3A_144 = arith.constant 200 : i32
    %rem3A_145 = arith.remsi %rem3A_143, %rem3A_144 : i32
    %parallel_loop3A_146 = arith.constant 0 : i32
    %parallel_loop3A_147 = arith.constant 128 : i32
    %parallel_loop3A_148 = arith.constant 1 : i32
    scf.for %parallel_loop3A_196 = %parallel_loop3A_146 to %parallel_loop3A_147 step %parallel_loop3A_148  : i32 {
      %parallel_loop3A_197 = arith.addi %rem3A_145, %parallel_loop3A_196 : i32
      %parallel_loop3A_198 = arith.index_cast %parallel_loop3A_197 : i32 to index
      %parallel_loop3A_199 = arith.constant 0 : index
      %parallel_loop3A_200 = tpu.vector_load %arg7[%parallel_loop3A_198, %parallel_loop3A_199] {strides = array<i32>} : memref<400x128xf32, #tpu.memory_space<vmem>>, vector<1x16xf32>,
      %parallel_loop3A_201 = vector.shape_cast %parallel_loop3A_200 : vector<1x16xf32> to vector<16xf32>
      %parallel_loop3A_202 = arith.index_cast %parallel_loop3A_196 : i32 to index
      %parallel_loop3A_203 = arith.constant 0 : index
      %parallel_loop3A_204 = tpu.vector_load %arg8[%parallel_loop3A_202, %parallel_loop3A_203] {strides = array<i32>} : memref<128x128xf32, #tpu.memory_space<vmem>>, vector<1x16xf32>,
      %parallel_loop3A_205 = vector.shape_cast %parallel_loop3A_204 : vector<1x16xf32> to vector<16xf32>
      %parallel_loop3A_206 = vector.shape_cast %parallel_loop3A_201 : vector<16xf32> to vector<1x16xf32>
      tpu.vector_store %arg8[%parallel_loop3A_202, %parallel_loop3A_203], %parallel_loop3A_206 {add = true, strides = array<i32>} : memref<128x128xf32, #tpu.memory_space<vmem>>, vector<1x16xf32>,
      %parallel_loop3A_207 = arith.index_cast %parallel_loop3A_197 : i32 to index
      %parallel_loop3A_208 = arith.constant 16 : index
      %parallel_loop3A_209 = tpu.vector_load %arg7[%parallel_loop3A_207, %parallel_loop3A_208] {strides = array<i32>} : memref<400x128xf32, #tpu.memory_space<vmem>>, vector<1x16xf32>,
      %parallel_loop3A_210 = vector.shape_cast %parallel_loop3A_209 : vector<1x16xf32> to vector<16xf32>
      %parallel_loop3A_211 = arith.index_cast %parallel_loop3A_196 : i32 to index
      %parallel_loop3A_212 = arith.constant 16 : index
      %parallel_loop3A_213 = tpu.vector_load %arg8[%parallel_loop3A_211, %parallel_loop3A_212] {strides = array<i32>} : memref<128x128xf32, #tpu.memory_space<vmem>>, vector<1x16xf32>,
      %parallel_loop3A_214 = vector.shape_cast %parallel_loop3A_213 : vector<1x16xf32> to vector<16xf32>
      %parallel_loop3A_215 = vector.shape_cast %parallel_loop3A_210 : vector<16xf32> to vector<1x16xf32>
      tpu.vector_store %arg8[%parallel_loop3A_211, %parallel_loop3A_212], %parallel_loop3A_215 {add = true, strides = array<i32>} : memref<128x128xf32, #tpu.memory_space<vmem>>, vector<1x16xf32>,
      %parallel_loop3A_216 = arith.index_cast %parallel_loop3A_197 : i32 to index
      %parallel_loop3A_217 = arith.constant 32 : index
      %parallel_loop3A_218 = tpu.vector_load %arg7[%parallel_loop3A_216, %parallel_loop3A_217] {strides = array<i32>} : memref<400x128xf32, #tpu.memory_space<vmem>>, vector<1x16xf32>,
      %parallel_loop3A_219 = vector.shape_cast %parallel_loop3A_218 : vector<1x16xf32> to vector<16xf32>
      %parallel_loop3A_220 = arith.index_cast %parallel_loop3A_196 : i32 to index
      %parallel_loop3A_221 = arith.constant 32 : index
      %parallel_loop3A_222 = tpu.vector_load %arg8[%parallel_loop3A_220, %parallel_loop3A_221] {strides = array<i32>} : memref<128x128xf32, #tpu.memory_space<vmem>>, vector<1x16xf32>,
      %parallel_loop3A_223 = vector.shape_cast %parallel_loop3A_222 : vector<1x16xf32> to vector<16xf32>
      %parallel_loop3A_224 = vector.shape_cast %parallel_loop3A_219 : vector<16xf32> to vector<1x16xf32>
      tpu.vector_store %arg8[%parallel_loop3A_220, %parallel_loop3A_221], %parallel_loop3A_224 {add = true, strides = array<i32>} : memref<128x128xf32, #tpu.memory_space<vmem>>, vector<1x16xf32>,
      %parallel_loop3A_225 = arith.index_cast %parallel_loop3A_197 : i32 to index
      %parallel_loop3A_226 = arith.constant 48 : index
      %parallel_loop3A_227 = tpu.vector_load %arg7[%parallel_loop3A_225, %parallel_loop3A_226] {strides = array<i32>} : memref<400x128xf32, #tpu.memory_space<vmem>>, vector<1x16xf32>,
      %parallel_loop3A_228 = vector.shape_cast %parallel_loop3A_227 : vector<1x16xf32> to vector<16xf32>
      %parallel_loop3A_229 = arith.index_cast %parallel_loop3A_196 : i32 to index
      %parallel_loop3A_230 = arith.constant 48 : index
      %parallel_loop3A_231 = tpu.vector_load %arg8[%parallel_loop3A_229, %parallel_loop3A_230] {strides = array<i32>} : memref<128x128xf32, #tpu.memory_space<vmem>>, vector<1x16xf32>,
      %parallel_loop3A_232 = vector.shape_cast %parallel_loop3A_231 : vector<1x16xf32> to vector<16xf32>
      %parallel_loop3A_233 = vector.shape_cast %parallel_loop3A_228 : vector<16xf32> to vector<1x16xf32>
      tpu.vector_store %arg8[%parallel_loop3A_229, %parallel_loop3A_230], %parallel_loop3A_233 {add = true, strides = array<i32>} : memref<128x128xf32, #tpu.memory_space<vmem>>, vector<1x16xf32>,
      %parallel_loop3A_234 = arith.index_cast %parallel_loop3A_197 : i32 to index
      %parallel_loop3A_235 = arith.constant 64 : index
      %parallel_loop3A_236 = tpu.vector_load %arg7[%parallel_loop3A_234, %parallel_loop3A_235] {strides = array<i32>} : memref<400x128xf32, #tpu.memory_space<vmem>>, vector<1x16xf32>,
      %parallel_loop3A_237 = vector.shape_cast %parallel_loop3A_236 : vector<1x16xf32> to vector<16xf32>
      %parallel_loop3A_238 = arith.index_cast %parallel_loop3A_196 : i32 to index
      %parallel_loop3A_239 = arith.constant 64 : index
      %parallel_loop3A_240 = tpu.vector_load %arg8[%parallel_loop3A_238, %parallel_loop3A_239] {strides = array<i32>} : memref<128x128xf32, #tpu.memory_space<vmem>>, vector<1x16xf32>,
      %parallel_loop3A_241 = vector.shape_cast %parallel_loop3A_240 : vector<1x16xf32> to vector<16xf32>
      %parallel_loop3A_242 = vector.shape_cast %parallel_loop3A_237 : vector<16xf32> to vector<1x16xf32>
      tpu.vector_store %arg8[%parallel_loop3A_238, %parallel_loop3A_239], %parallel_loop3A_242 {add = true, strides = array<i32>} : memref<128x128xf32, #tpu.memory_space<vmem>>, vector<1x16xf32>,
      %parallel_loop3A_243 = arith.index_cast %parallel_loop3A_197 : i32 to index
      %parallel_loop3A_244 = arith.constant 80 : index
      %parallel_loop3A_245 = tpu.vector_load %arg7[%parallel_loop3A_243, %parallel_loop3A_244] {strides = array<i32>} : memref<400x128xf32, #tpu.memory_space<vmem>>, vector<1x16xf32>,
      %parallel_loop3A_246 = vector.shape_cast %parallel_loop3A_245 : vector<1x16xf32> to vector<16xf32>
      %parallel_loop3A_247 = arith.index_cast %parallel_loop3A_196 : i32 to index
      %parallel_loop3A_248 = arith.constant 80 : index
      %parallel_loop3A_249 = tpu.vector_load %arg8[%parallel_loop3A_247, %parallel_loop3A_248] {strides = array<i32>} : memref<128x128xf32, #tpu.memory_space<vmem>>, vector<1x16xf32>,
      %parallel_loop3A_250 = vector.shape_cast %parallel_loop3A_249 : vector<1x16xf32> to vector<16xf32>
      %parallel_loop3A_251 = vector.shape_cast %parallel_loop3A_246 : vector<16xf32> to vector<1x16xf32>
      tpu.vector_store %arg8[%parallel_loop3A_247, %parallel_loop3A_248], %parallel_loop3A_251 {add = true, strides = array<i32>} : memref<128x128xf32, #tpu.memory_space<vmem>>, vector<1x16xf32>,
      %parallel_loop3A_252 = arith.index_cast %parallel_loop3A_197 : i32 to index
      %parallel_loop3A_253 = arith.constant 96 : index
      %parallel_loop3A_254 = tpu.vector_load %arg7[%parallel_loop3A_252, %parallel_loop3A_253] {strides = array<i32>} : memref<400x128xf32, #tpu.memory_space<vmem>>, vector<1x16xf32>,
      %parallel_loop3A_255 = vector.shape_cast %parallel_loop3A_254 : vector<1x16xf32> to vector<16xf32>
      %parallel_loop3A_256 = arith.index_cast %parallel_loop3A_196 : i32 to index
      %parallel_loop3A_257 = arith.constant 96 : index
      %parallel_loop3A_258 = tpu.vector_load %arg8[%parallel_loop3A_256, %parallel_loop3A_257] {strides = array<i32>} : memref<128x128xf32, #tpu.memory_space<vmem>>, vector<1x16xf32>,
      %parallel_loop3A_259 = vector.shape_cast %parallel_loop3A_258 : vector<1x16xf32> to vector<16xf32>
      %parallel_loop3A_260 = vector.shape_cast %parallel_loop3A_255 : vector<16xf32> to vector<1x16xf32>
      tpu.vector_store %arg8[%parallel_loop3A_256, %parallel_loop3A_257], %parallel_loop3A_260 {add = true, strides = array<i32>} : memref<128x128xf32, #tpu.memory_space<vmem>>, vector<1x16xf32>,
      %parallel_loop3A_261 = arith.index_cast %parallel_loop3A_197 : i32 to index
      %parallel_loop3A_262 = arith.constant 112 : index
      %parallel_loop3A_263 = tpu.vector_load %arg7[%parallel_loop3A_261, %parallel_loop3A_262] {strides = array<i32>} : memref<400x128xf32, #tpu.memory_space<vmem>>, vector<1x16xf32>,
      %parallel_loop3A_264 = vector.shape_cast %parallel_loop3A_263 : vector<1x16xf32> to vector<16xf32>
      %parallel_loop3A_265 = arith.index_cast %parallel_loop3A_196 : i32 to index
      %parallel_loop3A_266 = arith.constant 112 : index
      %parallel_loop3A_267 = tpu.vector_load %arg8[%parallel_loop3A_265, %parallel_loop3A_266] {strides = array<i32>} : memref<128x128xf32, #tpu.memory_space<vmem>>, vector<1x16xf32>,
      %parallel_loop3A_268 = vector.shape_cast %parallel_loop3A_267 : vector<1x16xf32> to vector<16xf32>
      %parallel_loop3A_269 = vector.shape_cast %parallel_loop3A_264 : vector<16xf32> to vector<1x16xf32>
      tpu.vector_store %arg8[%parallel_loop3A_265, %parallel_loop3A_266], %parallel_loop3A_269 {add = true, strides = array<i32>} : memref<128x128xf32, #tpu.memory_space<vmem>>, vector<1x16xf32>,
    } {sc.loop_unroll_factor = 4 : i64, sc.parallel_access}
    %add3A_149 = arith.constant 6144 : i32
    %add3A_150 = arith.addi %mul3A_2, %add3A_149 : i32
    %dma_start3A_151 = arith.constant 0 : i32
    %dma_start3A_152 = tpu.memref_slice %arg5[%add3A_150, %dma_start3A_151] : memref<204800x128xf32, #tpu.memory_space<hbm>> -> memref<128x128xf32, #tpu.memory_space<hbm>>
    %dma_start3A_153 = arith.constant 0 : i32
    %dma_start3A_154 = tpu.memref_slice %arg5[%add3A_150, %dma_start3A_153] : memref<204800x128xf32, #tpu.memory_space<hbm>> -> memref<128x128xf32, #tpu.memory_space<hbm>>
    tpu.enqueue_dma source(%arg8 : memref<128x128xf32, #tpu.memory_space<vmem>>) target(%dma_start3A_154 : memref<128x128xf32, #tpu.memory_space<hbm>>) target_semaphore(%arg16 : memref<!tpu.dma_semaphore, #tpu.memory_space<semaphore_mem>>)
    %dma_wait3A_155 = arith.constant 6272 : i32
    %dma_wait3A_156 = tpu.memref_slice %arg6[%dma_wait3A_155] : memref<6400xi32, #tpu.memory_space<vmem>> -> memref<128xi32, #tpu.memory_space<vmem>>
    %dma_wait3A_157 = arith.constant 0 : i32
    %dma_wait3A_158 = arith.constant 0 : i32
    %dma_wait3A_159 = tpu.memref_slice %arg3[%dma_wait3A_157, %dma_wait3A_158] : memref<100000x128xf32, #tpu.memory_space<hbm>> -> memref<100000x128xf32, #tpu.memory_space<hbm>>
    tpu.wait_indirect_dma semaphore(%arg13 : memref<!tpu.dma_semaphore, #tpu.memory_space<semaphore_mem>>) src(%dma_wait3A_159 : memref<100000x128xf32, #tpu.memory_space<hbm>>) dst(%arg9 : memref<128x128xf32, #tpu.memory_space<vmem>>)
    %rem3A_160 = arith.constant 6272 : i32
    %rem3A_161 = arith.constant 200 : i32
    %rem3A_162 = arith.remsi %rem3A_160, %rem3A_161 : i32
    %parallel_loop3A_163 = arith.constant 0 : i32
    %parallel_loop3A_164 = arith.constant 128 : i32
    %parallel_loop3A_165 = arith.constant 1 : i32
    scf.for %parallel_loop3A_196 = %parallel_loop3A_163 to %parallel_loop3A_164 step %parallel_loop3A_165  : i32 {
      %parallel_loop3A_197 = arith.addi %rem3A_162, %parallel_loop3A_196 : i32
      %parallel_loop3A_198 = arith.index_cast %parallel_loop3A_197 : i32 to index
      %parallel_loop3A_199 = arith.constant 0 : index
      %parallel_loop3A_200 = tpu.vector_load %arg7[%parallel_loop3A_198, %parallel_loop3A_199] {strides = array<i32>} : memref<400x128xf32, #tpu.memory_space<vmem>>, vector<1x16xf32>,
      %parallel_loop3A_201 = vector.shape_cast %parallel_loop3A_200 : vector<1x16xf32> to vector<16xf32>
      %parallel_loop3A_202 = arith.index_cast %parallel_loop3A_196 : i32 to index
      %parallel_loop3A_203 = arith.constant 0 : index
      %parallel_loop3A_204 = tpu.vector_load %arg9[%parallel_loop3A_202, %parallel_loop3A_203] {strides = array<i32>} : memref<128x128xf32, #tpu.memory_space<vmem>>, vector<1x16xf32>,
      %parallel_loop3A_205 = vector.shape_cast %parallel_loop3A_204 : vector<1x16xf32> to vector<16xf32>
      %parallel_loop3A_206 = vector.shape_cast %parallel_loop3A_201 : vector<16xf32> to vector<1x16xf32>
      tpu.vector_store %arg9[%parallel_loop3A_202, %parallel_loop3A_203], %parallel_loop3A_206 {add = true, strides = array<i32>} : memref<128x128xf32, #tpu.memory_space<vmem>>, vector<1x16xf32>,
      %parallel_loop3A_207 = arith.index_cast %parallel_loop3A_197 : i32 to index
      %parallel_loop3A_208 = arith.constant 16 : index
      %parallel_loop3A_209 = tpu.vector_load %arg7[%parallel_loop3A_207, %parallel_loop3A_208] {strides = array<i32>} : memref<400x128xf32, #tpu.memory_space<vmem>>, vector<1x16xf32>,
      %parallel_loop3A_210 = vector.shape_cast %parallel_loop3A_209 : vector<1x16xf32> to vector<16xf32>
      %parallel_loop3A_211 = arith.index_cast %parallel_loop3A_196 : i32 to index
      %parallel_loop3A_212 = arith.constant 16 : index
      %parallel_loop3A_213 = tpu.vector_load %arg9[%parallel_loop3A_211, %parallel_loop3A_212] {strides = array<i32>} : memref<128x128xf32, #tpu.memory_space<vmem>>, vector<1x16xf32>,
      %parallel_loop3A_214 = vector.shape_cast %parallel_loop3A_213 : vector<1x16xf32> to vector<16xf32>
      %parallel_loop3A_215 = vector.shape_cast %parallel_loop3A_210 : vector<16xf32> to vector<1x16xf32>
      tpu.vector_store %arg9[%parallel_loop3A_211, %parallel_loop3A_212], %parallel_loop3A_215 {add = true, strides = array<i32>} : memref<128x128xf32, #tpu.memory_space<vmem>>, vector<1x16xf32>,
      %parallel_loop3A_216 = arith.index_cast %parallel_loop3A_197 : i32 to index
      %parallel_loop3A_217 = arith.constant 32 : index
      %parallel_loop3A_218 = tpu.vector_load %arg7[%parallel_loop3A_216, %parallel_loop3A_217] {strides = array<i32>} : memref<400x128xf32, #tpu.memory_space<vmem>>, vector<1x16xf32>,
      %parallel_loop3A_219 = vector.shape_cast %parallel_loop3A_218 : vector<1x16xf32> to vector<16xf32>
      %parallel_loop3A_220 = arith.index_cast %parallel_loop3A_196 : i32 to index
      %parallel_loop3A_221 = arith.constant 32 : index
      %parallel_loop3A_222 = tpu.vector_load %arg9[%parallel_loop3A_220, %parallel_loop3A_221] {strides = array<i32>} : memref<128x128xf32, #tpu.memory_space<vmem>>, vector<1x16xf32>,
      %parallel_loop3A_223 = vector.shape_cast %parallel_loop3A_222 : vector<1x16xf32> to vector<16xf32>
      %parallel_loop3A_224 = vector.shape_cast %parallel_loop3A_219 : vector<16xf32> to vector<1x16xf32>
      tpu.vector_store %arg9[%parallel_loop3A_220, %parallel_loop3A_221], %parallel_loop3A_224 {add = true, strides = array<i32>} : memref<128x128xf32, #tpu.memory_space<vmem>>, vector<1x16xf32>,
      %parallel_loop3A_225 = arith.index_cast %parallel_loop3A_197 : i32 to index
      %parallel_loop3A_226 = arith.constant 48 : index
      %parallel_loop3A_227 = tpu.vector_load %arg7[%parallel_loop3A_225, %parallel_loop3A_226] {strides = array<i32>} : memref<400x128xf32, #tpu.memory_space<vmem>>, vector<1x16xf32>,
      %parallel_loop3A_228 = vector.shape_cast %parallel_loop3A_227 : vector<1x16xf32> to vector<16xf32>
      %parallel_loop3A_229 = arith.index_cast %parallel_loop3A_196 : i32 to index
      %parallel_loop3A_230 = arith.constant 48 : index
      %parallel_loop3A_231 = tpu.vector_load %arg9[%parallel_loop3A_229, %parallel_loop3A_230] {strides = array<i32>} : memref<128x128xf32, #tpu.memory_space<vmem>>, vector<1x16xf32>,
      %parallel_loop3A_232 = vector.shape_cast %parallel_loop3A_231 : vector<1x16xf32> to vector<16xf32>
      %parallel_loop3A_233 = vector.shape_cast %parallel_loop3A_228 : vector<16xf32> to vector<1x16xf32>
      tpu.vector_store %arg9[%parallel_loop3A_229, %parallel_loop3A_230], %parallel_loop3A_233 {add = true, strides = array<i32>} : memref<128x128xf32, #tpu.memory_space<vmem>>, vector<1x16xf32>,
      %parallel_loop3A_234 = arith.index_cast %parallel_loop3A_197 : i32 to index
      %parallel_loop3A_235 = arith.constant 64 : index
      %parallel_loop3A_236 = tpu.vector_load %arg7[%parallel_loop3A_234, %parallel_loop3A_235] {strides = array<i32>} : memref<400x128xf32, #tpu.memory_space<vmem>>, vector<1x16xf32>,
      %parallel_loop3A_237 = vector.shape_cast %parallel_loop3A_236 : vector<1x16xf32> to vector<16xf32>
      %parallel_loop3A_238 = arith.index_cast %parallel_loop3A_196 : i32 to index
      %parallel_loop3A_239 = arith.constant 64 : index
      %parallel_loop3A_240 = tpu.vector_load %arg9[%parallel_loop3A_238, %parallel_loop3A_239] {strides = array<i32>} : memref<128x128xf32, #tpu.memory_space<vmem>>, vector<1x16xf32>,
      %parallel_loop3A_241 = vector.shape_cast %parallel_loop3A_240 : vector<1x16xf32> to vector<16xf32>
      %parallel_loop3A_242 = vector.shape_cast %parallel_loop3A_237 : vector<16xf32> to vector<1x16xf32>
      tpu.vector_store %arg9[%parallel_loop3A_238, %parallel_loop3A_239], %parallel_loop3A_242 {add = true, strides = array<i32>} : memref<128x128xf32, #tpu.memory_space<vmem>>, vector<1x16xf32>,
      %parallel_loop3A_243 = arith.index_cast %parallel_loop3A_197 : i32 to index
      %parallel_loop3A_244 = arith.constant 80 : index
      %parallel_loop3A_245 = tpu.vector_load %arg7[%parallel_loop3A_243, %parallel_loop3A_244] {strides = array<i32>} : memref<400x128xf32, #tpu.memory_space<vmem>>, vector<1x16xf32>,
      %parallel_loop3A_246 = vector.shape_cast %parallel_loop3A_245 : vector<1x16xf32> to vector<16xf32>
      %parallel_loop3A_247 = arith.index_cast %parallel_loop3A_196 : i32 to index
      %parallel_loop3A_248 = arith.constant 80 : index
      %parallel_loop3A_249 = tpu.vector_load %arg9[%parallel_loop3A_247, %parallel_loop3A_248] {strides = array<i32>} : memref<128x128xf32, #tpu.memory_space<vmem>>, vector<1x16xf32>,
      %parallel_loop3A_250 = vector.shape_cast %parallel_loop3A_249 : vector<1x16xf32> to vector<16xf32>
      %parallel_loop3A_251 = vector.shape_cast %parallel_loop3A_246 : vector<16xf32> to vector<1x16xf32>
      tpu.vector_store %arg9[%parallel_loop3A_247, %parallel_loop3A_248], %parallel_loop3A_251 {add = true, strides = array<i32>} : memref<128x128xf32, #tpu.memory_space<vmem>>, vector<1x16xf32>,
      %parallel_loop3A_252 = arith.index_cast %parallel_loop3A_197 : i32 to index
      %parallel_loop3A_253 = arith.constant 96 : index
      %parallel_loop3A_254 = tpu.vector_load %arg7[%parallel_loop3A_252, %parallel_loop3A_253] {strides = array<i32>} : memref<400x128xf32, #tpu.memory_space<vmem>>, vector<1x16xf32>,
      %parallel_loop3A_255 = vector.shape_cast %parallel_loop3A_254 : vector<1x16xf32> to vector<16xf32>
      %parallel_loop3A_256 = arith.index_cast %parallel_loop3A_196 : i32 to index
      %parallel_loop3A_257 = arith.constant 96 : index
      %parallel_loop3A_258 = tpu.vector_load %arg9[%parallel_loop3A_256, %parallel_loop3A_257] {strides = array<i32>} : memref<128x128xf32, #tpu.memory_space<vmem>>, vector<1x16xf32>,
      %parallel_loop3A_259 = vector.shape_cast %parallel_loop3A_258 : vector<1x16xf32> to vector<16xf32>
      %parallel_loop3A_260 = vector.shape_cast %parallel_loop3A_255 : vector<16xf32> to vector<1x16xf32>
      tpu.vector_store %arg9[%parallel_loop3A_256, %parallel_loop3A_257], %parallel_loop3A_260 {add = true, strides = array<i32>} : memref<128x128xf32, #tpu.memory_space<vmem>>, vector<1x16xf32>,
      %parallel_loop3A_261 = arith.index_cast %parallel_loop3A_197 : i32 to index
      %parallel_loop3A_262 = arith.constant 112 : index
      %parallel_loop3A_263 = tpu.vector_load %arg7[%parallel_loop3A_261, %parallel_loop3A_262] {strides = array<i32>} : memref<400x128xf32, #tpu.memory_space<vmem>>, vector<1x16xf32>,
      %parallel_loop3A_264 = vector.shape_cast %parallel_loop3A_263 : vector<1x16xf32> to vector<16xf32>
      %parallel_loop3A_265 = arith.index_cast %parallel_loop3A_196 : i32 to index
      %parallel_loop3A_266 = arith.constant 112 : index
      %parallel_loop3A_267 = tpu.vector_load %arg9[%parallel_loop3A_265, %parallel_loop3A_266] {strides = array<i32>} : memref<128x128xf32, #tpu.memory_space<vmem>>, vector<1x16xf32>,
      %parallel_loop3A_268 = vector.shape_cast %parallel_loop3A_267 : vector<1x16xf32> to vector<16xf32>
      %parallel_loop3A_269 = vector.shape_cast %parallel_loop3A_264 : vector<16xf32> to vector<1x16xf32>
      tpu.vector_store %arg9[%parallel_loop3A_265, %parallel_loop3A_266], %parallel_loop3A_269 {add = true, strides = array<i32>} : memref<128x128xf32, #tpu.memory_space<vmem>>, vector<1x16xf32>,
    } {sc.loop_unroll_factor = 4 : i64, sc.parallel_access}
    %add3A_166 = arith.constant 6272 : i32
    %add3A_167 = arith.addi %mul3A_2, %add3A_166 : i32
    %dma_start3A_168 = arith.constant 0 : i32
    %dma_start3A_169 = tpu.memref_slice %arg5[%add3A_167, %dma_start3A_168] : memref<204800x128xf32, #tpu.memory_space<hbm>> -> memref<128x128xf32, #tpu.memory_space<hbm>>
    %dma_start3A_170 = arith.constant 0 : i32
    %dma_start3A_171 = tpu.memref_slice %arg5[%add3A_167, %dma_start3A_170] : memref<204800x128xf32, #tpu.memory_space<hbm>> -> memref<128x128xf32, #tpu.memory_space<hbm>>
    tpu.enqueue_dma source(%arg9 : memref<128x128xf32, #tpu.memory_space<vmem>>) target(%dma_start3A_171 : memref<128x128xf32, #tpu.memory_space<hbm>>) target_semaphore(%arg17 : memref<!tpu.dma_semaphore, #tpu.memory_space<semaphore_mem>>)
    %add3A_172 = arith.constant 5888 : i32
    %add3A_173 = arith.addi %mul3A_2, %add3A_172 : i32
    %dma_wait3A_174 = arith.constant 0 : i32
    %dma_wait3A_175 = tpu.memref_slice %arg5[%add3A_173, %dma_wait3A_174] : memref<204800x128xf32, #tpu.memory_space<hbm>> -> memref<128x128xf32, #tpu.memory_space<hbm>>
    %dma_wait3A_176 = arith.constant 0 : i32
    %dma_wait3A_177 = tpu.memref_slice %arg5[%add3A_173, %dma_wait3A_176] : memref<204800x128xf32, #tpu.memory_space<hbm>> -> memref<128x128xf32, #tpu.memory_space<hbm>>
    tpu.wait_dma2 semaphore(%arg18 : memref<!tpu.dma_semaphore, #tpu.memory_space<semaphore_mem>>) src(%arg10 : memref<128x128xf32, #tpu.memory_space<vmem>>) dst(%dma_wait3A_177 : memref<128x128xf32, #tpu.memory_space<hbm>>)
    %add3A_178 = arith.constant 6016 : i32
    %add3A_179 = arith.addi %mul3A_2, %add3A_178 : i32
    %dma_wait3A_180 = arith.constant 0 : i32
    %dma_wait3A_181 = tpu.memref_slice %arg5[%add3A_179, %dma_wait3A_180] : memref<204800x128xf32, #tpu.memory_space<hbm>> -> memref<128x128xf32, #tpu.memory_space<hbm>>
    %dma_wait3A_182 = arith.constant 0 : i32
    %dma_wait3A_183 = tpu.memref_slice %arg5[%add3A_179, %dma_wait3A_182] : memref<204800x128xf32, #tpu.memory_space<hbm>> -> memref<128x128xf32, #tpu.memory_space<hbm>>
    tpu.wait_dma2 semaphore(%arg19 : memref<!tpu.dma_semaphore, #tpu.memory_space<semaphore_mem>>) src(%arg11 : memref<128x128xf32, #tpu.memory_space<vmem>>) dst(%dma_wait3A_183 : memref<128x128xf32, #tpu.memory_space<hbm>>)
    %add3A_184 = arith.constant 6144 : i32
    %add3A_185 = arith.addi %mul3A_2, %add3A_184 : i32
    %dma_wait3A_186 = arith.constant 0 : i32
    %dma_wait3A_187 = tpu.memref_slice %arg5[%add3A_185, %dma_wait3A_186] : memref<204800x128xf32, #tpu.memory_space<hbm>> -> memref<128x128xf32, #tpu.memory_space<hbm>>
    %dma_wait3A_188 = arith.constant 0 : i32
    %dma_wait3A_189 = tpu.memref_slice %arg5[%add3A_185, %dma_wait3A_188] : memref<204800x128xf32, #tpu.memory_space<hbm>> -> memref<128x128xf32, #tpu.memory_space<hbm>>
    tpu.wait_dma2 semaphore(%arg16 : memref<!tpu.dma_semaphore, #tpu.memory_space<semaphore_mem>>) src(%arg8 : memref<128x128xf32, #tpu.memory_space<vmem>>) dst(%dma_wait3A_189 : memref<128x128xf32, #tpu.memory_space<hbm>>)
    %add3A_190 = arith.constant 6272 : i32
    %add3A_191 = arith.addi %mul3A_2, %add3A_190 : i32
    %dma_wait3A_192 = arith.constant 0 : i32
    %dma_wait3A_193 = tpu.memref_slice %arg5[%add3A_191, %dma_wait3A_192] : memref<204800x128xf32, #tpu.memory_space<hbm>> -> memref<128x128xf32, #tpu.memory_space<hbm>>
    %dma_wait3A_194 = arith.constant 0 : i32
    %dma_wait3A_195 = tpu.memref_slice %arg5[%add3A_191, %dma_wait3A_194] : memref<204800x128xf32, #tpu.memory_space<hbm>> -> memref<128x128xf32, #tpu.memory_space<hbm>>
    tpu.wait_dma2 semaphore(%arg17 : memref<!tpu.dma_semaphore, #tpu.memory_space<semaphore_mem>>) src(%arg9 : memref<128x128xf32, #tpu.memory_space<vmem>>) dst(%dma_wait3A_195 : memref<128x128xf32, #tpu.memory_space<hbm>>)
    return
  }
}

</mosaic_0001>

<sc_bundles>
// kernel: kernel.3.cloned.1.call-start
scs
__scs_entry_jumppad:
0x0: {  	(pc) =	sbr.rel $0x88, $3  }
0x1: {  	(tag) =	ssettag $0x0;
	lr =	simm.s32 $0x1  }
0x2: {  	[smem:$0x3F9E] =	sst lr;
	_ =	strace $0xD0000000  }
0x3: {  	_ = 	snop  }
0x4: {  	_ = 	snop  }
0x5: {  	_ = 	snop  }
0x6: {  	_ = 	snop  }
0x7: {  	_ = 	snop  }
__scs_overlays_trampoline_lowered:
0x8: {  	[smem:$0x3FAD] =	sst s0  }
0x9: {  	[smem:$0x3FAE] =	sst s1  }
0xa: {  	[smem:$0x3FAF] =	sst s2  }
0xb: {  	[smem:$0x3FB0] =	sst s3  }
0xc: {  	[smem:$0x3FB1] =	sst s4  }
0xd: {  	[smem:$0x3FB2] =	sst s5  }
0xe: {  	[smem:$0x3FB3] =	sst s6  }
0xf: {  	[smem:$0x3FB4] =	sst s7  }
0x10: {  	[smem:$0x3FB5] =	sst s8  }
0x11: {  	[smem:$0x3FB6] =	sst s9;
	s0 =	simm.s32 @!p0 $0x0  }
0x12: {  	s1 =	sld [smem:$0x3F9C];
	s0 =	simm.s32 @p0 $0x1  }
0x13: {  	[smem:$0x3FB7] =	sst s0;
	s0 =	simm.s32 @!p1 $0x0  }
0x14: {  	s2 =	sld [smem:$0x3F9B];
	s0 =	simm.s32 @p1 $0x1  }
0x15: {  	[smem:$0x3FB8] =	sst s0;
	s0 =	simm.s32 @!p2 $0x0  }
0x16: {  	s3 =	sld [smem:$0x3FDB];
	s0 =	simm.s32 @p2 $0x1  }
0x17: {  	s4 =	simm.s32 $0x1BF5;
	[smem:$0x3FBA] =	sst s0  }
0x18: {  	s0 =	sld [smem:$0x3F9D];
	_ =	swait.ge [sflag:s4], $0x0  }
0x19: {  	s7 =	sld [smem:$0x3F9E]  }
0x1a: {  	s8 =	sadd.s32 $0xFFFFE003, lr  }
0x1b: {  	s9 =	sadd.s32 $0xFFFFFEF7, lr;
	s5 =	simm.s32 $0xFFFFFFFF;
	p2 =	slt.u32 s8, $0xFFFFF086  }
0x1c: {  	p1 =	slt.u32 s9, $0xF7A;
	s5 =	simm.s32 @!p2 $0x0  }
0x1d: {  	s5 =	simm.s32 @p1 $0x1;
	p0 =	seq.s32 s7, s2  }
0x1e: {  	s7 =	smul.u32 @!p0 $0xF7A, s2;
	p2 =	seq.s32 @!p0 s5, $0x0  }
0x1f: {  	s9 =	smul.u32 $0xF7A, s1;
	s8 =	simm.s32 @!p0 $0x1BF5;
	p2 =	por !p2, p0  }
0x20: {  	[sflag:s8] =	ssyncset.s32 @!p0 $0xFFFFF086;
	s6 =	sadd.s32 @!p0 s3, s7;
	s7 =	simm.s32 @!p0 $0x108  }
0x21: {  	s3 =	sadd.s32 s3, s9;
	s6 =	sadd.s32 @!p0 $0x88, s6;
	s7 =	simm.s32 @p2 $0x1082  }
0x22: {  	[simem:s7], [sflag:s8] =	dma.local @!p0 [hbm:s6], $0xF7A  }
0x23: {  	s9 =	sor.u32 $0xD0000000, s2;
	s6 =	simm.s32 $0x108;
	_ =	swait.ge @!p0 [sflag:s8], $0x0  }
0x24: {  	s3 =	sadd.s32 $0x88, s3;
	s6 =	simm.s32 @!p1 $0x1082;
	[sflag:s4] =	ssyncset.s32 $0xFFFFF086  }
0x25: {  	[simem:s6], [sflag:s4] =	dma.local [hbm:s3], $0xF7A  }
0x26: {  	[smem:$0x3F9E] =	sst s1;
	(tag) =	ssettag s2;
	_ =	strace s9  }
0x27: {  	s1 =	sld [smem:$0x3FAE]  }
0x28: {  	s2 =	sld [smem:$0x3FAF]  }
0x29: {  	s4 =	sld [smem:$0x3FB1]  }
0x2a: {  	p0 =	seq.s32 s5, $0x0;
	s5 =	sld [smem:$0x3FB2]  }
0x2b: {  	s6 =	sld [smem:$0x3FB3]  }
0x2c: {  	s7 =	sld [smem:$0x3FB4]  }
0x2d: {  	s3 =	simm.s32 $0x108;
	s8 =	sld [smem:$0x3FB5]  }
0x2e: {  	s3 =	simm.s32 @!p0 $0x1082;
	s9 =	sld [smem:$0x3FB6]  }
0x2f: {  	lr =	sadd.s32 s0, s3;
	s0 =	sld [smem:$0x3FAD]  }
0x30: {  	s3 =	sld [smem:$0x3FB0]  }
0x31: {  	[smem:$0x3FB9] =	sst s10  }
0x32: {  	s10 =	sld [smem:$0x3FB7];
	_ =	sdelay $0x3  }
0x33: {  	p0 =	seq.s32 s10, $0x1;
	s10 =	sld [smem:$0x3FB9];
	_ =	sdelay $0x3  }
0x34: {  	[smem:$0x3FB9] =	sst s10  }
0x35: {  	s10 =	sld [smem:$0x3FB8];
	_ =	sdelay $0x3  }
0x36: {  	p1 =	seq.s32 s10, $0x1;
	s10 =	sld [smem:$0x3FB9];
	_ =	sdelay $0x3  }
0x37: {  	[smem:$0x3FB9] =	sst s10  }
0x38: {  	s10 =	sld [smem:$0x3FBA]  }
0x39: {  	_ = 	snop;
	(pc) =	sbr.ind lr, $3  }
0x3a: {  	_ = 	snop  }
0x3b: {  	_ = 	snop  }
0x3c: {  	p2 =	seq.s32 s10, $0x1;
	s10 =	sld [smem:$0x3FB9]  }
0x3d: {  	_ =	shalt  }
0x3e: {  	_ =	shalt  }
0x3f: {  	_ =	shalt  }
0x40: {  	_ =	shalt  }
0x41: {  	_ =	shalt  }
0x42: {  	_ =	shalt  }
0x43: {  	_ =	shalt  }
0x44: {  	_ =	shalt  }
0x45: {  	_ =	shalt  }
0x46: {  	_ =	shalt  }
0x47: {  	_ =	shalt  }
0x48: {  	_ =	shalt  }
0x49: {  	_ =	shalt  }
0x4a: {  	_ =	shalt  }
0x4b: {  	_ =	shalt  }
0x4c: {  	_ =	shalt  }
0x4d: {  	_ =	shalt  }
0x4e: {  	_ =	shalt  }
0x4f: {  	_ =	shalt  }
0x50: {  	_ =	shalt  }
0x51: {  	_ =	shalt  }
0x52: {  	_ =	shalt  }
0x53: {  	_ =	shalt  }
0x54: {  	_ =	shalt  }
0x55: {  	_ =	shalt  }
0x56: {  	_ =	shalt  }
0x57: {  	_ =	shalt  }
0x58: {  	_ =	shalt  }
0x59: {  	_ =	shalt  }
0x5a: {  	_ =	shalt  }
0x5b: {  	_ =	shalt  }
0x5c: {  	_ =	shalt  }
0x5d: {  	_ =	shalt  }
0x5e: {  	_ =	shalt  }
0x5f: {  	_ =	shalt  }
0x60: {  	_ =	shalt  }
0x61: {  	_ =	shalt  }
0x62: {  	_ =	shalt  }
0x63: {  	_ =	shalt  }
0x64: {  	_ =	shalt  }
0x65: {  	_ =	shalt  }
0x66: {  	_ =	shalt  }
0x67: {  	_ =	shalt  }
0x68: {  	_ =	shalt  }
0x69: {  	_ =	shalt  }
0x6a: {  	_ =	shalt  }
0x6b: {  	_ =	shalt  }
0x6c: {  	_ =	shalt  }
0x6d: {  	_ =	shalt  }
0x6e: {  	_ =	shalt  }
0x6f: {  	_ =	shalt  }
0x70: {  	_ =	shalt  }
0x71: {  	_ =	shalt  }
0x72: {  	_ =	shalt  }
0x73: {  	_ =	shalt  }
0x74: {  	_ =	shalt  }
0x75: {  	_ =	shalt  }
0x76: {  	_ =	shalt  }
0x77: {  	_ =	shalt  }
0x78: {  	_ =	shalt  }
0x79: {  	_ =	shalt  }
0x7a: {  	_ =	shalt  }
0x7b: {  	_ =	shalt  }
0x7c: {  	_ =	shalt  }
0x7d: {  	_ =	shalt  }
0x7e: {  	_ =	shalt  }
0x7f: {  	_ =	shalt  }
0x80: {  	_ =	shalt  }
0x81: {  	_ =	shalt  }
0x82: {  	_ =	shalt  }
0x83: {  	_ =	shalt  }
0x84: {  	_ =	shalt  }
0x85: {  	_ =	shalt  }
0x86: {  	_ =	shalt  }
0x87: {  	_ =	shalt  }
.Lfunc_end0:
.L_simem_size_0:
called_computation_lowered:
.L_overlay_start_0:
0x88: {  	s2 =	sld [smem:$0x3FD9]  }
0x89: {  	s3 =	sld [smem:$0x3FFE];
	_ =	sdelay $0x1  }
0x8a: {  	s1 =	srdreg.scid  }
0x8b: {  	s0 =	sand.u32 $0x1, s1  }
0x8c: {  	s17 =	sshll.u32 s0, $0xA;
	s2 =	sadd.s32 s3, s2  }
0x8d: {  	s2 =	sadd.s32 s2, s17  }
0x8e: {  	[smem:$0x3FC5] =	sst s2  }
0x8f: {  	_ = 	snop  }
0x90: {  	s2 =	sld [smem:$0x3FC8]  }
0x91: {  	s18 =	sld [smem:$0x3FC7]  }
0x92: {  	s4 =	sld [smem:$0x3FD0];
	(tm) =	ssettm $0x1  }
0x93: {  	s5 =	sld [smem:$0x3FFB];
	_ =	sdelay $0x3  }
0x94: {  	_ =	strace s5  }
0x95: {  	s5 =	sld [smem:$0x3FFC];
	_ =	sdelay $0x3  }
0x96: {  	_ =	strace s5  }
0x97: {  	s5 =	sld [smem:$0x3FFD];
	_ =	sdelay $0x3  }
0x98: {  	_ =	strace s5  }
0x99: {  	_ =	strace $0x8FFFFFFF  }
0x9a: {  	s19 =	sld [smem:$0x3FDB];
	_ =	sdelay $0x1  }
0x9b: {  	s6 =	simm.s32 $_scs_section_size  }
0x9c: {  	s7 =	simm.s32 $_size__tile_overlayer_lowered;
	s8 =	simm.s32 $_tile_overlayer_lowered  }
0x9d: {  	s22 =	simm.s32 $0x1BFF;
	s21 =	sshll.u32 s8, $0x1;
	s5 =	sadd.s32 s6, s19  }
0x9e: {  	s9 =	simm.s32 $0x0;
	s20 =	sshll.u32 s7, $0x1;
	s7 =	sadd.s32 s21, s5  }
0x9f: {  	[timem:s9], [sflag:s22] =	dma.local [hbm:s7], s20  }
0xa0: {  	_ =	swait.ge [sflag:s22], s20  }
0xa1: {  	s6 =	ssub.s32 $0x0, s20;
	[sflag:s22] =	ssyncset.done $0x0  }
0xa2: {  	[sflag:s22] =	ssyncadd.s32 s6;
	_ =	sdelay $0x1  }
0xa3: {  	s23 =	simm.s32 $0x1B8B  }
0xa4: {  	_ =	swait.ge [sflag:s23], $0x1  }
0xa5: {  	[sflag:s23] =	ssyncset.done $0x0  }
0xa6: {  	s25 =	simm.s32 $0x1B8E;
	s24 =	sld [smem:$0x3FFE];
	[sflag:s23] =	ssyncadd.s32 $0xFFFFFFFF  }
0xa7: {  	s26 =	simm.s32 $execute0_lowered;
	[smem:$0x3FD2] =	sst s25  }
0xa8: {  	s7 =	sshll.u32 s26, $0x1;
	_ =	strace $0x80000046;
	[dreg:$0x1] =	wrdreg $0xFFFFFFFF  }
0xa9: {  	s28 =	simm.s32 $_size_execute0_lowered;
	s5 =	sadd.s32 s5, s7;
	[dreg:$0x0] =	wrdreg $0x0  }
0xaa: {  	s7 =	sshll.u32 s28, $0x1;
	[dreg:$0x2] =	wrdreg s5  }
0xab: {  	[dreg:$0x3] =	wrdreg s7  }
0xac: {  	[dreg:$0x4] =	wrdreg $0xC0  }
0xad: {  	_ =	task [dreg:s9], $0x5FFFF  }
0xae: {  	[dreg:$0x1] =	wrdreg $0xFFFFFFFF  }
0xaf: {  	[dreg:$0x0] =	wrdreg $0x60  }
0xb0: {  	[dreg:$0x2] =	wrdreg s24  }
0xb1: {  	[dreg:$0x3] =	wrdreg s2  }
0xb2: {  	[dreg:$0x4] =	wrdreg s18  }
0xb3: {  	[dreg:$0x5] =	wrdreg s4  }
0xb4: {  	[dreg:$0x6] =	wrdreg $0x9  }
0xb5: {  	_ =	task.clear_ibuf [dreg:s9], $0x7FFFF;
	_ =	strace $0x90000046  }
0xb6: {  	s29 =	simm.s32 $0x9;
	_ =	strace $0x80000048  }
0xb7: {  	_ =	swait.ge [sflag:s29], $0x1  }
0xb8: {  	[sflag:s29] =	ssyncadd.s32 $0xFFFFFFFF  }
0xb9: {  	_ =	strace $0x90000048  }
0xba: {  	_ =	sfence  }
0xbb: {  	s30 =	sld [smem:$0x0];
	_ =	sdelay $0x2  }
0xbc: {  	s31 =	sshll.u32 s1, $0xD;
	s1 =	sshrl.u32 s1, $0x2  }
0xbd: {  	s3 =	sand.u32 $0x4000, s31;
	s1 =	sadd.s32 s1, s30  }
0xbe: {  	s0 =	sor.u32 s3, s0;
	s1 =	sshll.u32 s1, $0x11  }
0xbf: {  	s0 =	sor.u32 s1, s0  }
0xc0: {  	s0 =	sadd.s32 $0x8F2B, s0  }
0xc1: {  	[sflag:s0] =	ssyncadd.remote.s32 $0x1  }
0xc2: {  	_ =	sfence.sel $0xFFFF  }
0xc3: {  	[dreg:$0x0] =	wrdreg $0xFFFFFFFF;
	(pc) =	sbr.abs _section_cstart, $3  }
0xc4: {  	[dreg:$0x1] =	wrdreg $0xFFFFFFFF  }
0xc5: {  	_ =	task.clear_ibuf [dreg:s9], $0x2FFFF;
	_ =	strace $0x9FFFFFFF  }
0xc6: {  	(tm) =	ssettm $0x7FFFFFFF  }
0xc7: {  	_ =	shalt  }
tec
execute0_lowered:
.L_overlay_start_1:
0x0: {  	(tag) =	ssettag $0x1  }
0x1: {  	s0 =	rddreg [dreg:$0x0]  }
0x2: {  	s2 =	srdreg.scid;
	s3 =	stileid.u32  }
0x3: {  	s1 =	rddreg [dreg:$0x1];
	s2 =	sand.u32 $0x1, s2;
	s3 =	sshll.u32 s3, $0x1  }
0x4: {  	s4 =	rddreg [dreg:$0x3];
	s3 =	sor.u32 s2, s3  }
0x5: {  	s13 =	simm.s32 $0x0;
	s18 =	simm.s32 $0x80;
	s6 =	smul.u32 $0x1900, s3  }
0x6: {  	s28 =	simm.s32 $0x2;
	s2 =	ssub.s32 $0x2, s2;
	s5 =	smul.u32 $0xC8000, s3  }
0x7: {  	[smem:$0x7FF] =	sst s13;
	s8 =	sshrl.u32 s2, $0x1;
	s3 =	smul.u32 $0x19000, s3  }
0x8: {  	s29 =	simm.s32 $0x5;
	_ =	strace $0x80000047;
	s2 =	ssub.s32 s2, s8  }
0x9: {  	s7 =	sshrl.u32 s6, $0x3;
	s5 =	sshrl.u32 s5, $0x3;
	s20 =	sadd.s32 s4, s3  }
0xa: {  	s26 =	smax.u32 s2, $0x1;
	s0 =	sadd.s32 s7, s0;
	[dreg:$0x6] =	wrdreg s20  }
0xb: {  	s5 =	sadd.s32 s4, s5;
	[dreg:$0xc] =	wrdreg s26;
	s0 =	sadd.s32 $0x400, s0  }
0xc: {  	s30 =	simm.s32 $0x3;
	s21 =	sadd.s32 $0x16800, s5;
	[dreg:$0x5] =	wrdreg s0  }
0xd: {  	s31 =	simm.s32 $0x6;
	s22 =	sadd.s32 $0x17000, s5;
	[dreg:$0x7] =	wrdreg s21  }
0xe: {  	s15 =	simm.s32 $0x8;
	s23 =	sadd.s32 $0x17800, s5;
	[dreg:$0x8] =	wrdreg s22  }
0xf: {  	s2 =	simm.s32 $0x4;
	s24 =	sadd.s32 $0x18000, s5;
	[dreg:$0x9] =	wrdreg s23  }
0x10: {  	s20 =	simm.s32 $0x12100;
	s25 =	sadd.s32 $0x18800, s5;
	[dreg:$0xa] =	wrdreg s24  }
0x11: {  	s5 =	simm.s32 $0x0;
	[dreg:$0xb] =	wrdreg s25;
	s24 =	simm.s32 $0x16100  }
0x12: {  	s22 =	simm.s32 $0x1A100;
	s25 =	simm.s32 $0x1;
	s0 =	simm.s32 $0x7  }
.LBB2_1:
0x13: {  	s3 =	rddreg [dreg:$0x2];
	s14 =	simm.s32 $0x1900  }
0x14: {  	[tilespmem:s14], [sflag:$0x9] =	stream.linear.gather [hbm4b:s3+s13], $0x6400, $0x38;
	[tilespmem:$0x1E100] =	vst v63  }
0x15: {  	[dreg:$0xd] =	wrdreg s5;
	s16 =	simm.s32 $0x7D00  }
0x16: {  	[tilespmem:s16], [sflag:$0x9] =	stream.linear.gather [hbm4b:s3+s13], $0x6400, $0x38;
	[tilespmem:$0x1E100] =	vst v63  }
0x17: {  	s17 =	rddreg [dreg:$0x5];
	s19 =	simm.s32 $0xA  }
0x18: {  	[tilespmem:s13], [sflag:$0xA] =	stream.linear.gather [hbm4b:s17+s13], $0x1900, $0x38;
	[tilespmem:$0x1E100] =	vst v63  }
0x19: {  	_ =	swait.ge [sflag:s19], $0x1900  }
0x1a: {  	[sflag:s19] =	ssyncset.done $0x0  }
0x1b: {  	s21 =	simm.s32 $0xE100;
	[sflag:s19] =	ssyncadd.s32 $0xFFFFE700  }
0x1c: {  	[tilespmem:s21], [sflag:$0x1] =	stream.indirect.gather [hbm4b:s1+s18], $0x80, s13, s18, $0xb8;
	[tilespmem:$0x1E100] =	vst v63  }
0x1d: {  	_ = 	snop  }
0x1e: {  	[tilespmem:s20], [sflag:$0x2] =	stream.indirect.gather [hbm4b:s1+s18], $0x80, s18, s18, $0xb8;
	[tilespmem:$0x1E100] =	vst v63  }
0x1f: {  	s23 =	simm.s32 $0x100  }
0x20: {  	[tilespmem:s24], [sflag:$0x3] =	stream.indirect.gather [hbm4b:s1+s18], $0x80, s23, s18, $0xb8;
	[tilespmem:$0x1E100] =	vst v63  }
0x21: {  	s24 =	simm.s32 $0x180  }
0x22: {  	[tilespmem:s22], [sflag:$0x4] =	stream.indirect.gather [hbm4b:s1+s18], $0x80, s24, s18, $0xb8;
	[tilespmem:$0x1E100] =	vst v63  }
0x23: {  	_ =	swait.ge [sflag:s25], $0x4000  }
0x24: {  	[sflag:s25] =	ssyncset.done $0x0  }
0x25: {  	s26 =	simm.s32 $0x9;
	[sflag:s25] =	ssyncadd.s32 $0xFFFFC000  }
0x26: {  	_ =	swait.ge [sflag:s26], $0x6400  }
0x27: {  	[sflag:s26] =	ssyncset.done $0x0  }
0x28: {  	[sflag:s26] =	ssyncadd.s32 $0xFFFF9C00  }
0x29: {  	_ =	swait.ge [sflag:s26], $0x6400  }
0x2a: {  	[sflag:s26] =	ssyncset.done $0x0  }
0x2b: {  	s3 =	simm.s32 $0x0;
	[sflag:s26] =	ssyncadd.s32 $0xFFFF9C00  }
0x2c: {  	v0 =	vld [tilespmem:s3+$0x1AF0]  }
0x2d: {  	v1 =	vld [tilespmem:s3+$0x1900]  }
0x2e: {  	v2 =	vld [tilespmem:s3+$0x1910]  }
0x2f: {  	v3 =	vld [tilespmem:s3+$0x1920]  }
0x30: {  	v4 =	vld [tilespmem:s3+$0x1930]  }
0x31: {  	v5 =	vld [tilespmem:s3+$0x1940]  }
0x32: {  	v6 =	vld [tilespmem:s3+$0x1950]  }
0x33: {  	v7 =	vld [tilespmem:s3+$0x1960]  }
0x34: {  	v8 =	vld [tilespmem:s3+$0x1970]  }
0x35: {  	v9 =	vld [tilespmem:s3+$0x1980]  }
0x36: {  	v10 =	vld [tilespmem:s3+$0x1990]  }
0x37: {  	v11 =	vld [tilespmem:s3+$0x19A0]  }
0x38: {  	v12 =	vld [tilespmem:s3+$0x19B0]  }
0x39: {  	v13 =	vld [tilespmem:s3+$0x19C0]  }
0x3a: {  	v14 =	vld [tilespmem:s3+$0x19D0]  }
0x3b: {  	v15 =	vld [tilespmem:s3+$0x19E0]  }
0x3c: {  	v16 =	vld [tilespmem:s3+$0x19F0]  }
0x3d: {  	v17 =	vld [tilespmem:s3+$0x1A00]  }
0x3e: {  	v18 =	vld [tilespmem:s3+$0x1A10]  }
0x3f: {  	v19 =	vld [tilespmem:s3+$0x1A20]  }
0x40: {  	v20 =	vld [tilespmem:s3+$0x1A30]  }
0x41: {  	v21 =	vld [tilespmem:s3+$0x1A40]  }
0x42: {  	v22 =	vld [tilespmem:s3+$0x1A50]  }
0x43: {  	v23 =	vld [tilespmem:s3+$0x1A60]  }
0x44: {  	v24 =	vld [tilespmem:s3+$0x1A70]  }
0x45: {  	v25 =	vld [tilespmem:s3+$0x1A80]  }
0x46: {  	v26 =	vld [tilespmem:s3+$0x1A90]  }
0x47: {  	v27 =	vld [tilespmem:s3+$0x1AA0]  }
0x48: {  	v28 =	vld [tilespmem:s3+$0x1AB0]  }
0x49: {  	v29 =	vld [tilespmem:s3+$0x1AC0]  }
0x4a: {  	v30 =	vld [tilespmem:s3+$0x1AD0]  }
0x4b: {  	[tilespmem:s3+$0xE2F0] =	vst.add.f32.msk $0xffff, v0  }
0x4c: {  	v0 =	vld [tilespmem:s3+$0x1AE0]  }
0x4d: {  	[tilespmem:s3+$0xE100] =	vst.add.f32.msk $0xffff, v1  }
0x4e: {  	[tilespmem:s3+$0xE110] =	vst.add.f32.msk $0xffff, v2  }
0x4f: {  	[tilespmem:s3+$0xE120] =	vst.add.f32.msk $0xffff, v3  }
0x50: {  	[tilespmem:s3+$0xE130] =	vst.add.f32.msk $0xffff, v4  }
0x51: {  	[tilespmem:s3+$0xE140] =	vst.add.f32.msk $0xffff, v5  }
0x52: {  	[tilespmem:s3+$0xE150] =	vst.add.f32.msk $0xffff, v6  }
0x53: {  	[tilespmem:s3+$0xE160] =	vst.add.f32.msk $0xffff, v7  }
0x54: {  	[tilespmem:s3+$0xE170] =	vst.add.f32.msk $0xffff, v8  }
0x55: {  	[tilespmem:s3+$0xE180] =	vst.add.f32.msk $0xffff, v9  }
0x56: {  	[tilespmem:s3+$0xE190] =	vst.add.f32.msk $0xffff, v10  }
0x57: {  	[tilespmem:s3+$0xE1A0] =	vst.add.f32.msk $0xffff, v11  }
0x58: {  	[tilespmem:s3+$0xE1B0] =	vst.add.f32.msk $0xffff, v12  }
0x59: {  	[tilespmem:s3+$0xE1C0] =	vst.add.f32.msk $0xffff, v13  }
0x5a: {  	[tilespmem:s3+$0xE1D0] =	vst.add.f32.msk $0xffff, v14  }
0x5b: {  	[tilespmem:s3+$0xE1E0] =	vst.add.f32.msk $0xffff, v15  }
0x5c: {  	[tilespmem:s3+$0xE1F0] =	vst.add.f32.msk $0xffff, v16  }
0x5d: {  	[tilespmem:s3+$0xE200] =	vst.add.f32.msk $0xffff, v17  }
0x5e: {  	[tilespmem:s3+$0xE210] =	vst.add.f32.msk $0xffff, v18  }
0x5f: {  	[tilespmem:s3+$0xE220] =	vst.add.f32.msk $0xffff, v19  }
0x60: {  	[tilespmem:s3+$0xE230] =	vst.add.f32.msk $0xffff, v20  }
0x61: {  	[tilespmem:s3+$0xE240] =	vst.add.f32.msk $0xffff, v21  }
0x62: {  	[tilespmem:s3+$0xE250] =	vst.add.f32.msk $0xffff, v22  }
0x63: {  	[tilespmem:s3+$0xE260] =	vst.add.f32.msk $0xffff, v23  }
0x64: {  	[tilespmem:s3+$0xE270] =	vst.add.f32.msk $0xffff, v24  }
0x65: {  	[tilespmem:s3+$0xE280] =	vst.add.f32.msk $0xffff, v25  }
0x66: {  	[tilespmem:s3+$0xE290] =	vst.add.f32.msk $0xffff, v26  }
0x67: {  	[tilespmem:s3+$0xE2A0] =	vst.add.f32.msk $0xffff, v27  }
0x68: {  	[tilespmem:s3+$0xE2B0] =	vst.add.f32.msk $0xffff, v28  }
0x69: {  	[tilespmem:s3+$0xE2C0] =	vst.add.f32.msk $0xffff, v29  }
0x6a: {  	s5 =	simm.s32 $0x0;
	s7 =	simm.s32 $0x800;
	[tilespmem:s3+$0xE2D0] =	vst.add.f32.msk $0xffff, v30  }
.LBB2_2:
0x6b: {  	s5 =	sadd.s32 $0x4, s5;
	[tilespmem:s3+$0xE2E0] =	vst.add.f32.msk $0xffff, v0;
	s3 =	sshra.s32 s7, $0x2  }
0x6c: {  	v0 =	vld [tilespmem:s3+$0x1AF0];
	p0 =	slt.u32 s5, $0x7C  }
0x6d: {  	v1 =	vld [tilespmem:s3+$0x1900]  }
0x6e: {  	v2 =	vld [tilespmem:s3+$0x1910]  }
0x6f: {  	v3 =	vld [tilespmem:s3+$0x1920]  }
0x70: {  	v4 =	vld [tilespmem:s3+$0x1930]  }
0x71: {  	[tilespmem:s3+$0xE2F0] =	vst.add.f32.msk $0xffff, v0  }
0x72: {  	v5 =	vld [tilespmem:s3+$0x1940]  }
0x73: {  	v6 =	vld [tilespmem:s3+$0x1950]  }
0x74: {  	v7 =	vld [tilespmem:s3+$0x1960]  }
0x75: {  	v8 =	vld [tilespmem:s3+$0x1970]  }
0x76: {  	v9 =	vld [tilespmem:s3+$0x1980]  }
0x77: {  	v10 =	vld [tilespmem:s3+$0x1990]  }
0x78: {  	v11 =	vld [tilespmem:s3+$0x19A0]  }
0x79: {  	v12 =	vld [tilespmem:s3+$0x19B0]  }
0x7a: {  	v13 =	vld [tilespmem:s3+$0x19C0]  }
0x7b: {  	v14 =	vld [tilespmem:s3+$0x19D0]  }
0x7c: {  	v15 =	vld [tilespmem:s3+$0x19E0]  }
0x7d: {  	v16 =	vld [tilespmem:s3+$0x19F0]  }
0x7e: {  	v17 =	vld [tilespmem:s3+$0x1A00]  }
0x7f: {  	v18 =	vld [tilespmem:s3+$0x1A10]  }
0x80: {  	v19 =	vld [tilespmem:s3+$0x1A20]  }
0x81: {  	v20 =	vld [tilespmem:s3+$0x1A30]  }
0x82: {  	v21 =	vld [tilespmem:s3+$0x1A40]  }
0x83: {  	v22 =	vld [tilespmem:s3+$0x1A50]  }
0x84: {  	v23 =	vld [tilespmem:s3+$0x1A60]  }
0x85: {  	v24 =	vld [tilespmem:s3+$0x1A70]  }
0x86: {  	v25 =	vld [tilespmem:s3+$0x1A80]  }
0x87: {  	v26 =	vld [tilespmem:s3+$0x1A90]  }
0x88: {  	v27 =	vld [tilespmem:s3+$0x1AA0]  }
0x89: {  	v28 =	vld [tilespmem:s3+$0x1AB0]  }
0x8a: {  	v29 =	vld [tilespmem:s3+$0x1AC0]  }
0x8b: {  	v30 =	vld [tilespmem:s3+$0x1AD0]  }
0x8c: {  	v0 =	vld [tilespmem:s3+$0x1AE0]  }
0x8d: {  	[tilespmem:s3+$0xE100] =	vst.add.f32.msk $0xffff, v1  }
0x8e: {  	[tilespmem:s3+$0xE110] =	vst.add.f32.msk $0xffff, v2  }
0x8f: {  	[tilespmem:s3+$0xE120] =	vst.add.f32.msk $0xffff, v3  }
0x90: {  	[tilespmem:s3+$0xE130] =	vst.add.f32.msk $0xffff, v4  }
0x91: {  	[tilespmem:s3+$0xE140] =	vst.add.f32.msk $0xffff, v5  }
0x92: {  	[tilespmem:s3+$0xE150] =	vst.add.f32.msk $0xffff, v6  }
0x93: {  	[tilespmem:s3+$0xE160] =	vst.add.f32.msk $0xffff, v7  }
0x94: {  	[tilespmem:s3+$0xE170] =	vst.add.f32.msk $0xffff, v8  }
0x95: {  	[tilespmem:s3+$0xE180] =	vst.add.f32.msk $0xffff, v9  }
0x96: {  	[tilespmem:s3+$0xE190] =	vst.add.f32.msk $0xffff, v10  }
0x97: {  	[tilespmem:s3+$0xE1A0] =	vst.add.f32.msk $0xffff, v11  }
0x98: {  	[tilespmem:s3+$0xE1B0] =	vst.add.f32.msk $0xffff, v12  }
0x99: {  	[tilespmem:s3+$0xE1C0] =	vst.add.f32.msk $0xffff, v13  }
0x9a: {  	[tilespmem:s3+$0xE1D0] =	vst.add.f32.msk $0xffff, v14  }
0x9b: {  	[tilespmem:s3+$0xE1E0] =	vst.add.f32.msk $0xffff, v15  }
0x9c: {  	[tilespmem:s3+$0xE1F0] =	vst.add.f32.msk $0xffff, v16  }
0x9d: {  	[tilespmem:s3+$0xE200] =	vst.add.f32.msk $0xffff, v17  }
0x9e: {  	[tilespmem:s3+$0xE210] =	vst.add.f32.msk $0xffff, v18  }
0x9f: {  	[tilespmem:s3+$0xE220] =	vst.add.f32.msk $0xffff, v19  }
0xa0: {  	[tilespmem:s3+$0xE230] =	vst.add.f32.msk $0xffff, v20  }
0xa1: {  	[tilespmem:s3+$0xE240] =	vst.add.f32.msk $0xffff, v21  }
0xa2: {  	[tilespmem:s3+$0xE250] =	vst.add.f32.msk $0xffff, v22  }
0xa3: {  	[tilespmem:s3+$0xE260] =	vst.add.f32.msk $0xffff, v23  }
0xa4: {  	[tilespmem:s3+$0xE270] =	vst.add.f32.msk $0xffff, v24  }
0xa5: {  	[tilespmem:s3+$0xE280] =	vst.add.f32.msk $0xffff, v25  }
.Ltmp0:
0xa6: {  	[tilespmem:s3+$0xE290] =	vst.add.f32.msk $0xffff, v26;
	(pc) =	sbr.rel @p0 .LBB2_2-.Ltmp0, $4  }
0xa7: {  	[tilespmem:s3+$0xE2A0] =	vst.add.f32.msk $0xffff, v27  }
0xa8: {  	[tilespmem:s3+$0xE2B0] =	vst.add.f32.msk $0xffff, v28  }
0xa9: {  	[tilespmem:s3+$0xE2C0] =	vst.add.f32.msk $0xffff, v29  }
0xaa: {  	s7 =	sadd.s32 $0x800, s7;
	[tilespmem:s3+$0xE2D0] =	vst.add.f32.msk $0xffff, v30  }
0xab: {  	s16 =	simm.s32 $0x0;
	s5 =	simm.s32 $0xE100  }
0xac: {  	[tilespmem:s3+$0xE2E0] =	vst.add.f32.msk $0xffff, v0;
	s21 =	simm.s32 $0x5900;
	s7 =	simm.s32 $0x9900;
	s8 =	simm.s32 $0x100  }
0xad: {  	s9 =	simm.s32 $0xD900;
	s10 =	simm.s32 $0x180;
	s3 =	rddreg [dreg:$0x6]  }
0xae: {  	[hbm4b:s3+s16] =	stream.linear.scatter [tilespmem:s5], [sflag:$0x5], $0x4000, $0x38;
	[tilespmem:$0x1E100] =	vst v63  }
0xaf: {  	s11 =	simm.s32 $0x11900;
	s12 =	simm.s32 $0x200;
	s3 =	simm.s32 $0x80  }
.LBB2_4:
0xb0: {  	s5 =	smulhi.u32 $0x51EB851F, s3;
	_ =	sdelay $0x1  }
0xb1: {  	s5 =	sshrl.u32 s5, $0x6  }
0xb2: {  	s5 =	smul.u32 $0xFFFE7000, s5;
	_ =	sdelay $0x1  }
0xb3: {  	s5 =	sshra.s32 s5, $0x2  }
0xb4: {  	s5 =	sadd.s32 s5, s21  }
0xb5: {  	v0 =	vmov s5;
	_ =	sdelay $0x1  }
0xb6: {  	_ =	swait.ge [sflag:s28], $0x4000  }
0xb7: {  	[sflag:s28] =	ssyncset.done $0x0  }
0xb8: {  	s13 =	simm.s32 $0x0;
	[sflag:s28] =	ssyncadd.s32 $0xFFFFC000  }
0xb9: {  	v1 =	vld.idx.msk [tilespmem:v0+s13+$0x180 ss:$0x1], $0xffff  }
0xba: {  	v2 =	vld.idx.msk [tilespmem:v0+s13+$0x0 ss:$0x1], $0xffff  }
0xbb: {  	v3 =	vld.idx.msk [tilespmem:v0+s13+$0x80 ss:$0x1], $0xffff;
	_ =	sdelay $0x1  }
0xbc: {  	v4 =	vld.idx.msk [tilespmem:v0+s13+$0x100 ss:$0x1], $0xffff  }
0xbd: {  	[tilespmem:s13+$0x12280] =	vst.add.f32.msk $0xffff, v1  }
0xbe: {  	[tilespmem:s13+$0x12100] =	vst.add.f32.msk $0xffff, v2  }
0xbf: {  	[tilespmem:s13+$0x12180] =	vst.add.f32.msk $0xffff, v3  }
0xc0: {  	v1 =	vld.idx.msk [tilespmem:v0+s13+$0x190 ss:$0x1], $0xffff  }
0xc1: {  	v2 =	vld.idx.msk [tilespmem:v0+s13+$0x10 ss:$0x1], $0xffff  }
0xc2: {  	v3 =	vld.idx.msk [tilespmem:v0+s13+$0x90 ss:$0x1], $0xffff  }
0xc3: {  	[tilespmem:s13+$0x12200] =	vst.add.f32.msk $0xffff, v4  }
0xc4: {  	v4 =	vld.idx.msk [tilespmem:v0+s13+$0x110 ss:$0x1], $0xffff  }
0xc5: {  	[tilespmem:s13+$0x12290] =	vst.add.f32.msk $0xffff, v1  }
0xc6: {  	[tilespmem:s13+$0x12110] =	vst.add.f32.msk $0xffff, v2  }
0xc7: {  	[tilespmem:s13+$0x12190] =	vst.add.f32.msk $0xffff, v3  }
0xc8: {  	v1 =	vld.idx.msk [tilespmem:v0+s13+$0x1A0 ss:$0x1], $0xffff  }
0xc9: {  	v2 =	vld.idx.msk [tilespmem:v0+s13+$0x20 ss:$0x1], $0xffff  }
0xca: {  	v3 =	vld.idx.msk [tilespmem:v0+s13+$0xA0 ss:$0x1], $0xffff  }
0xcb: {  	[tilespmem:s13+$0x12210] =	vst.add.f32.msk $0xffff, v4  }
0xcc: {  	v4 =	vld.idx.msk [tilespmem:v0+s13+$0x120 ss:$0x1], $0xffff  }
0xcd: {  	[tilespmem:s13+$0x122A0] =	vst.add.f32.msk $0xffff, v1  }
0xce: {  	[tilespmem:s13+$0x12120] =	vst.add.f32.msk $0xffff, v2  }
0xcf: {  	[tilespmem:s13+$0x121A0] =	vst.add.f32.msk $0xffff, v3  }
0xd0: {  	v1 =	vld.idx.msk [tilespmem:v0+s13+$0x1B0 ss:$0x1], $0xffff  }
0xd1: {  	v2 =	vld.idx.msk [tilespmem:v0+s13+$0x30 ss:$0x1], $0xffff  }
0xd2: {  	v3 =	vld.idx.msk [tilespmem:v0+s13+$0xB0 ss:$0x1], $0xffff  }
0xd3: {  	[tilespmem:s13+$0x12220] =	vst.add.f32.msk $0xffff, v4  }
0xd4: {  	v4 =	vld.idx.msk [tilespmem:v0+s13+$0x130 ss:$0x1], $0xffff  }
0xd5: {  	[tilespmem:s13+$0x122B0] =	vst.add.f32.msk $0xffff, v1  }
0xd6: {  	[tilespmem:s13+$0x12130] =	vst.add.f32.msk $0xffff, v2  }
0xd7: {  	[tilespmem:s13+$0x121B0] =	vst.add.f32.msk $0xffff, v3  }
0xd8: {  	v1 =	vld.idx.msk [tilespmem:v0+s13+$0x1C0 ss:$0x1], $0xffff  }
0xd9: {  	v2 =	vld.idx.msk [tilespmem:v0+s13+$0x40 ss:$0x1], $0xffff  }
0xda: {  	v3 =	vld.idx.msk [tilespmem:v0+s13+$0xC0 ss:$0x1], $0xffff  }
0xdb: {  	[tilespmem:s13+$0x12230] =	vst.add.f32.msk $0xffff, v4  }
0xdc: {  	v4 =	vld.idx.msk [tilespmem:v0+s13+$0x140 ss:$0x1], $0xffff  }
0xdd: {  	[tilespmem:s13+$0x122C0] =	vst.add.f32.msk $0xffff, v1  }
0xde: {  	[tilespmem:s13+$0x12140] =	vst.add.f32.msk $0xffff, v2  }
0xdf: {  	[tilespmem:s13+$0x121C0] =	vst.add.f32.msk $0xffff, v3  }
0xe0: {  	v1 =	vld.idx.msk [tilespmem:v0+s13+$0x1D0 ss:$0x1], $0xffff  }
0xe1: {  	v2 =	vld.idx.msk [tilespmem:v0+s13+$0x50 ss:$0x1], $0xffff  }
0xe2: {  	[tilespmem:s13+$0x12240] =	vst.add.f32.msk $0xffff, v4  }
0xe3: {  	v3 =	vld.idx.msk [tilespmem:v0+s13+$0xD0 ss:$0x1], $0xffff  }
0xe4: {  	v4 =	vld.idx.msk [tilespmem:v0+s13+$0x150 ss:$0x1], $0xffff  }
0xe5: {  	[tilespmem:s13+$0x122D0] =	vst.add.f32.msk $0xffff, v1  }
0xe6: {  	[tilespmem:s13+$0x12150] =	vst.add.f32.msk $0xffff, v2  }
0xe7: {  	v1 =	vld.idx.msk [tilespmem:v0+s13+$0x1E0 ss:$0x1], $0xffff  }
0xe8: {  	[tilespmem:s13+$0x121D0] =	vst.add.f32.msk $0xffff, v3  }
0xe9: {  	[tilespmem:s13+$0x12250] =	vst.add.f32.msk $0xffff, v4  }
0xea: {  	v2 =	vld.idx.msk [tilespmem:v0+s13+$0x60 ss:$0x1], $0xffff  }
0xeb: {  	s14 =	smulhi.u32 $0x51EB851F, s10;
	v5 =	vld.idx.msk [tilespmem:v0+s13+$0xE0 ss:$0x1], $0xffff  }
0xec: {  	s17 =	smulhi.u32 $0x51EB851F, s8;
	[tilespmem:s13+$0x122E0] =	vst.add.f32.msk $0xffff, v1  }
0xed: {  	s23 =	smulhi.u32 $0x51EB851F, s12;
	s14 =	sshrl.u32 s14, $0x6;
	v1 =	vld.idx.msk [tilespmem:v0+s13+$0x1F0 ss:$0x1], $0xffff  }
0xee: {  	s24 =	sshrl.u32 s17, $0x6;
	s19 =	smul.u32 $0xFFFE7000, s14;
	v3 =	vld.idx.msk [tilespmem:v0+s13+$0x160 ss:$0x1], $0xffff  }
0xef: {  	s17 =	smul.u32 $0xFFFE7000, s24;
	s5 =	sshrl.u32 s23, $0x6;
	[tilespmem:s13+$0x12160] =	vst.add.f32.msk $0xffff, v2  }
0xf0: {  	s26 =	sshra.s32 s19, $0x2;
	s5 =	smul.u32 $0xFFFE7000, s5;
	[tilespmem:s13+$0x121E0] =	vst.add.f32.msk $0xffff, v5  }
0xf1: {  	s22 =	simm.s32 $0x0;
	s17 =	sshra.s32 s17, $0x2;
	s23 =	sadd.s32 s26, s9;
	v2 =	vld.idx.msk [tilespmem:v0+s13+$0x70 ss:$0x1], $0xffff  }
0xf2: {  	s26 =	sadd.s32 s17, s7;
	s17 =	sshll.u32 s16, $0x9;
	s5 =	sshra.s32 s5, $0x2;
	[tilespmem:s13+$0x122F0] =	vst.add.f32.msk $0xffff, v1  }
0xf3: {  	s24 =	simm.s32 $0x800;
	s14 =	sadd.s32 s5, s11;
	s5 =	sor.u32 $0x80, s17;
	v1 =	vld.idx.msk [tilespmem:v0+s13+$0xF0 ss:$0x1], $0xffff  }
.LBB2_5:
0xf4: {  	s19 =	sshra.s32 s24, $0x2;
	s22 =	sadd.s32 $0x4, s22;
	[tilespmem:s13+$0x12260] =	vst.add.f32.msk $0xffff, v3  }
0xf5: {  	v3 =	vld.idx.msk [tilespmem:v0+s19+$0x180 ss:$0x1], $0xffff;
	p0 =	slt.u32 s22, $0x7C  }
0xf6: {  	v4 =	vld.idx.msk [tilespmem:v0+s19+$0x0 ss:$0x1], $0xffff  }
0xf7: {  	v5 =	vld.idx.msk [tilespmem:v0+s19+$0x80 ss:$0x1], $0xffff  }
0xf8: {  	v6 =	vld.idx.msk [tilespmem:v0+s19+$0x100 ss:$0x1], $0xffff  }
0xf9: {  	v7 =	vld.idx.msk [tilespmem:v0+s13+$0x170 ss:$0x1], $0xffff  }
0xfa: {  	[tilespmem:s13+$0x12170] =	vst.add.f32.msk $0xffff, v2  }
0xfb: {  	[tilespmem:s19+$0x12280] =	vst.add.f32.msk $0xffff, v3  }
0xfc: {  	v2 =	vld.idx.msk [tilespmem:v0+s19+$0x190 ss:$0x1], $0xffff  }
0xfd: {  	[tilespmem:s19+$0x12100] =	vst.add.f32.msk $0xffff, v4  }
0xfe: {  	[tilespmem:s19+$0x12180] =	vst.add.f32.msk $0xffff, v5  }
0xff: {  	[tilespmem:s19+$0x12200] =	vst.add.f32.msk $0xffff, v6  }
0x100: {  	v3 =	vld.idx.msk [tilespmem:v0+s19+$0x10 ss:$0x1], $0xffff  }
0x101: {  	v4 =	vld.idx.msk [tilespmem:v0+s19+$0x90 ss:$0x1], $0xffff  }
0x102: {  	[tilespmem:s19+$0x12290] =	vst.add.f32.msk $0xffff, v2  }
0x103: {  	v2 =	vld.idx.msk [tilespmem:v0+s19+$0x1A0 ss:$0x1], $0xffff  }
0x104: {  	v5 =	vld.idx.msk [tilespmem:v0+s19+$0x110 ss:$0x1], $0xffff  }
0x105: {  	[tilespmem:s13+$0x121F0] =	vst.add.f32.msk $0xffff, v1  }
0x106: {  	[tilespmem:s19+$0x12110] =	vst.add.f32.msk $0xffff, v3  }
0x107: {  	[tilespmem:s19+$0x12190] =	vst.add.f32.msk $0xffff, v4  }
0x108: {  	v1 =	vld.idx.msk [tilespmem:v0+s19+$0x20 ss:$0x1], $0xffff  }
0x109: {  	[tilespmem:s19+$0x122A0] =	vst.add.f32.msk $0xffff, v2  }
0x10a: {  	v2 =	vld.idx.msk [tilespmem:v0+s19+$0x1B0 ss:$0x1], $0xffff  }
0x10b: {  	[tilespmem:s19+$0x12210] =	vst.add.f32.msk $0xffff, v5  }
0x10c: {  	v3 =	vld.idx.msk [tilespmem:v0+s19+$0xA0 ss:$0x1], $0xffff  }
0x10d: {  	v4 =	vld.idx.msk [tilespmem:v0+s19+$0x120 ss:$0x1], $0xffff  }
0x10e: {  	[tilespmem:s19+$0x12120] =	vst.add.f32.msk $0xffff, v1  }
0x10f: {  	v1 =	vld.idx.msk [tilespmem:v0+s19+$0x30 ss:$0x1], $0xffff  }
0x110: {  	[tilespmem:s19+$0x122B0] =	vst.add.f32.msk $0xffff, v2  }
0x111: {  	v2 =	vld.idx.msk [tilespmem:v0+s19+$0x1C0 ss:$0x1], $0xffff  }
0x112: {  	[tilespmem:s19+$0x121A0] =	vst.add.f32.msk $0xffff, v3  }
0x113: {  	[tilespmem:s19+$0x12220] =	vst.add.f32.msk $0xffff, v4  }
0x114: {  	v3 =	vld.idx.msk [tilespmem:v0+s19+$0xB0 ss:$0x1], $0xffff  }
0x115: {  	v4 =	vld.idx.msk [tilespmem:v0+s19+$0x130 ss:$0x1], $0xffff  }
0x116: {  	[tilespmem:s19+$0x12130] =	vst.add.f32.msk $0xffff, v1  }
0x117: {  	[tilespmem:s19+$0x122C0] =	vst.add.f32.msk $0xffff, v2  }
0x118: {  	v1 =	vld.idx.msk [tilespmem:v0+s19+$0x1D0 ss:$0x1], $0xffff  }
0x119: {  	v2 =	vld.idx.msk [tilespmem:v0+s19+$0x40 ss:$0x1], $0xffff  }
0x11a: {  	[tilespmem:s19+$0x121B0] =	vst.add.f32.msk $0xffff, v3  }
0x11b: {  	[tilespmem:s19+$0x12230] =	vst.add.f32.msk $0xffff, v4  }
0x11c: {  	v3 =	vld.idx.msk [tilespmem:v0+s19+$0xC0 ss:$0x1], $0xffff  }
0x11d: {  	v4 =	vld.idx.msk [tilespmem:v0+s19+$0x140 ss:$0x1], $0xffff  }
0x11e: {  	[tilespmem:s19+$0x122D0] =	vst.add.f32.msk $0xffff, v1  }
0x11f: {  	v1 =	vld.idx.msk [tilespmem:v0+s19+$0x1E0 ss:$0x1], $0xffff  }
0x120: {  	[tilespmem:s19+$0x12140] =	vst.add.f32.msk $0xffff, v2  }
0x121: {  	v2 =	vld.idx.msk [tilespmem:v0+s19+$0x50 ss:$0x1], $0xffff  }
0x122: {  	[tilespmem:s19+$0x121C0] =	vst.add.f32.msk $0xffff, v3  }
0x123: {  	[tilespmem:s19+$0x12240] =	vst.add.f32.msk $0xffff, v4  }
0x124: {  	v3 =	vld.idx.msk [tilespmem:v0+s19+$0xD0 ss:$0x1], $0xffff  }
0x125: {  	[tilespmem:s19+$0x122E0] =	vst.add.f32.msk $0xffff, v1  }
0x126: {  	v1 =	vld.idx.msk [tilespmem:v0+s19+$0x1F0 ss:$0x1], $0xffff  }
0x127: {  	v4 =	vld.idx.msk [tilespmem:v0+s19+$0x150 ss:$0x1], $0xffff  }
0x128: {  	[tilespmem:s19+$0x12150] =	vst.add.f32.msk $0xffff, v2  }
0x129: {  	v2 =	vld.idx.msk [tilespmem:v0+s19+$0x60 ss:$0x1], $0xffff  }
0x12a: {  	[tilespmem:s19+$0x121D0] =	vst.add.f32.msk $0xffff, v3  }
0x12b: {  	v5 =	vld.idx.msk [tilespmem:v0+s19+$0xE0 ss:$0x1], $0xffff  }
0x12c: {  	[tilespmem:s19+$0x122F0] =	vst.add.f32.msk $0xffff, v1  }
0x12d: {  	[tilespmem:s19+$0x12250] =	vst.add.f32.msk $0xffff, v4  }
0x12e: {  	v3 =	vld.idx.msk [tilespmem:v0+s19+$0x160 ss:$0x1], $0xffff  }
.Ltmp1:
0x12f: {  	[tilespmem:s19+$0x12160] =	vst.add.f32.msk $0xffff, v2;
	(pc) =	sbr.rel @p0 .LBB2_5-.Ltmp1, $4  }
0x130: {  	v2 =	vld.idx.msk [tilespmem:v0+s19+$0x70 ss:$0x1], $0xffff  }
0x131: {  	[tilespmem:s19+$0x121E0] =	vst.add.f32.msk $0xffff, v5  }
0x132: {  	v1 =	vld.idx.msk [tilespmem:v0+s19+$0xF0 ss:$0x1], $0xffff  }
0x133: {  	s24 =	sadd.s32 $0x800, s24;
	[tilespmem:s13+$0x12270] =	vst.add.f32.msk $0xffff, v7;
	s13 =	smov.u32 s19  }
0x134: {  	_ =	sdelay $0x2  }
0x135: {  	[tilespmem:s13+$0x12260] =	vst.add.f32.msk $0xffff, v3  }
0x136: {  	v0 =	vld.idx.msk [tilespmem:v0+s13+$0x170 ss:$0x1], $0xffff;
	_ =	sdelay $0x2  }
0x137: {  	s5 =	sadd.s32 s6, s5;
	[tilespmem:s13+$0x12170] =	vst.add.f32.msk $0xffff, v2  }
0x138: {  	s5 =	sshll.u32 s5, $0x4;
	[tilespmem:s13+$0x121F0] =	vst.add.f32.msk $0xffff, v1  }
0x139: {  	s24 =	simm.s32 $0x0;
	s5 =	sadd.s32 s4, s5;
	[tilespmem:s13+$0x12270] =	vst.add.f32.msk $0xffff, v0  }
0x13a: {  	[hbm4b:s5+s24] =	stream.linear.scatter [tilespmem:s20], [sflag:$0x6], $0x4000, $0x38;
	[tilespmem:$0x1E100] =	vst v63  }
0x13b: {  	_ =	swait.ge [sflag:s29], $0x4000  }
0x13c: {  	[sflag:s29] =	ssyncset.done $0x0  }
0x13d: {  	s13 =	sadd.s32 $0x200, s17;
	v0 =	vmov s26;
	s26 =	simm.s32 $0xE100;
	[sflag:s29] =	ssyncadd.s32 $0xFFFFC000  }
0x13e: {  	[tilespmem:s26], [sflag:$0x1] =	stream.indirect.gather [hbm4b:s1+s18], $0x80, s13, s18, $0xb8;
	[tilespmem:$0x1E100] =	vst v63  }
0x13f: {  	_ =	swait.ge [sflag:s30], $0x4000  }
0x140: {  	[sflag:s30] =	ssyncset.done $0x0  }
0x141: {  	s26 =	simm.s32 $0x0;
	[sflag:s30] =	ssyncadd.s32 $0xFFFFC000  }
0x142: {  	v1 =	vld.idx.msk [tilespmem:v0+s26+$0x180 ss:$0x1], $0xffff  }
0x143: {  	v2 =	vld.idx.msk [tilespmem:v0+s26+$0x0 ss:$0x1], $0xffff  }
0x144: {  	v3 =	vld.idx.msk [tilespmem:v0+s26+$0x80 ss:$0x1], $0xffff;
	_ =	sdelay $0x1  }
0x145: {  	v4 =	vld.idx.msk [tilespmem:v0+s26+$0x100 ss:$0x1], $0xffff  }
0x146: {  	[tilespmem:s26+$0x16280] =	vst.add.f32.msk $0xffff, v1  }
0x147: {  	[tilespmem:s26+$0x16100] =	vst.add.f32.msk $0xffff, v2  }
0x148: {  	[tilespmem:s26+$0x16180] =	vst.add.f32.msk $0xffff, v3  }
0x149: {  	v1 =	vld.idx.msk [tilespmem:v0+s26+$0x190 ss:$0x1], $0xffff  }
0x14a: {  	v2 =	vld.idx.msk [tilespmem:v0+s26+$0x10 ss:$0x1], $0xffff  }
0x14b: {  	v3 =	vld.idx.msk [tilespmem:v0+s26+$0x90 ss:$0x1], $0xffff  }
0x14c: {  	[tilespmem:s26+$0x16200] =	vst.add.f32.msk $0xffff, v4  }
0x14d: {  	v4 =	vld.idx.msk [tilespmem:v0+s26+$0x110 ss:$0x1], $0xffff  }
0x14e: {  	[tilespmem:s26+$0x16290] =	vst.add.f32.msk $0xffff, v1  }
0x14f: {  	[tilespmem:s26+$0x16110] =	vst.add.f32.msk $0xffff, v2  }
0x150: {  	[tilespmem:s26+$0x16190] =	vst.add.f32.msk $0xffff, v3  }
0x151: {  	v1 =	vld.idx.msk [tilespmem:v0+s26+$0x1A0 ss:$0x1], $0xffff  }
0x152: {  	v2 =	vld.idx.msk [tilespmem:v0+s26+$0x20 ss:$0x1], $0xffff  }
0x153: {  	v3 =	vld.idx.msk [tilespmem:v0+s26+$0xA0 ss:$0x1], $0xffff  }
0x154: {  	[tilespmem:s26+$0x16210] =	vst.add.f32.msk $0xffff, v4  }
0x155: {  	v4 =	vld.idx.msk [tilespmem:v0+s26+$0x120 ss:$0x1], $0xffff  }
0x156: {  	[tilespmem:s26+$0x162A0] =	vst.add.f32.msk $0xffff, v1  }
0x157: {  	[tilespmem:s26+$0x16120] =	vst.add.f32.msk $0xffff, v2  }
0x158: {  	[tilespmem:s26+$0x161A0] =	vst.add.f32.msk $0xffff, v3  }
0x159: {  	v1 =	vld.idx.msk [tilespmem:v0+s26+$0x1B0 ss:$0x1], $0xffff  }
0x15a: {  	v2 =	vld.idx.msk [tilespmem:v0+s26+$0x30 ss:$0x1], $0xffff  }
0x15b: {  	v3 =	vld.idx.msk [tilespmem:v0+s26+$0xB0 ss:$0x1], $0xffff  }
0x15c: {  	[tilespmem:s26+$0x16220] =	vst.add.f32.msk $0xffff, v4  }
0x15d: {  	v4 =	vld.idx.msk [tilespmem:v0+s26+$0x130 ss:$0x1], $0xffff  }
0x15e: {  	[tilespmem:s26+$0x162B0] =	vst.add.f32.msk $0xffff, v1  }
0x15f: {  	[tilespmem:s26+$0x16130] =	vst.add.f32.msk $0xffff, v2  }
0x160: {  	[tilespmem:s26+$0x161B0] =	vst.add.f32.msk $0xffff, v3  }
0x161: {  	v1 =	vld.idx.msk [tilespmem:v0+s26+$0x1C0 ss:$0x1], $0xffff  }
0x162: {  	v2 =	vld.idx.msk [tilespmem:v0+s26+$0x40 ss:$0x1], $0xffff  }
0x163: {  	v3 =	vld.idx.msk [tilespmem:v0+s26+$0xC0 ss:$0x1], $0xffff  }
0x164: {  	[tilespmem:s26+$0x16230] =	vst.add.f32.msk $0xffff, v4  }
0x165: {  	v4 =	vld.idx.msk [tilespmem:v0+s26+$0x140 ss:$0x1], $0xffff  }
0x166: {  	[tilespmem:s26+$0x162C0] =	vst.add.f32.msk $0xffff, v1  }
0x167: {  	[tilespmem:s26+$0x16140] =	vst.add.f32.msk $0xffff, v2  }
0x168: {  	[tilespmem:s26+$0x161C0] =	vst.add.f32.msk $0xffff, v3  }
0x169: {  	v1 =	vld.idx.msk [tilespmem:v0+s26+$0x1D0 ss:$0x1], $0xffff  }
0x16a: {  	v2 =	vld.idx.msk [tilespmem:v0+s26+$0x50 ss:$0x1], $0xffff  }
0x16b: {  	[tilespmem:s26+$0x16240] =	vst.add.f32.msk $0xffff, v4  }
0x16c: {  	v3 =	vld.idx.msk [tilespmem:v0+s26+$0xD0 ss:$0x1], $0xffff  }
0x16d: {  	v4 =	vld.idx.msk [tilespmem:v0+s26+$0x150 ss:$0x1], $0xffff  }
0x16e: {  	[tilespmem:s26+$0x162D0] =	vst.add.f32.msk $0xffff, v1  }
0x16f: {  	[tilespmem:s26+$0x16150] =	vst.add.f32.msk $0xffff, v2  }
0x170: {  	v1 =	vld.idx.msk [tilespmem:v0+s26+$0x1E0 ss:$0x1], $0xffff  }
0x171: {  	[tilespmem:s26+$0x161D0] =	vst.add.f32.msk $0xffff, v3  }
0x172: {  	[tilespmem:s26+$0x16250] =	vst.add.f32.msk $0xffff, v4  }
0x173: {  	v2 =	vld.idx.msk [tilespmem:v0+s26+$0x60 ss:$0x1], $0xffff  }
0x174: {  	v5 =	vld.idx.msk [tilespmem:v0+s26+$0xE0 ss:$0x1], $0xffff  }
0x175: {  	[tilespmem:s26+$0x162E0] =	vst.add.f32.msk $0xffff, v1  }
0x176: {  	v1 =	vld.idx.msk [tilespmem:v0+s26+$0x1F0 ss:$0x1], $0xffff  }
0x177: {  	v3 =	vld.idx.msk [tilespmem:v0+s26+$0x160 ss:$0x1], $0xffff  }
0x178: {  	[tilespmem:s26+$0x16160] =	vst.add.f32.msk $0xffff, v2  }
0x179: {  	[tilespmem:s26+$0x161E0] =	vst.add.f32.msk $0xffff, v5  }
0x17a: {  	v2 =	vld.idx.msk [tilespmem:v0+s26+$0x70 ss:$0x1], $0xffff  }
0x17b: {  	[tilespmem:s26+$0x162F0] =	vst.add.f32.msk $0xffff, v1  }
0x17c: {  	s22 =	simm.s32 $0x0;
	s5 =	sor.u32 $0x100, s17;
	s24 =	simm.s32 $0x800;
	v1 =	vld.idx.msk [tilespmem:v0+s26+$0xF0 ss:$0x1], $0xffff  }
.LBB2_7:
0x17d: {  	s19 =	sshra.s32 s24, $0x2;
	s22 =	sadd.s32 $0x4, s22;
	[tilespmem:s26+$0x16260] =	vst.add.f32.msk $0xffff, v3  }
0x17e: {  	v3 =	vld.idx.msk [tilespmem:v0+s19+$0x180 ss:$0x1], $0xffff;
	p0 =	slt.u32 s22, $0x7C  }
0x17f: {  	v4 =	vld.idx.msk [tilespmem:v0+s19+$0x0 ss:$0x1], $0xffff  }
0x180: {  	v5 =	vld.idx.msk [tilespmem:v0+s19+$0x80 ss:$0x1], $0xffff  }
0x181: {  	v6 =	vld.idx.msk [tilespmem:v0+s19+$0x100 ss:$0x1], $0xffff  }
0x182: {  	v7 =	vld.idx.msk [tilespmem:v0+s26+$0x170 ss:$0x1], $0xffff  }
0x183: {  	[tilespmem:s26+$0x16170] =	vst.add.f32.msk $0xffff, v2  }
0x184: {  	[tilespmem:s19+$0x16280] =	vst.add.f32.msk $0xffff, v3  }
0x185: {  	v2 =	vld.idx.msk [tilespmem:v0+s19+$0x190 ss:$0x1], $0xffff  }
0x186: {  	[tilespmem:s19+$0x16100] =	vst.add.f32.msk $0xffff, v4  }
0x187: {  	[tilespmem:s19+$0x16180] =	vst.add.f32.msk $0xffff, v5  }
0x188: {  	[tilespmem:s19+$0x16200] =	vst.add.f32.msk $0xffff, v6  }
0x189: {  	v3 =	vld.idx.msk [tilespmem:v0+s19+$0x10 ss:$0x1], $0xffff  }
0x18a: {  	v4 =	vld.idx.msk [tilespmem:v0+s19+$0x90 ss:$0x1], $0xffff  }
0x18b: {  	[tilespmem:s19+$0x16290] =	vst.add.f32.msk $0xffff, v2  }
0x18c: {  	v2 =	vld.idx.msk [tilespmem:v0+s19+$0x1A0 ss:$0x1], $0xffff  }
0x18d: {  	v5 =	vld.idx.msk [tilespmem:v0+s19+$0x110 ss:$0x1], $0xffff  }
0x18e: {  	[tilespmem:s26+$0x161F0] =	vst.add.f32.msk $0xffff, v1  }
0x18f: {  	[tilespmem:s19+$0x16110] =	vst.add.f32.msk $0xffff, v3  }
0x190: {  	[tilespmem:s19+$0x16190] =	vst.add.f32.msk $0xffff, v4  }
0x191: {  	v1 =	vld.idx.msk [tilespmem:v0+s19+$0x20 ss:$0x1], $0xffff  }
0x192: {  	[tilespmem:s19+$0x162A0] =	vst.add.f32.msk $0xffff, v2  }
0x193: {  	v2 =	vld.idx.msk [tilespmem:v0+s19+$0x1B0 ss:$0x1], $0xffff  }
0x194: {  	[tilespmem:s19+$0x16210] =	vst.add.f32.msk $0xffff, v5  }
0x195: {  	v3 =	vld.idx.msk [tilespmem:v0+s19+$0xA0 ss:$0x1], $0xffff  }
0x196: {  	v4 =	vld.idx.msk [tilespmem:v0+s19+$0x120 ss:$0x1], $0xffff  }
0x197: {  	[tilespmem:s19+$0x16120] =	vst.add.f32.msk $0xffff, v1  }
0x198: {  	v1 =	vld.idx.msk [tilespmem:v0+s19+$0x30 ss:$0x1], $0xffff  }
0x199: {  	[tilespmem:s19+$0x162B0] =	vst.add.f32.msk $0xffff, v2  }
0x19a: {  	v2 =	vld.idx.msk [tilespmem:v0+s19+$0x1C0 ss:$0x1], $0xffff  }
0x19b: {  	[tilespmem:s19+$0x161A0] =	vst.add.f32.msk $0xffff, v3  }
0x19c: {  	[tilespmem:s19+$0x16220] =	vst.add.f32.msk $0xffff, v4  }
0x19d: {  	v3 =	vld.idx.msk [tilespmem:v0+s19+$0xB0 ss:$0x1], $0xffff  }
0x19e: {  	v4 =	vld.idx.msk [tilespmem:v0+s19+$0x130 ss:$0x1], $0xffff  }
0x19f: {  	[tilespmem:s19+$0x16130] =	vst.add.f32.msk $0xffff, v1  }
0x1a0: {  	[tilespmem:s19+$0x162C0] =	vst.add.f32.msk $0xffff, v2  }
0x1a1: {  	v1 =	vld.idx.msk [tilespmem:v0+s19+$0x1D0 ss:$0x1], $0xffff  }
0x1a2: {  	v2 =	vld.idx.msk [tilespmem:v0+s19+$0x40 ss:$0x1], $0xffff  }
0x1a3: {  	[tilespmem:s19+$0x161B0] =	vst.add.f32.msk $0xffff, v3  }
0x1a4: {  	[tilespmem:s19+$0x16230] =	vst.add.f32.msk $0xffff, v4  }
0x1a5: {  	v3 =	vld.idx.msk [tilespmem:v0+s19+$0xC0 ss:$0x1], $0xffff  }
0x1a6: {  	v4 =	vld.idx.msk [tilespmem:v0+s19+$0x140 ss:$0x1], $0xffff  }
0x1a7: {  	[tilespmem:s19+$0x162D0] =	vst.add.f32.msk $0xffff, v1  }
0x1a8: {  	v1 =	vld.idx.msk [tilespmem:v0+s19+$0x1E0 ss:$0x1], $0xffff  }
0x1a9: {  	[tilespmem:s19+$0x16140] =	vst.add.f32.msk $0xffff, v2  }
0x1aa: {  	v2 =	vld.idx.msk [tilespmem:v0+s19+$0x50 ss:$0x1], $0xffff  }
0x1ab: {  	[tilespmem:s19+$0x161C0] =	vst.add.f32.msk $0xffff, v3  }
0x1ac: {  	[tilespmem:s19+$0x16240] =	vst.add.f32.msk $0xffff, v4  }
0x1ad: {  	v3 =	vld.idx.msk [tilespmem:v0+s19+$0xD0 ss:$0x1], $0xffff  }
0x1ae: {  	[tilespmem:s19+$0x162E0] =	vst.add.f32.msk $0xffff, v1  }
0x1af: {  	v1 =	vld.idx.msk [tilespmem:v0+s19+$0x1F0 ss:$0x1], $0xffff  }
0x1b0: {  	v4 =	vld.idx.msk [tilespmem:v0+s19+$0x150 ss:$0x1], $0xffff  }
0x1b1: {  	[tilespmem:s19+$0x16150] =	vst.add.f32.msk $0xffff, v2  }
0x1b2: {  	v2 =	vld.idx.msk [tilespmem:v0+s19+$0x60 ss:$0x1], $0xffff  }
0x1b3: {  	[tilespmem:s19+$0x161D0] =	vst.add.f32.msk $0xffff, v3  }
0x1b4: {  	v5 =	vld.idx.msk [tilespmem:v0+s19+$0xE0 ss:$0x1], $0xffff  }
0x1b5: {  	[tilespmem:s19+$0x162F0] =	vst.add.f32.msk $0xffff, v1  }
0x1b6: {  	[tilespmem:s19+$0x16250] =	vst.add.f32.msk $0xffff, v4  }
0x1b7: {  	v3 =	vld.idx.msk [tilespmem:v0+s19+$0x160 ss:$0x1], $0xffff  }
.Ltmp2:
0x1b8: {  	[tilespmem:s19+$0x16160] =	vst.add.f32.msk $0xffff, v2;
	(pc) =	sbr.rel @p0 .LBB2_7-.Ltmp2, $4  }
0x1b9: {  	v2 =	vld.idx.msk [tilespmem:v0+s19+$0x70 ss:$0x1], $0xffff  }
0x1ba: {  	[tilespmem:s19+$0x161E0] =	vst.add.f32.msk $0xffff, v5  }
0x1bb: {  	v1 =	vld.idx.msk [tilespmem:v0+s19+$0xF0 ss:$0x1], $0xffff  }
0x1bc: {  	s24 =	sadd.s32 $0x800, s24;
	[tilespmem:s26+$0x16270] =	vst.add.f32.msk $0xffff, v7;
	s26 =	smov.u32 s19  }
0x1bd: {  	_ =	sdelay $0x2  }
0x1be: {  	[tilespmem:s26+$0x16260] =	vst.add.f32.msk $0xffff, v3  }
0x1bf: {  	v0 =	vld.idx.msk [tilespmem:v0+s26+$0x170 ss:$0x1], $0xffff;
	_ =	sdelay $0x2  }
0x1c0: {  	s5 =	sadd.s32 s6, s5;
	[tilespmem:s26+$0x16170] =	vst.add.f32.msk $0xffff, v2  }
0x1c1: {  	s5 =	sshll.u32 s5, $0x4;
	[tilespmem:s26+$0x161F0] =	vst.add.f32.msk $0xffff, v1  }
0x1c2: {  	s19 =	simm.s32 $0x0;
	s24 =	simm.s32 $0x16100;
	s5 =	sadd.s32 s4, s5;
	[tilespmem:s26+$0x16270] =	vst.add.f32.msk $0xffff, v0  }
0x1c3: {  	[hbm4b:s5+s19] =	stream.linear.scatter [tilespmem:s24], [sflag:$0x7], $0x4000, $0x38;
	[tilespmem:$0x1E100] =	vst v63  }
0x1c4: {  	_ =	swait.ge [sflag:s31], $0x4000  }
0x1c5: {  	s26 =	sand.u32 $0x3FFFFE00, s17;
	[sflag:s31] =	ssyncset.done $0x0  }
0x1c6: {  	v0 =	vmov s23;
	s22 =	sadd.s32 $0x280, s26;
	[sflag:s31] =	ssyncadd.s32 $0xFFFFC000  }
0x1c7: {  	[tilespmem:s20], [sflag:$0x2] =	stream.indirect.gather [hbm4b:s1+s18], $0x80, s22, s18, $0xb8;
	[tilespmem:$0x1E100] =	vst v63  }
0x1c8: {  	_ =	swait.ge [sflag:s2], $0x4000  }
0x1c9: {  	[sflag:s2] =	ssyncset.done $0x0  }
0x1ca: {  	s23 =	simm.s32 $0x0;
	[sflag:s2] =	ssyncadd.s32 $0xFFFFC000  }
0x1cb: {  	v1 =	vld.idx.msk [tilespmem:v0+s23+$0x180 ss:$0x1], $0xffff  }
0x1cc: {  	v2 =	vld.idx.msk [tilespmem:v0+s23+$0x0 ss:$0x1], $0xffff  }
0x1cd: {  	v3 =	vld.idx.msk [tilespmem:v0+s23+$0x80 ss:$0x1], $0xffff;
	_ =	sdelay $0x1  }
0x1ce: {  	v4 =	vld.idx.msk [tilespmem:v0+s23+$0x100 ss:$0x1], $0xffff  }
0x1cf: {  	[tilespmem:s23+$0x1A280] =	vst.add.f32.msk $0xffff, v1  }
0x1d0: {  	[tilespmem:s23+$0x1A100] =	vst.add.f32.msk $0xffff, v2  }
0x1d1: {  	[tilespmem:s23+$0x1A180] =	vst.add.f32.msk $0xffff, v3  }
0x1d2: {  	v1 =	vld.idx.msk [tilespmem:v0+s23+$0x190 ss:$0x1], $0xffff  }
0x1d3: {  	v2 =	vld.idx.msk [tilespmem:v0+s23+$0x10 ss:$0x1], $0xffff  }
0x1d4: {  	v3 =	vld.idx.msk [tilespmem:v0+s23+$0x90 ss:$0x1], $0xffff  }
0x1d5: {  	[tilespmem:s23+$0x1A200] =	vst.add.f32.msk $0xffff, v4  }
0x1d6: {  	v4 =	vld.idx.msk [tilespmem:v0+s23+$0x110 ss:$0x1], $0xffff  }
0x1d7: {  	[tilespmem:s23+$0x1A290] =	vst.add.f32.msk $0xffff, v1  }
0x1d8: {  	[tilespmem:s23+$0x1A110] =	vst.add.f32.msk $0xffff, v2  }
0x1d9: {  	[tilespmem:s23+$0x1A190] =	vst.add.f32.msk $0xffff, v3  }
0x1da: {  	v1 =	vld.idx.msk [tilespmem:v0+s23+$0x1A0 ss:$0x1], $0xffff  }
0x1db: {  	v2 =	vld.idx.msk [tilespmem:v0+s23+$0x20 ss:$0x1], $0xffff  }
0x1dc: {  	v3 =	vld.idx.msk [tilespmem:v0+s23+$0xA0 ss:$0x1], $0xffff  }
0x1dd: {  	[tilespmem:s23+$0x1A210] =	vst.add.f32.msk $0xffff, v4  }
0x1de: {  	v4 =	vld.idx.msk [tilespmem:v0+s23+$0x120 ss:$0x1], $0xffff  }
0x1df: {  	[tilespmem:s23+$0x1A2A0] =	vst.add.f32.msk $0xffff, v1  }
0x1e0: {  	[tilespmem:s23+$0x1A120] =	vst.add.f32.msk $0xffff, v2  }
0x1e1: {  	[tilespmem:s23+$0x1A1A0] =	vst.add.f32.msk $0xffff, v3  }
0x1e2: {  	v1 =	vld.idx.msk [tilespmem:v0+s23+$0x1B0 ss:$0x1], $0xffff  }
0x1e3: {  	v2 =	vld.idx.msk [tilespmem:v0+s23+$0x30 ss:$0x1], $0xffff  }
0x1e4: {  	v3 =	vld.idx.msk [tilespmem:v0+s23+$0xB0 ss:$0x1], $0xffff  }
0x1e5: {  	[tilespmem:s23+$0x1A220] =	vst.add.f32.msk $0xffff, v4  }
0x1e6: {  	v4 =	vld.idx.msk [tilespmem:v0+s23+$0x130 ss:$0x1], $0xffff  }
0x1e7: {  	[tilespmem:s23+$0x1A2B0] =	vst.add.f32.msk $0xffff, v1  }
0x1e8: {  	[tilespmem:s23+$0x1A130] =	vst.add.f32.msk $0xffff, v2  }
0x1e9: {  	[tilespmem:s23+$0x1A1B0] =	vst.add.f32.msk $0xffff, v3  }
0x1ea: {  	v1 =	vld.idx.msk [tilespmem:v0+s23+$0x1C0 ss:$0x1], $0xffff  }
0x1eb: {  	v2 =	vld.idx.msk [tilespmem:v0+s23+$0x40 ss:$0x1], $0xffff  }
0x1ec: {  	v3 =	vld.idx.msk [tilespmem:v0+s23+$0xC0 ss:$0x1], $0xffff  }
0x1ed: {  	[tilespmem:s23+$0x1A230] =	vst.add.f32.msk $0xffff, v4  }
0x1ee: {  	v4 =	vld.idx.msk [tilespmem:v0+s23+$0x140 ss:$0x1], $0xffff  }
0x1ef: {  	[tilespmem:s23+$0x1A2C0] =	vst.add.f32.msk $0xffff, v1  }
0x1f0: {  	[tilespmem:s23+$0x1A140] =	vst.add.f32.msk $0xffff, v2  }
0x1f1: {  	[tilespmem:s23+$0x1A1C0] =	vst.add.f32.msk $0xffff, v3  }
0x1f2: {  	v1 =	vld.idx.msk [tilespmem:v0+s23+$0x1D0 ss:$0x1], $0xffff  }
0x1f3: {  	v2 =	vld.idx.msk [tilespmem:v0+s23+$0x50 ss:$0x1], $0xffff  }
0x1f4: {  	[tilespmem:s23+$0x1A240] =	vst.add.f32.msk $0xffff, v4  }
0x1f5: {  	v3 =	vld.idx.msk [tilespmem:v0+s23+$0xD0 ss:$0x1], $0xffff  }
0x1f6: {  	v4 =	vld.idx.msk [tilespmem:v0+s23+$0x150 ss:$0x1], $0xffff  }
0x1f7: {  	[tilespmem:s23+$0x1A2D0] =	vst.add.f32.msk $0xffff, v1  }
0x1f8: {  	[tilespmem:s23+$0x1A150] =	vst.add.f32.msk $0xffff, v2  }
0x1f9: {  	v1 =	vld.idx.msk [tilespmem:v0+s23+$0x1E0 ss:$0x1], $0xffff  }
0x1fa: {  	[tilespmem:s23+$0x1A1D0] =	vst.add.f32.msk $0xffff, v3  }
0x1fb: {  	[tilespmem:s23+$0x1A250] =	vst.add.f32.msk $0xffff, v4  }
0x1fc: {  	v2 =	vld.idx.msk [tilespmem:v0+s23+$0x60 ss:$0x1], $0xffff  }
0x1fd: {  	v5 =	vld.idx.msk [tilespmem:v0+s23+$0xE0 ss:$0x1], $0xffff  }
0x1fe: {  	[tilespmem:s23+$0x1A2E0] =	vst.add.f32.msk $0xffff, v1  }
0x1ff: {  	v1 =	vld.idx.msk [tilespmem:v0+s23+$0x1F0 ss:$0x1], $0xffff  }
0x200: {  	v3 =	vld.idx.msk [tilespmem:v0+s23+$0x160 ss:$0x1], $0xffff  }
0x201: {  	[tilespmem:s23+$0x1A160] =	vst.add.f32.msk $0xffff, v2  }
0x202: {  	[tilespmem:s23+$0x1A1E0] =	vst.add.f32.msk $0xffff, v5  }
0x203: {  	v2 =	vld.idx.msk [tilespmem:v0+s23+$0x70 ss:$0x1], $0xffff  }
0x204: {  	[tilespmem:s23+$0x1A2F0] =	vst.add.f32.msk $0xffff, v1  }
0x205: {  	s5 =	sor.u32 $0x180, s17;
	s17 =	simm.s32 $0x0;
	s22 =	simm.s32 $0x800;
	v1 =	vld.idx.msk [tilespmem:v0+s23+$0xF0 ss:$0x1], $0xffff  }
.LBB2_9:
0x206: {  	s19 =	sshra.s32 s22, $0x2;
	s17 =	sadd.s32 $0x4, s17;
	[tilespmem:s23+$0x1A260] =	vst.add.f32.msk $0xffff, v3  }
0x207: {  	v3 =	vld.idx.msk [tilespmem:v0+s19+$0x180 ss:$0x1], $0xffff;
	p0 =	slt.u32 s17, $0x7C  }
0x208: {  	v4 =	vld.idx.msk [tilespmem:v0+s19+$0x0 ss:$0x1], $0xffff  }
0x209: {  	v5 =	vld.idx.msk [tilespmem:v0+s19+$0x80 ss:$0x1], $0xffff  }
0x20a: {  	v6 =	vld.idx.msk [tilespmem:v0+s19+$0x100 ss:$0x1], $0xffff  }
0x20b: {  	v7 =	vld.idx.msk [tilespmem:v0+s23+$0x170 ss:$0x1], $0xffff  }
0x20c: {  	[tilespmem:s23+$0x1A170] =	vst.add.f32.msk $0xffff, v2  }
0x20d: {  	[tilespmem:s19+$0x1A280] =	vst.add.f32.msk $0xffff, v3  }
0x20e: {  	v2 =	vld.idx.msk [tilespmem:v0+s19+$0x190 ss:$0x1], $0xffff  }
0x20f: {  	[tilespmem:s19+$0x1A100] =	vst.add.f32.msk $0xffff, v4  }
0x210: {  	[tilespmem:s19+$0x1A180] =	vst.add.f32.msk $0xffff, v5  }
0x211: {  	[tilespmem:s19+$0x1A200] =	vst.add.f32.msk $0xffff, v6  }
0x212: {  	v3 =	vld.idx.msk [tilespmem:v0+s19+$0x10 ss:$0x1], $0xffff  }
0x213: {  	v4 =	vld.idx.msk [tilespmem:v0+s19+$0x90 ss:$0x1], $0xffff  }
0x214: {  	[tilespmem:s19+$0x1A290] =	vst.add.f32.msk $0xffff, v2  }
0x215: {  	v2 =	vld.idx.msk [tilespmem:v0+s19+$0x1A0 ss:$0x1], $0xffff  }
0x216: {  	v5 =	vld.idx.msk [tilespmem:v0+s19+$0x110 ss:$0x1], $0xffff  }
0x217: {  	[tilespmem:s23+$0x1A1F0] =	vst.add.f32.msk $0xffff, v1  }
0x218: {  	[tilespmem:s19+$0x1A110] =	vst.add.f32.msk $0xffff, v3  }
0x219: {  	[tilespmem:s19+$0x1A190] =	vst.add.f32.msk $0xffff, v4  }
0x21a: {  	v1 =	vld.idx.msk [tilespmem:v0+s19+$0x20 ss:$0x1], $0xffff  }
0x21b: {  	[tilespmem:s19+$0x1A2A0] =	vst.add.f32.msk $0xffff, v2  }
0x21c: {  	v2 =	vld.idx.msk [tilespmem:v0+s19+$0x1B0 ss:$0x1], $0xffff  }
0x21d: {  	[tilespmem:s19+$0x1A210] =	vst.add.f32.msk $0xffff, v5  }
0x21e: {  	v3 =	vld.idx.msk [tilespmem:v0+s19+$0xA0 ss:$0x1], $0xffff  }
0x21f: {  	v4 =	vld.idx.msk [tilespmem:v0+s19+$0x120 ss:$0x1], $0xffff  }
0x220: {  	[tilespmem:s19+$0x1A120] =	vst.add.f32.msk $0xffff, v1  }
0x221: {  	v1 =	vld.idx.msk [tilespmem:v0+s19+$0x30 ss:$0x1], $0xffff  }
0x222: {  	[tilespmem:s19+$0x1A2B0] =	vst.add.f32.msk $0xffff, v2  }
0x223: {  	v2 =	vld.idx.msk [tilespmem:v0+s19+$0x1C0 ss:$0x1], $0xffff  }
0x224: {  	[tilespmem:s19+$0x1A1A0] =	vst.add.f32.msk $0xffff, v3  }
0x225: {  	[tilespmem:s19+$0x1A220] =	vst.add.f32.msk $0xffff, v4  }
0x226: {  	v3 =	vld.idx.msk [tilespmem:v0+s19+$0xB0 ss:$0x1], $0xffff  }
0x227: {  	v4 =	vld.idx.msk [tilespmem:v0+s19+$0x130 ss:$0x1], $0xffff  }
0x228: {  	[tilespmem:s19+$0x1A130] =	vst.add.f32.msk $0xffff, v1  }
0x229: {  	[tilespmem:s19+$0x1A2C0] =	vst.add.f32.msk $0xffff, v2  }
0x22a: {  	v1 =	vld.idx.msk [tilespmem:v0+s19+$0x1D0 ss:$0x1], $0xffff  }
0x22b: {  	v2 =	vld.idx.msk [tilespmem:v0+s19+$0x40 ss:$0x1], $0xffff  }
0x22c: {  	[tilespmem:s19+$0x1A1B0] =	vst.add.f32.msk $0xffff, v3  }
0x22d: {  	[tilespmem:s19+$0x1A230] =	vst.add.f32.msk $0xffff, v4  }
0x22e: {  	v3 =	vld.idx.msk [tilespmem:v0+s19+$0xC0 ss:$0x1], $0xffff  }
0x22f: {  	v4 =	vld.idx.msk [tilespmem:v0+s19+$0x140 ss:$0x1], $0xffff  }
0x230: {  	[tilespmem:s19+$0x1A2D0] =	vst.add.f32.msk $0xffff, v1  }
0x231: {  	v1 =	vld.idx.msk [tilespmem:v0+s19+$0x1E0 ss:$0x1], $0xffff  }
0x232: {  	[tilespmem:s19+$0x1A140] =	vst.add.f32.msk $0xffff, v2  }
0x233: {  	v2 =	vld.idx.msk [tilespmem:v0+s19+$0x50 ss:$0x1], $0xffff  }
0x234: {  	[tilespmem:s19+$0x1A1C0] =	vst.add.f32.msk $0xffff, v3  }
0x235: {  	[tilespmem:s19+$0x1A240] =	vst.add.f32.msk $0xffff, v4  }
0x236: {  	v3 =	vld.idx.msk [tilespmem:v0+s19+$0xD0 ss:$0x1], $0xffff  }
0x237: {  	[tilespmem:s19+$0x1A2E0] =	vst.add.f32.msk $0xffff, v1  }
0x238: {  	v1 =	vld.idx.msk [tilespmem:v0+s19+$0x1F0 ss:$0x1], $0xffff  }
0x239: {  	v4 =	vld.idx.msk [tilespmem:v0+s19+$0x150 ss:$0x1], $0xffff  }
0x23a: {  	[tilespmem:s19+$0x1A150] =	vst.add.f32.msk $0xffff, v2  }
0x23b: {  	v2 =	vld.idx.msk [tilespmem:v0+s19+$0x60 ss:$0x1], $0xffff  }
0x23c: {  	[tilespmem:s19+$0x1A1D0] =	vst.add.f32.msk $0xffff, v3  }
0x23d: {  	v5 =	vld.idx.msk [tilespmem:v0+s19+$0xE0 ss:$0x1], $0xffff  }
0x23e: {  	[tilespmem:s19+$0x1A2F0] =	vst.add.f32.msk $0xffff, v1  }
0x23f: {  	[tilespmem:s19+$0x1A250] =	vst.add.f32.msk $0xffff, v4  }
0x240: {  	v3 =	vld.idx.msk [tilespmem:v0+s19+$0x160 ss:$0x1], $0xffff  }
.Ltmp3:
0x241: {  	[tilespmem:s19+$0x1A160] =	vst.add.f32.msk $0xffff, v2;
	(pc) =	sbr.rel @p0 .LBB2_9-.Ltmp3, $4  }
0x242: {  	v2 =	vld.idx.msk [tilespmem:v0+s19+$0x70 ss:$0x1], $0xffff  }
0x243: {  	[tilespmem:s19+$0x1A1E0] =	vst.add.f32.msk $0xffff, v5  }
0x244: {  	v1 =	vld.idx.msk [tilespmem:v0+s19+$0xF0 ss:$0x1], $0xffff  }
0x245: {  	s22 =	sadd.s32 $0x800, s22;
	[tilespmem:s23+$0x1A270] =	vst.add.f32.msk $0xffff, v7;
	s23 =	smov.u32 s19  }
0x246: {  	_ =	sdelay $0x2  }
0x247: {  	[tilespmem:s23+$0x1A260] =	vst.add.f32.msk $0xffff, v3  }
0x248: {  	v0 =	vld.idx.msk [tilespmem:v0+s23+$0x170 ss:$0x1], $0xffff;
	_ =	sdelay $0x2  }
0x249: {  	s5 =	sadd.s32 s6, s5;
	[tilespmem:s23+$0x1A170] =	vst.add.f32.msk $0xffff, v2  }
0x24a: {  	s5 =	sshll.u32 s5, $0x4;
	[tilespmem:s23+$0x1A1F0] =	vst.add.f32.msk $0xffff, v1  }
0x24b: {  	s17 =	simm.s32 $0x0;
	s22 =	simm.s32 $0x1A100;
	s5 =	sadd.s32 s4, s5;
	[tilespmem:s23+$0x1A270] =	vst.add.f32.msk $0xffff, v0  }
0x24c: {  	[hbm4b:s5+s17] =	stream.linear.scatter [tilespmem:s22], [sflag:$0x8], $0x4000, $0x38;
	[tilespmem:$0x1E100] =	vst v63  }
0x24d: {  	_ =	swait.ge [sflag:s0], $0x4000  }
0x24e: {  	[sflag:s0] =	ssyncset.done $0x0  }
0x24f: {  	s23 =	sadd.s32 $0x300, s26;
	v0 =	vmov s14;
	[sflag:s0] =	ssyncadd.s32 $0xFFFFC000  }
0x250: {  	[tilespmem:s24], [sflag:$0x3] =	stream.indirect.gather [hbm4b:s1+s18], $0x80, s23, s18, $0xb8;
	[tilespmem:$0x1E100] =	vst v63  }
0x251: {  	_ =	swait.ge [sflag:s25], $0x4000  }
0x252: {  	[sflag:s25] =	ssyncset.done $0x0  }
0x253: {  	s14 =	simm.s32 $0x0;
	[sflag:s25] =	ssyncadd.s32 $0xFFFFC000  }
0x254: {  	v1 =	vld.idx.msk [tilespmem:v0+s14+$0x180 ss:$0x1], $0xffff  }
0x255: {  	v2 =	vld.idx.msk [tilespmem:v0+s14+$0x0 ss:$0x1], $0xffff  }
0x256: {  	v3 =	vld.idx.msk [tilespmem:v0+s14+$0x80 ss:$0x1], $0xffff;
	_ =	sdelay $0x1  }
0x257: {  	v4 =	vld.idx.msk [tilespmem:v0+s14+$0x100 ss:$0x1], $0xffff  }
0x258: {  	[tilespmem:s14+$0xE280] =	vst.add.f32.msk $0xffff, v1  }
0x259: {  	[tilespmem:s14+$0xE100] =	vst.add.f32.msk $0xffff, v2  }
0x25a: {  	[tilespmem:s14+$0xE180] =	vst.add.f32.msk $0xffff, v3  }
0x25b: {  	v1 =	vld.idx.msk [tilespmem:v0+s14+$0x190 ss:$0x1], $0xffff  }
0x25c: {  	v2 =	vld.idx.msk [tilespmem:v0+s14+$0x10 ss:$0x1], $0xffff  }
0x25d: {  	v3 =	vld.idx.msk [tilespmem:v0+s14+$0x90 ss:$0x1], $0xffff  }
0x25e: {  	[tilespmem:s14+$0xE200] =	vst.add.f32.msk $0xffff, v4  }
0x25f: {  	v4 =	vld.idx.msk [tilespmem:v0+s14+$0x110 ss:$0x1], $0xffff  }
0x260: {  	[tilespmem:s14+$0xE290] =	vst.add.f32.msk $0xffff, v1  }
0x261: {  	[tilespmem:s14+$0xE110] =	vst.add.f32.msk $0xffff, v2  }
0x262: {  	[tilespmem:s14+$0xE190] =	vst.add.f32.msk $0xffff, v3  }
0x263: {  	v1 =	vld.idx.msk [tilespmem:v0+s14+$0x1A0 ss:$0x1], $0xffff  }
0x264: {  	v2 =	vld.idx.msk [tilespmem:v0+s14+$0x20 ss:$0x1], $0xffff  }
0x265: {  	v3 =	vld.idx.msk [tilespmem:v0+s14+$0xA0 ss:$0x1], $0xffff  }
0x266: {  	[tilespmem:s14+$0xE210] =	vst.add.f32.msk $0xffff, v4  }
0x267: {  	v4 =	vld.idx.msk [tilespmem:v0+s14+$0x120 ss:$0x1], $0xffff  }
0x268: {  	[tilespmem:s14+$0xE2A0] =	vst.add.f32.msk $0xffff, v1  }
0x269: {  	[tilespmem:s14+$0xE120] =	vst.add.f32.msk $0xffff, v2  }
0x26a: {  	[tilespmem:s14+$0xE1A0] =	vst.add.f32.msk $0xffff, v3  }
0x26b: {  	v1 =	vld.idx.msk [tilespmem:v0+s14+$0x1B0 ss:$0x1], $0xffff  }
0x26c: {  	v2 =	vld.idx.msk [tilespmem:v0+s14+$0x30 ss:$0x1], $0xffff  }
0x26d: {  	v3 =	vld.idx.msk [tilespmem:v0+s14+$0xB0 ss:$0x1], $0xffff  }
0x26e: {  	[tilespmem:s14+$0xE220] =	vst.add.f32.msk $0xffff, v4  }
0x26f: {  	v4 =	vld.idx.msk [tilespmem:v0+s14+$0x130 ss:$0x1], $0xffff  }
0x270: {  	[tilespmem:s14+$0xE2B0] =	vst.add.f32.msk $0xffff, v1  }
0x271: {  	[tilespmem:s14+$0xE130] =	vst.add.f32.msk $0xffff, v2  }
0x272: {  	[tilespmem:s14+$0xE1B0] =	vst.add.f32.msk $0xffff, v3  }
0x273: {  	v1 =	vld.idx.msk [tilespmem:v0+s14+$0x1C0 ss:$0x1], $0xffff  }
0x274: {  	v2 =	vld.idx.msk [tilespmem:v0+s14+$0x40 ss:$0x1], $0xffff  }
0x275: {  	v3 =	vld.idx.msk [tilespmem:v0+s14+$0xC0 ss:$0x1], $0xffff  }
0x276: {  	[tilespmem:s14+$0xE230] =	vst.add.f32.msk $0xffff, v4  }
0x277: {  	v4 =	vld.idx.msk [tilespmem:v0+s14+$0x140 ss:$0x1], $0xffff  }
0x278: {  	[tilespmem:s14+$0xE2C0] =	vst.add.f32.msk $0xffff, v1  }
0x279: {  	[tilespmem:s14+$0xE140] =	vst.add.f32.msk $0xffff, v2  }
0x27a: {  	[tilespmem:s14+$0xE1C0] =	vst.add.f32.msk $0xffff, v3  }
0x27b: {  	v1 =	vld.idx.msk [tilespmem:v0+s14+$0x1D0 ss:$0x1], $0xffff  }
0x27c: {  	v2 =	vld.idx.msk [tilespmem:v0+s14+$0x50 ss:$0x1], $0xffff  }
0x27d: {  	[tilespmem:s14+$0xE240] =	vst.add.f32.msk $0xffff, v4  }
0x27e: {  	v3 =	vld.idx.msk [tilespmem:v0+s14+$0xD0 ss:$0x1], $0xffff  }
0x27f: {  	v4 =	vld.idx.msk [tilespmem:v0+s14+$0x150 ss:$0x1], $0xffff  }
0x280: {  	[tilespmem:s14+$0xE2D0] =	vst.add.f32.msk $0xffff, v1  }
0x281: {  	[tilespmem:s14+$0xE150] =	vst.add.f32.msk $0xffff, v2  }
0x282: {  	v1 =	vld.idx.msk [tilespmem:v0+s14+$0x1E0 ss:$0x1], $0xffff  }
0x283: {  	[tilespmem:s14+$0xE1D0] =	vst.add.f32.msk $0xffff, v3  }
0x284: {  	[tilespmem:s14+$0xE250] =	vst.add.f32.msk $0xffff, v4  }
0x285: {  	v2 =	vld.idx.msk [tilespmem:v0+s14+$0x60 ss:$0x1], $0xffff  }
0x286: {  	v5 =	vld.idx.msk [tilespmem:v0+s14+$0xE0 ss:$0x1], $0xffff  }
0x287: {  	[tilespmem:s14+$0xE2E0] =	vst.add.f32.msk $0xffff, v1  }
0x288: {  	v1 =	vld.idx.msk [tilespmem:v0+s14+$0x1F0 ss:$0x1], $0xffff  }
0x289: {  	v3 =	vld.idx.msk [tilespmem:v0+s14+$0x160 ss:$0x1], $0xffff  }
0x28a: {  	[tilespmem:s14+$0xE160] =	vst.add.f32.msk $0xffff, v2  }
0x28b: {  	[tilespmem:s14+$0xE1E0] =	vst.add.f32.msk $0xffff, v5  }
0x28c: {  	v2 =	vld.idx.msk [tilespmem:v0+s14+$0x70 ss:$0x1], $0xffff  }
0x28d: {  	[tilespmem:s14+$0xE2F0] =	vst.add.f32.msk $0xffff, v1  }
0x28e: {  	s5 =	simm.s32 $0x0;
	s17 =	simm.s32 $0x800;
	v1 =	vld.idx.msk [tilespmem:v0+s14+$0xF0 ss:$0x1], $0xffff  }
.LBB2_11:
0x28f: {  	s19 =	sshra.s32 s17, $0x2;
	s5 =	sadd.s32 $0x4, s5;
	[tilespmem:s14+$0xE260] =	vst.add.f32.msk $0xffff, v3  }
0x290: {  	v3 =	vld.idx.msk [tilespmem:v0+s19+$0x180 ss:$0x1], $0xffff;
	p0 =	slt.u32 s5, $0x7C  }
0x291: {  	v4 =	vld.idx.msk [tilespmem:v0+s19+$0x0 ss:$0x1], $0xffff  }
0x292: {  	v5 =	vld.idx.msk [tilespmem:v0+s19+$0x80 ss:$0x1], $0xffff  }
0x293: {  	v6 =	vld.idx.msk [tilespmem:v0+s19+$0x100 ss:$0x1], $0xffff  }
0x294: {  	v7 =	vld.idx.msk [tilespmem:v0+s14+$0x170 ss:$0x1], $0xffff  }
0x295: {  	[tilespmem:s14+$0xE170] =	vst.add.f32.msk $0xffff, v2  }
0x296: {  	[tilespmem:s19+$0xE280] =	vst.add.f32.msk $0xffff, v3  }
0x297: {  	v2 =	vld.idx.msk [tilespmem:v0+s19+$0x190 ss:$0x1], $0xffff  }
0x298: {  	[tilespmem:s19+$0xE100] =	vst.add.f32.msk $0xffff, v4  }
0x299: {  	[tilespmem:s19+$0xE180] =	vst.add.f32.msk $0xffff, v5  }
0x29a: {  	[tilespmem:s19+$0xE200] =	vst.add.f32.msk $0xffff, v6  }
0x29b: {  	v3 =	vld.idx.msk [tilespmem:v0+s19+$0x10 ss:$0x1], $0xffff  }
0x29c: {  	v4 =	vld.idx.msk [tilespmem:v0+s19+$0x90 ss:$0x1], $0xffff  }
0x29d: {  	[tilespmem:s19+$0xE290] =	vst.add.f32.msk $0xffff, v2  }
0x29e: {  	v2 =	vld.idx.msk [tilespmem:v0+s19+$0x1A0 ss:$0x1], $0xffff  }
0x29f: {  	v5 =	vld.idx.msk [tilespmem:v0+s19+$0x110 ss:$0x1], $0xffff  }
0x2a0: {  	[tilespmem:s14+$0xE1F0] =	vst.add.f32.msk $0xffff, v1  }
0x2a1: {  	[tilespmem:s19+$0xE110] =	vst.add.f32.msk $0xffff, v3  }
0x2a2: {  	[tilespmem:s19+$0xE190] =	vst.add.f32.msk $0xffff, v4  }
0x2a3: {  	v1 =	vld.idx.msk [tilespmem:v0+s19+$0x20 ss:$0x1], $0xffff  }
0x2a4: {  	[tilespmem:s19+$0xE2A0] =	vst.add.f32.msk $0xffff, v2  }
0x2a5: {  	v2 =	vld.idx.msk [tilespmem:v0+s19+$0x1B0 ss:$0x1], $0xffff  }
0x2a6: {  	[tilespmem:s19+$0xE210] =	vst.add.f32.msk $0xffff, v5  }
0x2a7: {  	v3 =	vld.idx.msk [tilespmem:v0+s19+$0xA0 ss:$0x1], $0xffff  }
0x2a8: {  	v4 =	vld.idx.msk [tilespmem:v0+s19+$0x120 ss:$0x1], $0xffff  }
0x2a9: {  	[tilespmem:s19+$0xE120] =	vst.add.f32.msk $0xffff, v1  }
0x2aa: {  	v1 =	vld.idx.msk [tilespmem:v0+s19+$0x30 ss:$0x1], $0xffff  }
0x2ab: {  	[tilespmem:s19+$0xE2B0] =	vst.add.f32.msk $0xffff, v2  }
0x2ac: {  	v2 =	vld.idx.msk [tilespmem:v0+s19+$0x1C0 ss:$0x1], $0xffff  }
0x2ad: {  	[tilespmem:s19+$0xE1A0] =	vst.add.f32.msk $0xffff, v3  }
0x2ae: {  	[tilespmem:s19+$0xE220] =	vst.add.f32.msk $0xffff, v4  }
0x2af: {  	v3 =	vld.idx.msk [tilespmem:v0+s19+$0xB0 ss:$0x1], $0xffff  }
0x2b0: {  	v4 =	vld.idx.msk [tilespmem:v0+s19+$0x130 ss:$0x1], $0xffff  }
0x2b1: {  	[tilespmem:s19+$0xE130] =	vst.add.f32.msk $0xffff, v1  }
0x2b2: {  	[tilespmem:s19+$0xE2C0] =	vst.add.f32.msk $0xffff, v2  }
0x2b3: {  	v1 =	vld.idx.msk [tilespmem:v0+s19+$0x1D0 ss:$0x1], $0xffff  }
0x2b4: {  	v2 =	vld.idx.msk [tilespmem:v0+s19+$0x40 ss:$0x1], $0xffff  }
0x2b5: {  	[tilespmem:s19+$0xE1B0] =	vst.add.f32.msk $0xffff, v3  }
0x2b6: {  	[tilespmem:s19+$0xE230] =	vst.add.f32.msk $0xffff, v4  }
0x2b7: {  	v3 =	vld.idx.msk [tilespmem:v0+s19+$0xC0 ss:$0x1], $0xffff  }
0x2b8: {  	v4 =	vld.idx.msk [tilespmem:v0+s19+$0x140 ss:$0x1], $0xffff  }
0x2b9: {  	[tilespmem:s19+$0xE2D0] =	vst.add.f32.msk $0xffff, v1  }
0x2ba: {  	v1 =	vld.idx.msk [tilespmem:v0+s19+$0x1E0 ss:$0x1], $0xffff  }
0x2bb: {  	[tilespmem:s19+$0xE140] =	vst.add.f32.msk $0xffff, v2  }
0x2bc: {  	v2 =	vld.idx.msk [tilespmem:v0+s19+$0x50 ss:$0x1], $0xffff  }
0x2bd: {  	[tilespmem:s19+$0xE1C0] =	vst.add.f32.msk $0xffff, v3  }
0x2be: {  	[tilespmem:s19+$0xE240] =	vst.add.f32.msk $0xffff, v4  }
0x2bf: {  	v3 =	vld.idx.msk [tilespmem:v0+s19+$0xD0 ss:$0x1], $0xffff  }
0x2c0: {  	[tilespmem:s19+$0xE2E0] =	vst.add.f32.msk $0xffff, v1  }
0x2c1: {  	v1 =	vld.idx.msk [tilespmem:v0+s19+$0x1F0 ss:$0x1], $0xffff  }
0x2c2: {  	v4 =	vld.idx.msk [tilespmem:v0+s19+$0x150 ss:$0x1], $0xffff  }
0x2c3: {  	[tilespmem:s19+$0xE150] =	vst.add.f32.msk $0xffff, v2  }
0x2c4: {  	v2 =	vld.idx.msk [tilespmem:v0+s19+$0x60 ss:$0x1], $0xffff  }
0x2c5: {  	[tilespmem:s19+$0xE1D0] =	vst.add.f32.msk $0xffff, v3  }
0x2c6: {  	v5 =	vld.idx.msk [tilespmem:v0+s19+$0xE0 ss:$0x1], $0xffff  }
0x2c7: {  	[tilespmem:s19+$0xE2F0] =	vst.add.f32.msk $0xffff, v1  }
0x2c8: {  	[tilespmem:s19+$0xE250] =	vst.add.f32.msk $0xffff, v4  }
0x2c9: {  	v3 =	vld.idx.msk [tilespmem:v0+s19+$0x160 ss:$0x1], $0xffff  }
.Ltmp4:
0x2ca: {  	[tilespmem:s19+$0xE160] =	vst.add.f32.msk $0xffff, v2;
	(pc) =	sbr.rel @p0 .LBB2_11-.Ltmp4, $4  }
0x2cb: {  	v2 =	vld.idx.msk [tilespmem:v0+s19+$0x70 ss:$0x1], $0xffff  }
0x2cc: {  	[tilespmem:s19+$0xE1E0] =	vst.add.f32.msk $0xffff, v5  }
0x2cd: {  	v1 =	vld.idx.msk [tilespmem:v0+s19+$0xF0 ss:$0x1], $0xffff  }
0x2ce: {  	s17 =	sadd.s32 $0x800, s17;
	[tilespmem:s14+$0xE270] =	vst.add.f32.msk $0xffff, v7;
	s14 =	smov.u32 s19  }
0x2cf: {  	_ =	sdelay $0x2  }
0x2d0: {  	[tilespmem:s14+$0xE260] =	vst.add.f32.msk $0xffff, v3  }
0x2d1: {  	v0 =	vld.idx.msk [tilespmem:v0+s14+$0x170 ss:$0x1], $0xffff;
	_ =	sdelay $0x2  }
0x2d2: {  	s5 =	sadd.s32 s6, s13;
	s13 =	simm.s32 $0x0;
	[tilespmem:s14+$0xE170] =	vst.add.f32.msk $0xffff, v2  }
0x2d3: {  	s23 =	simm.s32 $0xE100;
	s16 =	sadd.s32 $0x1, s16;
	s5 =	sshll.u32 s5, $0x4;
	[tilespmem:s14+$0xE1F0] =	vst.add.f32.msk $0xffff, v1  }
0x2d4: {  	s26 =	sadd.s32 $0x380, s26;
	p0 =	sne.s32 s16, $0xB;
	s5 =	sadd.s32 s4, s5;
	[tilespmem:s14+$0xE270] =	vst.add.f32.msk $0xffff, v0  }
0x2d5: {  	[hbm4b:s5+s13] =	stream.linear.scatter [tilespmem:s23], [sflag:$0x5], $0x4000, $0x38;
	[tilespmem:$0x1E100] =	vst v63  }
.Ltmp5:
0x2d6: {  	s21 =	sadd.s32 $0x10000, s21;
	s3 =	sadd.s32 $0x200, s3;
	(pc) =	sbr.rel @p0 .LBB2_4-.Ltmp5, $4  }
0x2d7: {  	s7 =	sadd.s32 $0x10000, s7;
	s8 =	sadd.s32 $0x200, s8;
	_ =	swait.ge [sflag:s15], $0x4000  }
0x2d8: {  	s9 =	sadd.s32 $0x10000, s9;
	s10 =	sadd.s32 $0x200, s10;
	[sflag:s15] =	ssyncset.done $0x0  }
0x2d9: {  	s11 =	sadd.s32 $0x10000, s11;
	s12 =	sadd.s32 $0x200, s12;
	[sflag:s15] =	ssyncadd.s32 $0xFFFFC000  }
0x2da: {  	[tilespmem:s22], [sflag:$0x4] =	stream.indirect.gather [hbm4b:s1+s18], $0x80, s26, s18, $0xb8;
	[tilespmem:$0x1E100] =	vst v63  }
0x2db: {  	_ =	swait.ge [sflag:s28], $0x4000  }
0x2dc: {  	[sflag:s28] =	ssyncset.done $0x0  }
0x2dd: {  	s3 =	simm.s32 $0x0;
	[sflag:s28] =	ssyncadd.s32 $0xFFFFC000  }
0x2de: {  	v0 =	vld [tilespmem:s3+$0x6AF0]  }
0x2df: {  	v1 =	vld [tilespmem:s3+$0x6900]  }
0x2e0: {  	v2 =	vld [tilespmem:s3+$0x6910]  }
0x2e1: {  	v3 =	vld [tilespmem:s3+$0x6920]  }
0x2e2: {  	v4 =	vld [tilespmem:s3+$0x6930]  }
0x2e3: {  	v5 =	vld [tilespmem:s3+$0x6940]  }
0x2e4: {  	v6 =	vld [tilespmem:s3+$0x6950]  }
0x2e5: {  	v7 =	vld [tilespmem:s3+$0x6960]  }
0x2e6: {  	v8 =	vld [tilespmem:s3+$0x6970]  }
0x2e7: {  	v9 =	vld [tilespmem:s3+$0x6980]  }
0x2e8: {  	v10 =	vld [tilespmem:s3+$0x6990]  }
0x2e9: {  	v11 =	vld [tilespmem:s3+$0x69A0]  }
0x2ea: {  	v12 =	vld [tilespmem:s3+$0x69B0]  }
0x2eb: {  	v13 =	vld [tilespmem:s3+$0x69C0]  }
0x2ec: {  	v14 =	vld [tilespmem:s3+$0x69D0]  }
0x2ed: {  	v15 =	vld [tilespmem:s3+$0x69E0]  }
0x2ee: {  	v16 =	vld [tilespmem:s3+$0x69F0]  }
0x2ef: {  	v17 =	vld [tilespmem:s3+$0x6A00]  }
0x2f0: {  	v18 =	vld [tilespmem:s3+$0x6A10]  }
0x2f1: {  	v19 =	vld [tilespmem:s3+$0x6A20]  }
0x2f2: {  	v20 =	vld [tilespmem:s3+$0x6A30]  }
0x2f3: {  	v21 =	vld [tilespmem:s3+$0x6A40]  }
0x2f4: {  	v22 =	vld [tilespmem:s3+$0x6A50]  }
0x2f5: {  	v23 =	vld [tilespmem:s3+$0x6A60]  }
0x2f6: {  	v24 =	vld [tilespmem:s3+$0x6A70]  }
0x2f7: {  	v25 =	vld [tilespmem:s3+$0x6A80]  }
0x2f8: {  	v26 =	vld [tilespmem:s3+$0x6A90]  }
0x2f9: {  	v27 =	vld [tilespmem:s3+$0x6AA0]  }
0x2fa: {  	v28 =	vld [tilespmem:s3+$0x6AB0]  }
0x2fb: {  	v29 =	vld [tilespmem:s3+$0x6AC0]  }
0x2fc: {  	v30 =	vld [tilespmem:s3+$0x6AD0]  }
0x2fd: {  	[tilespmem:s3+$0x122F0] =	vst.add.f32.msk $0xffff, v0  }
0x2fe: {  	v0 =	vld [tilespmem:s3+$0x6AE0]  }
0x2ff: {  	[tilespmem:s3+$0x12100] =	vst.add.f32.msk $0xffff, v1  }
0x300: {  	[tilespmem:s3+$0x12110] =	vst.add.f32.msk $0xffff, v2  }
0x301: {  	[tilespmem:s3+$0x12120] =	vst.add.f32.msk $0xffff, v3  }
0x302: {  	[tilespmem:s3+$0x12130] =	vst.add.f32.msk $0xffff, v4  }
0x303: {  	[tilespmem:s3+$0x12140] =	vst.add.f32.msk $0xffff, v5  }
0x304: {  	[tilespmem:s3+$0x12150] =	vst.add.f32.msk $0xffff, v6  }
0x305: {  	[tilespmem:s3+$0x12160] =	vst.add.f32.msk $0xffff, v7  }
0x306: {  	[tilespmem:s3+$0x12170] =	vst.add.f32.msk $0xffff, v8  }
0x307: {  	[tilespmem:s3+$0x12180] =	vst.add.f32.msk $0xffff, v9  }
0x308: {  	[tilespmem:s3+$0x12190] =	vst.add.f32.msk $0xffff, v10  }
0x309: {  	[tilespmem:s3+$0x121A0] =	vst.add.f32.msk $0xffff, v11  }
0x30a: {  	[tilespmem:s3+$0x121B0] =	vst.add.f32.msk $0xffff, v12  }
0x30b: {  	[tilespmem:s3+$0x121C0] =	vst.add.f32.msk $0xffff, v13  }
0x30c: {  	[tilespmem:s3+$0x121D0] =	vst.add.f32.msk $0xffff, v14  }
0x30d: {  	[tilespmem:s3+$0x121E0] =	vst.add.f32.msk $0xffff, v15  }
0x30e: {  	[tilespmem:s3+$0x121F0] =	vst.add.f32.msk $0xffff, v16  }
0x30f: {  	[tilespmem:s3+$0x12200] =	vst.add.f32.msk $0xffff, v17  }
0x310: {  	[tilespmem:s3+$0x12210] =	vst.add.f32.msk $0xffff, v18  }
0x311: {  	[tilespmem:s3+$0x12220] =	vst.add.f32.msk $0xffff, v19  }
0x312: {  	[tilespmem:s3+$0x12230] =	vst.add.f32.msk $0xffff, v20  }
0x313: {  	[tilespmem:s3+$0x12240] =	vst.add.f32.msk $0xffff, v21  }
0x314: {  	[tilespmem:s3+$0x12250] =	vst.add.f32.msk $0xffff, v22  }
0x315: {  	[tilespmem:s3+$0x12260] =	vst.add.f32.msk $0xffff, v23  }
0x316: {  	[tilespmem:s3+$0x12270] =	vst.add.f32.msk $0xffff, v24  }
0x317: {  	[tilespmem:s3+$0x12280] =	vst.add.f32.msk $0xffff, v25  }
0x318: {  	[tilespmem:s3+$0x12290] =	vst.add.f32.msk $0xffff, v26  }
0x319: {  	[tilespmem:s3+$0x122A0] =	vst.add.f32.msk $0xffff, v27  }
0x31a: {  	[tilespmem:s3+$0x122B0] =	vst.add.f32.msk $0xffff, v28  }
0x31b: {  	[tilespmem:s3+$0x122C0] =	vst.add.f32.msk $0xffff, v29  }
0x31c: {  	s5 =	simm.s32 $0x0;
	s7 =	simm.s32 $0x800;
	[tilespmem:s3+$0x122D0] =	vst.add.f32.msk $0xffff, v30  }
.LBB2_14:
0x31d: {  	s5 =	sadd.s32 $0x4, s5;
	[tilespmem:s3+$0x122E0] =	vst.add.f32.msk $0xffff, v0;
	s3 =	sshra.s32 s7, $0x2  }
0x31e: {  	v0 =	vld [tilespmem:s3+$0x6AF0];
	p0 =	slt.u32 s5, $0x7C  }
0x31f: {  	v1 =	vld [tilespmem:s3+$0x6900]  }
0x320: {  	v2 =	vld [tilespmem:s3+$0x6910]  }
0x321: {  	v3 =	vld [tilespmem:s3+$0x6920]  }
0x322: {  	v4 =	vld [tilespmem:s3+$0x6930]  }
0x323: {  	[tilespmem:s3+$0x122F0] =	vst.add.f32.msk $0xffff, v0  }
0x324: {  	v5 =	vld [tilespmem:s3+$0x6940]  }
0x325: {  	v6 =	vld [tilespmem:s3+$0x6950]  }
0x326: {  	v7 =	vld [tilespmem:s3+$0x6960]  }
0x327: {  	v8 =	vld [tilespmem:s3+$0x6970]  }
0x328: {  	v9 =	vld [tilespmem:s3+$0x6980]  }
0x329: {  	v10 =	vld [tilespmem:s3+$0x6990]  }
0x32a: {  	v11 =	vld [tilespmem:s3+$0x69A0]  }
0x32b: {  	v12 =	vld [tilespmem:s3+$0x69B0]  }
0x32c: {  	v13 =	vld [tilespmem:s3+$0x69C0]  }
0x32d: {  	v14 =	vld [tilespmem:s3+$0x69D0]  }
0x32e: {  	v15 =	vld [tilespmem:s3+$0x69E0]  }
0x32f: {  	v16 =	vld [tilespmem:s3+$0x69F0]  }
0x330: {  	v17 =	vld [tilespmem:s3+$0x6A00]  }
0x331: {  	v18 =	vld [tilespmem:s3+$0x6A10]  }
0x332: {  	v19 =	vld [tilespmem:s3+$0x6A20]  }
0x333: {  	v20 =	vld [tilespmem:s3+$0x6A30]  }
0x334: {  	v21 =	vld [tilespmem:s3+$0x6A40]  }
0x335: {  	v22 =	vld [tilespmem:s3+$0x6A50]  }
0x336: {  	v23 =	vld [tilespmem:s3+$0x6A60]  }
0x337: {  	v24 =	vld [tilespmem:s3+$0x6A70]  }
0x338: {  	v25 =	vld [tilespmem:s3+$0x6A80]  }
0x339: {  	v26 =	vld [tilespmem:s3+$0x6A90]  }
0x33a: {  	v27 =	vld [tilespmem:s3+$0x6AA0]  }
0x33b: {  	v28 =	vld [tilespmem:s3+$0x6AB0]  }
0x33c: {  	v29 =	vld [tilespmem:s3+$0x6AC0]  }
0x33d: {  	v30 =	vld [tilespmem:s3+$0x6AD0]  }
0x33e: {  	v0 =	vld [tilespmem:s3+$0x6AE0]  }
0x33f: {  	[tilespmem:s3+$0x12100] =	vst.add.f32.msk $0xffff, v1  }
0x340: {  	[tilespmem:s3+$0x12110] =	vst.add.f32.msk $0xffff, v2  }
0x341: {  	[tilespmem:s3+$0x12120] =	vst.add.f32.msk $0xffff, v3  }
0x342: {  	[tilespmem:s3+$0x12130] =	vst.add.f32.msk $0xffff, v4  }
0x343: {  	[tilespmem:s3+$0x12140] =	vst.add.f32.msk $0xffff, v5  }
0x344: {  	[tilespmem:s3+$0x12150] =	vst.add.f32.msk $0xffff, v6  }
0x345: {  	[tilespmem:s3+$0x12160] =	vst.add.f32.msk $0xffff, v7  }
0x346: {  	[tilespmem:s3+$0x12170] =	vst.add.f32.msk $0xffff, v8  }
0x347: {  	[tilespmem:s3+$0x12180] =	vst.add.f32.msk $0xffff, v9  }
0x348: {  	[tilespmem:s3+$0x12190] =	vst.add.f32.msk $0xffff, v10  }
0x349: {  	[tilespmem:s3+$0x121A0] =	vst.add.f32.msk $0xffff, v11  }
0x34a: {  	[tilespmem:s3+$0x121B0] =	vst.add.f32.msk $0xffff, v12  }
0x34b: {  	[tilespmem:s3+$0x121C0] =	vst.add.f32.msk $0xffff, v13  }
0x34c: {  	[tilespmem:s3+$0x121D0] =	vst.add.f32.msk $0xffff, v14  }
0x34d: {  	[tilespmem:s3+$0x121E0] =	vst.add.f32.msk $0xffff, v15  }
0x34e: {  	[tilespmem:s3+$0x121F0] =	vst.add.f32.msk $0xffff, v16  }
0x34f: {  	[tilespmem:s3+$0x12200] =	vst.add.f32.msk $0xffff, v17  }
0x350: {  	[tilespmem:s3+$0x12210] =	vst.add.f32.msk $0xffff, v18  }
0x351: {  	[tilespmem:s3+$0x12220] =	vst.add.f32.msk $0xffff, v19  }
0x352: {  	[tilespmem:s3+$0x12230] =	vst.add.f32.msk $0xffff, v20  }
0x353: {  	[tilespmem:s3+$0x12240] =	vst.add.f32.msk $0xffff, v21  }
0x354: {  	[tilespmem:s3+$0x12250] =	vst.add.f32.msk $0xffff, v22  }
0x355: {  	[tilespmem:s3+$0x12260] =	vst.add.f32.msk $0xffff, v23  }
0x356: {  	[tilespmem:s3+$0x12270] =	vst.add.f32.msk $0xffff, v24  }
0x357: {  	[tilespmem:s3+$0x12280] =	vst.add.f32.msk $0xffff, v25  }
.Ltmp6:
0x358: {  	[tilespmem:s3+$0x12290] =	vst.add.f32.msk $0xffff, v26;
	(pc) =	sbr.rel @p0 .LBB2_14-.Ltmp6, $4  }
0x359: {  	[tilespmem:s3+$0x122A0] =	vst.add.f32.msk $0xffff, v27  }
0x35a: {  	[tilespmem:s3+$0x122B0] =	vst.add.f32.msk $0xffff, v28  }
0x35b: {  	[tilespmem:s3+$0x122C0] =	vst.add.f32.msk $0xffff, v29  }
0x35c: {  	s7 =	sadd.s32 $0x800, s7;
	[tilespmem:s3+$0x122D0] =	vst.add.f32.msk $0xffff, v30  }
0x35d: {  	[tilespmem:s3+$0x122E0] =	vst.add.f32.msk $0xffff, v0  }
0x35e: {  	s21 =	simm.s32 $0x0;
	s5 =	rddreg [dreg:$0x7]  }
0x35f: {  	[hbm4b:s5+s21] =	stream.linear.scatter [tilespmem:s20], [sflag:$0x6], $0x4000, $0x38;
	[tilespmem:$0x1E100] =	vst v63  }
0x360: {  	_ =	swait.ge [sflag:s29], $0x4000  }
0x361: {  	[sflag:s29] =	ssyncset.done $0x0  }
0x362: {  	s23 =	simm.s32 $0xE100;
	s26 =	simm.s32 $0x1800;
	[sflag:s29] =	ssyncadd.s32 $0xFFFFC000  }
0x363: {  	[tilespmem:s23], [sflag:$0x1] =	stream.indirect.gather [hbm4b:s1+s18], $0x80, s26, s18, $0xb8;
	[tilespmem:$0x1E100] =	vst v63  }
0x364: {  	_ =	swait.ge [sflag:s30], $0x4000  }
0x365: {  	[sflag:s30] =	ssyncset.done $0x0  }
0x366: {  	s3 =	simm.s32 $0x0;
	[sflag:s30] =	ssyncadd.s32 $0xFFFFC000  }
0x367: {  	v0 =	vld [tilespmem:s3+$0x46F0]  }
0x368: {  	v1 =	vld [tilespmem:s3+$0x4500]  }
0x369: {  	v2 =	vld [tilespmem:s3+$0x4510]  }
0x36a: {  	v3 =	vld [tilespmem:s3+$0x4520]  }
0x36b: {  	v4 =	vld [tilespmem:s3+$0x4530]  }
0x36c: {  	v5 =	vld [tilespmem:s3+$0x4540]  }
0x36d: {  	v6 =	vld [tilespmem:s3+$0x4550]  }
0x36e: {  	v7 =	vld [tilespmem:s3+$0x4560]  }
0x36f: {  	v8 =	vld [tilespmem:s3+$0x4570]  }
0x370: {  	v9 =	vld [tilespmem:s3+$0x4580]  }
0x371: {  	v10 =	vld [tilespmem:s3+$0x4590]  }
0x372: {  	v11 =	vld [tilespmem:s3+$0x45A0]  }
0x373: {  	v12 =	vld [tilespmem:s3+$0x45B0]  }
0x374: {  	v13 =	vld [tilespmem:s3+$0x45C0]  }
0x375: {  	v14 =	vld [tilespmem:s3+$0x45D0]  }
0x376: {  	v15 =	vld [tilespmem:s3+$0x45E0]  }
0x377: {  	v16 =	vld [tilespmem:s3+$0x45F0]  }
0x378: {  	v17 =	vld [tilespmem:s3+$0x4600]  }
0x379: {  	v18 =	vld [tilespmem:s3+$0x4610]  }
0x37a: {  	v19 =	vld [tilespmem:s3+$0x4620]  }
0x37b: {  	v20 =	vld [tilespmem:s3+$0x4630]  }
0x37c: {  	v21 =	vld [tilespmem:s3+$0x4640]  }
0x37d: {  	v22 =	vld [tilespmem:s3+$0x4650]  }
0x37e: {  	v23 =	vld [tilespmem:s3+$0x4660]  }
0x37f: {  	v24 =	vld [tilespmem:s3+$0x4670]  }
0x380: {  	v25 =	vld [tilespmem:s3+$0x4680]  }
0x381: {  	v26 =	vld [tilespmem:s3+$0x4690]  }
0x382: {  	v27 =	vld [tilespmem:s3+$0x46A0]  }
0x383: {  	v28 =	vld [tilespmem:s3+$0x46B0]  }
0x384: {  	v29 =	vld [tilespmem:s3+$0x46C0]  }
0x385: {  	v30 =	vld [tilespmem:s3+$0x46D0]  }
0x386: {  	[tilespmem:s3+$0x162F0] =	vst.add.f32.msk $0xffff, v0  }
0x387: {  	v0 =	vld [tilespmem:s3+$0x46E0]  }
0x388: {  	[tilespmem:s3+$0x16100] =	vst.add.f32.msk $0xffff, v1  }
0x389: {  	[tilespmem:s3+$0x16110] =	vst.add.f32.msk $0xffff, v2  }
0x38a: {  	[tilespmem:s3+$0x16120] =	vst.add.f32.msk $0xffff, v3  }
0x38b: {  	[tilespmem:s3+$0x16130] =	vst.add.f32.msk $0xffff, v4  }
0x38c: {  	[tilespmem:s3+$0x16140] =	vst.add.f32.msk $0xffff, v5  }
0x38d: {  	[tilespmem:s3+$0x16150] =	vst.add.f32.msk $0xffff, v6  }
0x38e: {  	[tilespmem:s3+$0x16160] =	vst.add.f32.msk $0xffff, v7  }
0x38f: {  	[tilespmem:s3+$0x16170] =	vst.add.f32.msk $0xffff, v8  }
0x390: {  	[tilespmem:s3+$0x16180] =	vst.add.f32.msk $0xffff, v9  }
0x391: {  	[tilespmem:s3+$0x16190] =	vst.add.f32.msk $0xffff, v10  }
0x392: {  	[tilespmem:s3+$0x161A0] =	vst.add.f32.msk $0xffff, v11  }
0x393: {  	[tilespmem:s3+$0x161B0] =	vst.add.f32.msk $0xffff, v12  }
0x394: {  	[tilespmem:s3+$0x161C0] =	vst.add.f32.msk $0xffff, v13  }
0x395: {  	[tilespmem:s3+$0x161D0] =	vst.add.f32.msk $0xffff, v14  }
0x396: {  	[tilespmem:s3+$0x161E0] =	vst.add.f32.msk $0xffff, v15  }
0x397: {  	[tilespmem:s3+$0x161F0] =	vst.add.f32.msk $0xffff, v16  }
0x398: {  	[tilespmem:s3+$0x16200] =	vst.add.f32.msk $0xffff, v17  }
0x399: {  	[tilespmem:s3+$0x16210] =	vst.add.f32.msk $0xffff, v18  }
0x39a: {  	[tilespmem:s3+$0x16220] =	vst.add.f32.msk $0xffff, v19  }
0x39b: {  	[tilespmem:s3+$0x16230] =	vst.add.f32.msk $0xffff, v20  }
0x39c: {  	[tilespmem:s3+$0x16240] =	vst.add.f32.msk $0xffff, v21  }
0x39d: {  	[tilespmem:s3+$0x16250] =	vst.add.f32.msk $0xffff, v22  }
0x39e: {  	[tilespmem:s3+$0x16260] =	vst.add.f32.msk $0xffff, v23  }
0x39f: {  	[tilespmem:s3+$0x16270] =	vst.add.f32.msk $0xffff, v24  }
0x3a0: {  	[tilespmem:s3+$0x16280] =	vst.add.f32.msk $0xffff, v25  }
0x3a1: {  	[tilespmem:s3+$0x16290] =	vst.add.f32.msk $0xffff, v26  }
0x3a2: {  	[tilespmem:s3+$0x162A0] =	vst.add.f32.msk $0xffff, v27  }
0x3a3: {  	[tilespmem:s3+$0x162B0] =	vst.add.f32.msk $0xffff, v28  }
0x3a4: {  	[tilespmem:s3+$0x162C0] =	vst.add.f32.msk $0xffff, v29  }
0x3a5: {  	s7 =	simm.s32 $0x800;
	s5 =	simm.s32 $0x0;
	[tilespmem:s3+$0x162D0] =	vst.add.f32.msk $0xffff, v30  }
.LBB2_16:
0x3a6: {  	s5 =	sadd.s32 $0x4, s5;
	[tilespmem:s3+$0x162E0] =	vst.add.f32.msk $0xffff, v0;
	s3 =	sshra.s32 s7, $0x2  }
0x3a7: {  	v0 =	vld [tilespmem:s3+$0x46F0];
	p0 =	slt.u32 s5, $0x7C  }
0x3a8: {  	v1 =	vld [tilespmem:s3+$0x4500]  }
0x3a9: {  	v2 =	vld [tilespmem:s3+$0x4510]  }
0x3aa: {  	v3 =	vld [tilespmem:s3+$0x4520]  }
0x3ab: {  	v4 =	vld [tilespmem:s3+$0x4530]  }
0x3ac: {  	[tilespmem:s3+$0x162F0] =	vst.add.f32.msk $0xffff, v0  }
0x3ad: {  	v5 =	vld [tilespmem:s3+$0x4540]  }
0x3ae: {  	v6 =	vld [tilespmem:s3+$0x4550]  }
0x3af: {  	v7 =	vld [tilespmem:s3+$0x4560]  }
0x3b0: {  	v8 =	vld [tilespmem:s3+$0x4570]  }
0x3b1: {  	v9 =	vld [tilespmem:s3+$0x4580]  }
0x3b2: {  	v10 =	vld [tilespmem:s3+$0x4590]  }
0x3b3: {  	v11 =	vld [tilespmem:s3+$0x45A0]  }
0x3b4: {  	v12 =	vld [tilespmem:s3+$0x45B0]  }
0x3b5: {  	v13 =	vld [tilespmem:s3+$0x45C0]  }
0x3b6: {  	v14 =	vld [tilespmem:s3+$0x45D0]  }
0x3b7: {  	v15 =	vld [tilespmem:s3+$0x45E0]  }
0x3b8: {  	v16 =	vld [tilespmem:s3+$0x45F0]  }
0x3b9: {  	v17 =	vld [tilespmem:s3+$0x4600]  }
0x3ba: {  	v18 =	vld [tilespmem:s3+$0x4610]  }
0x3bb: {  	v19 =	vld [tilespmem:s3+$0x4620]  }
0x3bc: {  	v20 =	vld [tilespmem:s3+$0x4630]  }
0x3bd: {  	v21 =	vld [tilespmem:s3+$0x4640]  }
0x3be: {  	v22 =	vld [tilespmem:s3+$0x4650]  }
0x3bf: {  	v23 =	vld [tilespmem:s3+$0x4660]  }
0x3c0: {  	v24 =	vld [tilespmem:s3+$0x4670]  }
0x3c1: {  	v25 =	vld [tilespmem:s3+$0x4680]  }
0x3c2: {  	v26 =	vld [tilespmem:s3+$0x4690]  }
0x3c3: {  	v27 =	vld [tilespmem:s3+$0x46A0]  }
0x3c4: {  	v28 =	vld [tilespmem:s3+$0x46B0]  }
0x3c5: {  	v29 =	vld [tilespmem:s3+$0x46C0]  }
0x3c6: {  	v30 =	vld [tilespmem:s3+$0x46D0]  }
0x3c7: {  	v0 =	vld [tilespmem:s3+$0x46E0]  }
0x3c8: {  	[tilespmem:s3+$0x16100] =	vst.add.f32.msk $0xffff, v1  }
0x3c9: {  	[tilespmem:s3+$0x16110] =	vst.add.f32.msk $0xffff, v2  }
0x3ca: {  	[tilespmem:s3+$0x16120] =	vst.add.f32.msk $0xffff, v3  }
0x3cb: {  	[tilespmem:s3+$0x16130] =	vst.add.f32.msk $0xffff, v4  }
0x3cc: {  	[tilespmem:s3+$0x16140] =	vst.add.f32.msk $0xffff, v5  }
0x3cd: {  	[tilespmem:s3+$0x16150] =	vst.add.f32.msk $0xffff, v6  }
0x3ce: {  	[tilespmem:s3+$0x16160] =	vst.add.f32.msk $0xffff, v7  }
0x3cf: {  	[tilespmem:s3+$0x16170] =	vst.add.f32.msk $0xffff, v8  }
0x3d0: {  	[tilespmem:s3+$0x16180] =	vst.add.f32.msk $0xffff, v9  }
0x3d1: {  	[tilespmem:s3+$0x16190] =	vst.add.f32.msk $0xffff, v10  }
0x3d2: {  	[tilespmem:s3+$0x161A0] =	vst.add.f32.msk $0xffff, v11  }
0x3d3: {  	[tilespmem:s3+$0x161B0] =	vst.add.f32.msk $0xffff, v12  }
0x3d4: {  	[tilespmem:s3+$0x161C0] =	vst.add.f32.msk $0xffff, v13  }
0x3d5: {  	[tilespmem:s3+$0x161D0] =	vst.add.f32.msk $0xffff, v14  }
0x3d6: {  	[tilespmem:s3+$0x161E0] =	vst.add.f32.msk $0xffff, v15  }
0x3d7: {  	[tilespmem:s3+$0x161F0] =	vst.add.f32.msk $0xffff, v16  }
0x3d8: {  	[tilespmem:s3+$0x16200] =	vst.add.f32.msk $0xffff, v17  }
0x3d9: {  	[tilespmem:s3+$0x16210] =	vst.add.f32.msk $0xffff, v18  }
0x3da: {  	[tilespmem:s3+$0x16220] =	vst.add.f32.msk $0xffff, v19  }
0x3db: {  	[tilespmem:s3+$0x16230] =	vst.add.f32.msk $0xffff, v20  }
0x3dc: {  	[tilespmem:s3+$0x16240] =	vst.add.f32.msk $0xffff, v21  }
0x3dd: {  	[tilespmem:s3+$0x16250] =	vst.add.f32.msk $0xffff, v22  }
0x3de: {  	[tilespmem:s3+$0x16260] =	vst.add.f32.msk $0xffff, v23  }
0x3df: {  	[tilespmem:s3+$0x16270] =	vst.add.f32.msk $0xffff, v24  }
0x3e0: {  	[tilespmem:s3+$0x16280] =	vst.add.f32.msk $0xffff, v25  }
.Ltmp7:
0x3e1: {  	[tilespmem:s3+$0x16290] =	vst.add.f32.msk $0xffff, v26;
	(pc) =	sbr.rel @p0 .LBB2_16-.Ltmp7, $4  }
0x3e2: {  	[tilespmem:s3+$0x162A0] =	vst.add.f32.msk $0xffff, v27  }
0x3e3: {  	[tilespmem:s3+$0x162B0] =	vst.add.f32.msk $0xffff, v28  }
0x3e4: {  	[tilespmem:s3+$0x162C0] =	vst.add.f32.msk $0xffff, v29  }
0x3e5: {  	s7 =	sadd.s32 $0x800, s7;
	[tilespmem:s3+$0x162D0] =	vst.add.f32.msk $0xffff, v30  }
0x3e6: {  	[tilespmem:s3+$0x162E0] =	vst.add.f32.msk $0xffff, v0  }
0x3e7: {  	s23 =	simm.s32 $0x0;
	s5 =	rddreg [dreg:$0x8]  }
0x3e8: {  	[hbm4b:s5+s23] =	stream.linear.scatter [tilespmem:s24], [sflag:$0x7], $0x4000, $0x38;
	[tilespmem:$0x1E100] =	vst v63  }
0x3e9: {  	_ =	swait.ge [sflag:s31], $0x4000  }
0x3ea: {  	[sflag:s31] =	ssyncset.done $0x0  }
0x3eb: {  	s26 =	simm.s32 $0x1880;
	[sflag:s31] =	ssyncadd.s32 $0xFFFFC000  }
0x3ec: {  	[tilespmem:s20], [sflag:$0x2] =	stream.indirect.gather [hbm4b:s1+s18], $0x80, s26, s18, $0xb8;
	[tilespmem:$0x1E100] =	vst v63  }
0x3ed: {  	_ =	swait.ge [sflag:s2], $0x4000  }
0x3ee: {  	[sflag:s2] =	ssyncset.done $0x0  }
0x3ef: {  	s3 =	simm.s32 $0x0;
	[sflag:s2] =	ssyncadd.s32 $0xFFFFC000  }
0x3f0: {  	v0 =	vld [tilespmem:s3+$0x22F0]  }
0x3f1: {  	v1 =	vld [tilespmem:s3+$0x2100]  }
0x3f2: {  	v2 =	vld [tilespmem:s3+$0x2110]  }
0x3f3: {  	v3 =	vld [tilespmem:s3+$0x2120]  }
0x3f4: {  	v4 =	vld [tilespmem:s3+$0x2130]  }
0x3f5: {  	v5 =	vld [tilespmem:s3+$0x2140]  }
0x3f6: {  	v6 =	vld [tilespmem:s3+$0x2150]  }
0x3f7: {  	v7 =	vld [tilespmem:s3+$0x2160]  }
0x3f8: {  	v8 =	vld [tilespmem:s3+$0x2170]  }
0x3f9: {  	v9 =	vld [tilespmem:s3+$0x2180]  }
0x3fa: {  	v10 =	vld [tilespmem:s3+$0x2190]  }
0x3fb: {  	v11 =	vld [tilespmem:s3+$0x21A0]  }
0x3fc: {  	v12 =	vld [tilespmem:s3+$0x21B0]  }
0x3fd: {  	v13 =	vld [tilespmem:s3+$0x21C0]  }
0x3fe: {  	v14 =	vld [tilespmem:s3+$0x21D0]  }
0x3ff: {  	v15 =	vld [tilespmem:s3+$0x21E0]  }
0x400: {  	v16 =	vld [tilespmem:s3+$0x21F0]  }
0x401: {  	v17 =	vld [tilespmem:s3+$0x2200]  }
0x402: {  	v18 =	vld [tilespmem:s3+$0x2210]  }
0x403: {  	v19 =	vld [tilespmem:s3+$0x2220]  }
0x404: {  	v20 =	vld [tilespmem:s3+$0x2230]  }
0x405: {  	v21 =	vld [tilespmem:s3+$0x2240]  }
0x406: {  	v22 =	vld [tilespmem:s3+$0x2250]  }
0x407: {  	v23 =	vld [tilespmem:s3+$0x2260]  }
0x408: {  	v24 =	vld [tilespmem:s3+$0x2270]  }
0x409: {  	v25 =	vld [tilespmem:s3+$0x2280]  }
0x40a: {  	v26 =	vld [tilespmem:s3+$0x2290]  }
0x40b: {  	v27 =	vld [tilespmem:s3+$0x22A0]  }
0x40c: {  	v28 =	vld [tilespmem:s3+$0x22B0]  }
0x40d: {  	v29 =	vld [tilespmem:s3+$0x22C0]  }
0x40e: {  	v30 =	vld [tilespmem:s3+$0x22D0]  }
0x40f: {  	[tilespmem:s3+$0x1A2F0] =	vst.add.f32.msk $0xffff, v0  }
0x410: {  	v0 =	vld [tilespmem:s3+$0x22E0]  }
0x411: {  	[tilespmem:s3+$0x1A100] =	vst.add.f32.msk $0xffff, v1  }
0x412: {  	[tilespmem:s3+$0x1A110] =	vst.add.f32.msk $0xffff, v2  }
0x413: {  	[tilespmem:s3+$0x1A120] =	vst.add.f32.msk $0xffff, v3  }
0x414: {  	[tilespmem:s3+$0x1A130] =	vst.add.f32.msk $0xffff, v4  }
0x415: {  	[tilespmem:s3+$0x1A140] =	vst.add.f32.msk $0xffff, v5  }
0x416: {  	[tilespmem:s3+$0x1A150] =	vst.add.f32.msk $0xffff, v6  }
0x417: {  	[tilespmem:s3+$0x1A160] =	vst.add.f32.msk $0xffff, v7  }
0x418: {  	[tilespmem:s3+$0x1A170] =	vst.add.f32.msk $0xffff, v8  }
0x419: {  	[tilespmem:s3+$0x1A180] =	vst.add.f32.msk $0xffff, v9  }
0x41a: {  	[tilespmem:s3+$0x1A190] =	vst.add.f32.msk $0xffff, v10  }
0x41b: {  	[tilespmem:s3+$0x1A1A0] =	vst.add.f32.msk $0xffff, v11  }
0x41c: {  	[tilespmem:s3+$0x1A1B0] =	vst.add.f32.msk $0xffff, v12  }
0x41d: {  	[tilespmem:s3+$0x1A1C0] =	vst.add.f32.msk $0xffff, v13  }
0x41e: {  	[tilespmem:s3+$0x1A1D0] =	vst.add.f32.msk $0xffff, v14  }
0x41f: {  	[tilespmem:s3+$0x1A1E0] =	vst.add.f32.msk $0xffff, v15  }
0x420: {  	[tilespmem:s3+$0x1A1F0] =	vst.add.f32.msk $0xffff, v16  }
0x421: {  	[tilespmem:s3+$0x1A200] =	vst.add.f32.msk $0xffff, v17  }
0x422: {  	[tilespmem:s3+$0x1A210] =	vst.add.f32.msk $0xffff, v18  }
0x423: {  	[tilespmem:s3+$0x1A220] =	vst.add.f32.msk $0xffff, v19  }
0x424: {  	[tilespmem:s3+$0x1A230] =	vst.add.f32.msk $0xffff, v20  }
0x425: {  	[tilespmem:s3+$0x1A240] =	vst.add.f32.msk $0xffff, v21  }
0x426: {  	[tilespmem:s3+$0x1A250] =	vst.add.f32.msk $0xffff, v22  }
0x427: {  	[tilespmem:s3+$0x1A260] =	vst.add.f32.msk $0xffff, v23  }
0x428: {  	[tilespmem:s3+$0x1A270] =	vst.add.f32.msk $0xffff, v24  }
0x429: {  	[tilespmem:s3+$0x1A280] =	vst.add.f32.msk $0xffff, v25  }
0x42a: {  	[tilespmem:s3+$0x1A290] =	vst.add.f32.msk $0xffff, v26  }
0x42b: {  	[tilespmem:s3+$0x1A2A0] =	vst.add.f32.msk $0xffff, v27  }
0x42c: {  	[tilespmem:s3+$0x1A2B0] =	vst.add.f32.msk $0xffff, v28  }
0x42d: {  	[tilespmem:s3+$0x1A2C0] =	vst.add.f32.msk $0xffff, v29  }
0x42e: {  	s7 =	simm.s32 $0x800;
	s5 =	simm.s32 $0x0;
	[tilespmem:s3+$0x1A2D0] =	vst.add.f32.msk $0xffff, v30  }
.LBB2_18:
0x42f: {  	s5 =	sadd.s32 $0x4, s5;
	[tilespmem:s3+$0x1A2E0] =	vst.add.f32.msk $0xffff, v0;
	s3 =	sshra.s32 s7, $0x2  }
0x430: {  	v0 =	vld [tilespmem:s3+$0x22F0];
	p0 =	slt.u32 s5, $0x7C  }
0x431: {  	v1 =	vld [tilespmem:s3+$0x2100]  }
0x432: {  	v2 =	vld [tilespmem:s3+$0x2110]  }
0x433: {  	v3 =	vld [tilespmem:s3+$0x2120]  }
0x434: {  	v4 =	vld [tilespmem:s3+$0x2130]  }
0x435: {  	[tilespmem:s3+$0x1A2F0] =	vst.add.f32.msk $0xffff, v0  }
0x436: {  	v5 =	vld [tilespmem:s3+$0x2140]  }
0x437: {  	v6 =	vld [tilespmem:s3+$0x2150]  }
0x438: {  	v7 =	vld [tilespmem:s3+$0x2160]  }
0x439: {  	v8 =	vld [tilespmem:s3+$0x2170]  }
0x43a: {  	v9 =	vld [tilespmem:s3+$0x2180]  }
0x43b: {  	v10 =	vld [tilespmem:s3+$0x2190]  }
0x43c: {  	v11 =	vld [tilespmem:s3+$0x21A0]  }
0x43d: {  	v12 =	vld [tilespmem:s3+$0x21B0]  }
0x43e: {  	v13 =	vld [tilespmem:s3+$0x21C0]  }
0x43f: {  	v14 =	vld [tilespmem:s3+$0x21D0]  }
0x440: {  	v15 =	vld [tilespmem:s3+$0x21E0]  }
0x441: {  	v16 =	vld [tilespmem:s3+$0x21F0]  }
0x442: {  	v17 =	vld [tilespmem:s3+$0x2200]  }
0x443: {  	v18 =	vld [tilespmem:s3+$0x2210]  }
0x444: {  	v19 =	vld [tilespmem:s3+$0x2220]  }
0x445: {  	v20 =	vld [tilespmem:s3+$0x2230]  }
0x446: {  	v21 =	vld [tilespmem:s3+$0x2240]  }
0x447: {  	v22 =	vld [tilespmem:s3+$0x2250]  }
0x448: {  	v23 =	vld [tilespmem:s3+$0x2260]  }
0x449: {  	v24 =	vld [tilespmem:s3+$0x2270]  }
0x44a: {  	v25 =	vld [tilespmem:s3+$0x2280]  }
0x44b: {  	v26 =	vld [tilespmem:s3+$0x2290]  }
0x44c: {  	v27 =	vld [tilespmem:s3+$0x22A0]  }
0x44d: {  	v28 =	vld [tilespmem:s3+$0x22B0]  }
0x44e: {  	v29 =	vld [tilespmem:s3+$0x22C0]  }
0x44f: {  	v30 =	vld [tilespmem:s3+$0x22D0]  }
0x450: {  	v0 =	vld [tilespmem:s3+$0x22E0]  }
0x451: {  	[tilespmem:s3+$0x1A100] =	vst.add.f32.msk $0xffff, v1  }
0x452: {  	[tilespmem:s3+$0x1A110] =	vst.add.f32.msk $0xffff, v2  }
0x453: {  	[tilespmem:s3+$0x1A120] =	vst.add.f32.msk $0xffff, v3  }
0x454: {  	[tilespmem:s3+$0x1A130] =	vst.add.f32.msk $0xffff, v4  }
0x455: {  	[tilespmem:s3+$0x1A140] =	vst.add.f32.msk $0xffff, v5  }
0x456: {  	[tilespmem:s3+$0x1A150] =	vst.add.f32.msk $0xffff, v6  }
0x457: {  	[tilespmem:s3+$0x1A160] =	vst.add.f32.msk $0xffff, v7  }
0x458: {  	[tilespmem:s3+$0x1A170] =	vst.add.f32.msk $0xffff, v8  }
0x459: {  	[tilespmem:s3+$0x1A180] =	vst.add.f32.msk $0xffff, v9  }
0x45a: {  	[tilespmem:s3+$0x1A190] =	vst.add.f32.msk $0xffff, v10  }
0x45b: {  	[tilespmem:s3+$0x1A1A0] =	vst.add.f32.msk $0xffff, v11  }
0x45c: {  	[tilespmem:s3+$0x1A1B0] =	vst.add.f32.msk $0xffff, v12  }
0x45d: {  	[tilespmem:s3+$0x1A1C0] =	vst.add.f32.msk $0xffff, v13  }
0x45e: {  	[tilespmem:s3+$0x1A1D0] =	vst.add.f32.msk $0xffff, v14  }
0x45f: {  	[tilespmem:s3+$0x1A1E0] =	vst.add.f32.msk $0xffff, v15  }
0x460: {  	[tilespmem:s3+$0x1A1F0] =	vst.add.f32.msk $0xffff, v16  }
0x461: {  	[tilespmem:s3+$0x1A200] =	vst.add.f32.msk $0xffff, v17  }
0x462: {  	[tilespmem:s3+$0x1A210] =	vst.add.f32.msk $0xffff, v18  }
0x463: {  	[tilespmem:s3+$0x1A220] =	vst.add.f32.msk $0xffff, v19  }
0x464: {  	[tilespmem:s3+$0x1A230] =	vst.add.f32.msk $0xffff, v20  }
0x465: {  	[tilespmem:s3+$0x1A240] =	vst.add.f32.msk $0xffff, v21  }
0x466: {  	[tilespmem:s3+$0x1A250] =	vst.add.f32.msk $0xffff, v22  }
0x467: {  	[tilespmem:s3+$0x1A260] =	vst.add.f32.msk $0xffff, v23  }
0x468: {  	[tilespmem:s3+$0x1A270] =	vst.add.f32.msk $0xffff, v24  }
0x469: {  	[tilespmem:s3+$0x1A280] =	vst.add.f32.msk $0xffff, v25  }
.Ltmp8:
0x46a: {  	[tilespmem:s3+$0x1A290] =	vst.add.f32.msk $0xffff, v26;
	(pc) =	sbr.rel @p0 .LBB2_18-.Ltmp8, $4  }
0x46b: {  	[tilespmem:s3+$0x1A2A0] =	vst.add.f32.msk $0xffff, v27  }
0x46c: {  	[tilespmem:s3+$0x1A2B0] =	vst.add.f32.msk $0xffff, v28  }
0x46d: {  	[tilespmem:s3+$0x1A2C0] =	vst.add.f32.msk $0xffff, v29  }
0x46e: {  	s7 =	sadd.s32 $0x800, s7;
	[tilespmem:s3+$0x1A2D0] =	vst.add.f32.msk $0xffff, v30  }
0x46f: {  	[tilespmem:s3+$0x1A2E0] =	vst.add.f32.msk $0xffff, v0  }
0x470: {  	s26 =	simm.s32 $0x0;
	s5 =	rddreg [dreg:$0x9]  }
0x471: {  	[hbm4b:s5+s26] =	stream.linear.scatter [tilespmem:s22], [sflag:$0x8], $0x4000, $0x38;
	[tilespmem:$0x1E100] =	vst v63  }
0x472: {  	_ =	swait.ge [sflag:s25], $0x4000  }
0x473: {  	[sflag:s25] =	ssyncset.done $0x0  }
0x474: {  	s3 =	simm.s32 $0x0;
	[sflag:s25] =	ssyncadd.s32 $0xFFFFC000  }
0x475: {  	v0 =	vld [tilespmem:s3+$0x62F0]  }
0x476: {  	v1 =	vld [tilespmem:s3+$0x6100]  }
0x477: {  	v2 =	vld [tilespmem:s3+$0x6110]  }
0x478: {  	v3 =	vld [tilespmem:s3+$0x6120]  }
0x479: {  	v4 =	vld [tilespmem:s3+$0x6130]  }
0x47a: {  	v5 =	vld [tilespmem:s3+$0x6140]  }
0x47b: {  	v6 =	vld [tilespmem:s3+$0x6150]  }
0x47c: {  	v7 =	vld [tilespmem:s3+$0x6160]  }
0x47d: {  	v8 =	vld [tilespmem:s3+$0x6170]  }
0x47e: {  	v9 =	vld [tilespmem:s3+$0x6180]  }
0x47f: {  	v10 =	vld [tilespmem:s3+$0x6190]  }
0x480: {  	v11 =	vld [tilespmem:s3+$0x61A0]  }
0x481: {  	v12 =	vld [tilespmem:s3+$0x61B0]  }
0x482: {  	v13 =	vld [tilespmem:s3+$0x61C0]  }
0x483: {  	v14 =	vld [tilespmem:s3+$0x61D0]  }
0x484: {  	v15 =	vld [tilespmem:s3+$0x61E0]  }
0x485: {  	v16 =	vld [tilespmem:s3+$0x61F0]  }
0x486: {  	v17 =	vld [tilespmem:s3+$0x6200]  }
0x487: {  	v18 =	vld [tilespmem:s3+$0x6210]  }
0x488: {  	v19 =	vld [tilespmem:s3+$0x6220]  }
0x489: {  	v20 =	vld [tilespmem:s3+$0x6230]  }
0x48a: {  	v21 =	vld [tilespmem:s3+$0x6240]  }
0x48b: {  	v22 =	vld [tilespmem:s3+$0x6250]  }
0x48c: {  	v23 =	vld [tilespmem:s3+$0x6260]  }
0x48d: {  	v24 =	vld [tilespmem:s3+$0x6270]  }
0x48e: {  	v25 =	vld [tilespmem:s3+$0x6280]  }
0x48f: {  	v26 =	vld [tilespmem:s3+$0x6290]  }
0x490: {  	v27 =	vld [tilespmem:s3+$0x62A0]  }
0x491: {  	v28 =	vld [tilespmem:s3+$0x62B0]  }
0x492: {  	v29 =	vld [tilespmem:s3+$0x62C0]  }
0x493: {  	v30 =	vld [tilespmem:s3+$0x62D0]  }
0x494: {  	[tilespmem:s3+$0xE2F0] =	vst.add.f32.msk $0xffff, v0  }
0x495: {  	v0 =	vld [tilespmem:s3+$0x62E0]  }
0x496: {  	[tilespmem:s3+$0xE100] =	vst.add.f32.msk $0xffff, v1  }
0x497: {  	[tilespmem:s3+$0xE110] =	vst.add.f32.msk $0xffff, v2  }
0x498: {  	[tilespmem:s3+$0xE120] =	vst.add.f32.msk $0xffff, v3  }
0x499: {  	[tilespmem:s3+$0xE130] =	vst.add.f32.msk $0xffff, v4  }
0x49a: {  	[tilespmem:s3+$0xE140] =	vst.add.f32.msk $0xffff, v5  }
0x49b: {  	[tilespmem:s3+$0xE150] =	vst.add.f32.msk $0xffff, v6  }
0x49c: {  	[tilespmem:s3+$0xE160] =	vst.add.f32.msk $0xffff, v7  }
0x49d: {  	[tilespmem:s3+$0xE170] =	vst.add.f32.msk $0xffff, v8  }
0x49e: {  	[tilespmem:s3+$0xE180] =	vst.add.f32.msk $0xffff, v9  }
0x49f: {  	[tilespmem:s3+$0xE190] =	vst.add.f32.msk $0xffff, v10  }
0x4a0: {  	[tilespmem:s3+$0xE1A0] =	vst.add.f32.msk $0xffff, v11  }
0x4a1: {  	[tilespmem:s3+$0xE1B0] =	vst.add.f32.msk $0xffff, v12  }
0x4a2: {  	[tilespmem:s3+$0xE1C0] =	vst.add.f32.msk $0xffff, v13  }
0x4a3: {  	[tilespmem:s3+$0xE1D0] =	vst.add.f32.msk $0xffff, v14  }
0x4a4: {  	[tilespmem:s3+$0xE1E0] =	vst.add.f32.msk $0xffff, v15  }
0x4a5: {  	[tilespmem:s3+$0xE1F0] =	vst.add.f32.msk $0xffff, v16  }
0x4a6: {  	[tilespmem:s3+$0xE200] =	vst.add.f32.msk $0xffff, v17  }
0x4a7: {  	[tilespmem:s3+$0xE210] =	vst.add.f32.msk $0xffff, v18  }
0x4a8: {  	[tilespmem:s3+$0xE220] =	vst.add.f32.msk $0xffff, v19  }
0x4a9: {  	[tilespmem:s3+$0xE230] =	vst.add.f32.msk $0xffff, v20  }
0x4aa: {  	[tilespmem:s3+$0xE240] =	vst.add.f32.msk $0xffff, v21  }
0x4ab: {  	[tilespmem:s3+$0xE250] =	vst.add.f32.msk $0xffff, v22  }
0x4ac: {  	[tilespmem:s3+$0xE260] =	vst.add.f32.msk $0xffff, v23  }
0x4ad: {  	[tilespmem:s3+$0xE270] =	vst.add.f32.msk $0xffff, v24  }
0x4ae: {  	[tilespmem:s3+$0xE280] =	vst.add.f32.msk $0xffff, v25  }
0x4af: {  	[tilespmem:s3+$0xE290] =	vst.add.f32.msk $0xffff, v26  }
0x4b0: {  	[tilespmem:s3+$0xE2A0] =	vst.add.f32.msk $0xffff, v27  }
0x4b1: {  	[tilespmem:s3+$0xE2B0] =	vst.add.f32.msk $0xffff, v28  }
0x4b2: {  	[tilespmem:s3+$0xE2C0] =	vst.add.f32.msk $0xffff, v29  }
0x4b3: {  	s7 =	simm.s32 $0x800;
	s5 =	simm.s32 $0x0;
	[tilespmem:s3+$0xE2D0] =	vst.add.f32.msk $0xffff, v30  }
.LBB2_20:
0x4b4: {  	s5 =	sadd.s32 $0x4, s5;
	[tilespmem:s3+$0xE2E0] =	vst.add.f32.msk $0xffff, v0;
	s3 =	sshra.s32 s7, $0x2  }
0x4b5: {  	v0 =	vld [tilespmem:s3+$0x62F0];
	p0 =	slt.u32 s5, $0x7C  }
0x4b6: {  	v1 =	vld [tilespmem:s3+$0x6100]  }
0x4b7: {  	v2 =	vld [tilespmem:s3+$0x6110]  }
0x4b8: {  	v3 =	vld [tilespmem:s3+$0x6120]  }
0x4b9: {  	v4 =	vld [tilespmem:s3+$0x6130]  }
0x4ba: {  	[tilespmem:s3+$0xE2F0] =	vst.add.f32.msk $0xffff, v0  }
0x4bb: {  	v5 =	vld [tilespmem:s3+$0x6140]  }
0x4bc: {  	v6 =	vld [tilespmem:s3+$0x6150]  }
0x4bd: {  	v7 =	vld [tilespmem:s3+$0x6160]  }
0x4be: {  	v8 =	vld [tilespmem:s3+$0x6170]  }
0x4bf: {  	v9 =	vld [tilespmem:s3+$0x6180]  }
0x4c0: {  	v10 =	vld [tilespmem:s3+$0x6190]  }
0x4c1: {  	v11 =	vld [tilespmem:s3+$0x61A0]  }
0x4c2: {  	v12 =	vld [tilespmem:s3+$0x61B0]  }
0x4c3: {  	v13 =	vld [tilespmem:s3+$0x61C0]  }
0x4c4: {  	v14 =	vld [tilespmem:s3+$0x61D0]  }
0x4c5: {  	v15 =	vld [tilespmem:s3+$0x61E0]  }
0x4c6: {  	v16 =	vld [tilespmem:s3+$0x61F0]  }
0x4c7: {  	v17 =	vld [tilespmem:s3+$0x6200]  }
0x4c8: {  	v18 =	vld [tilespmem:s3+$0x6210]  }
0x4c9: {  	v19 =	vld [tilespmem:s3+$0x6220]  }
0x4ca: {  	v20 =	vld [tilespmem:s3+$0x6230]  }
0x4cb: {  	v21 =	vld [tilespmem:s3+$0x6240]  }
0x4cc: {  	v22 =	vld [tilespmem:s3+$0x6250]  }
0x4cd: {  	v23 =	vld [tilespmem:s3+$0x6260]  }
0x4ce: {  	v24 =	vld [tilespmem:s3+$0x6270]  }
0x4cf: {  	v25 =	vld [tilespmem:s3+$0x6280]  }
0x4d0: {  	v26 =	vld [tilespmem:s3+$0x6290]  }
0x4d1: {  	v27 =	vld [tilespmem:s3+$0x62A0]  }
0x4d2: {  	v28 =	vld [tilespmem:s3+$0x62B0]  }
0x4d3: {  	v29 =	vld [tilespmem:s3+$0x62C0]  }
0x4d4: {  	v30 =	vld [tilespmem:s3+$0x62D0]  }
0x4d5: {  	v0 =	vld [tilespmem:s3+$0x62E0]  }
0x4d6: {  	[tilespmem:s3+$0xE100] =	vst.add.f32.msk $0xffff, v1  }
0x4d7: {  	[tilespmem:s3+$0xE110] =	vst.add.f32.msk $0xffff, v2  }
0x4d8: {  	[tilespmem:s3+$0xE120] =	vst.add.f32.msk $0xffff, v3  }
0x4d9: {  	[tilespmem:s3+$0xE130] =	vst.add.f32.msk $0xffff, v4  }
0x4da: {  	[tilespmem:s3+$0xE140] =	vst.add.f32.msk $0xffff, v5  }
0x4db: {  	[tilespmem:s3+$0xE150] =	vst.add.f32.msk $0xffff, v6  }
0x4dc: {  	[tilespmem:s3+$0xE160] =	vst.add.f32.msk $0xffff, v7  }
0x4dd: {  	[tilespmem:s3+$0xE170] =	vst.add.f32.msk $0xffff, v8  }
0x4de: {  	[tilespmem:s3+$0xE180] =	vst.add.f32.msk $0xffff, v9  }
0x4df: {  	[tilespmem:s3+$0xE190] =	vst.add.f32.msk $0xffff, v10  }
0x4e0: {  	[tilespmem:s3+$0xE1A0] =	vst.add.f32.msk $0xffff, v11  }
0x4e1: {  	[tilespmem:s3+$0xE1B0] =	vst.add.f32.msk $0xffff, v12  }
0x4e2: {  	[tilespmem:s3+$0xE1C0] =	vst.add.f32.msk $0xffff, v13  }
0x4e3: {  	[tilespmem:s3+$0xE1D0] =	vst.add.f32.msk $0xffff, v14  }
0x4e4: {  	[tilespmem:s3+$0xE1E0] =	vst.add.f32.msk $0xffff, v15  }
0x4e5: {  	[tilespmem:s3+$0xE1F0] =	vst.add.f32.msk $0xffff, v16  }
0x4e6: {  	[tilespmem:s3+$0xE200] =	vst.add.f32.msk $0xffff, v17  }
0x4e7: {  	[tilespmem:s3+$0xE210] =	vst.add.f32.msk $0xffff, v18  }
0x4e8: {  	[tilespmem:s3+$0xE220] =	vst.add.f32.msk $0xffff, v19  }
0x4e9: {  	[tilespmem:s3+$0xE230] =	vst.add.f32.msk $0xffff, v20  }
0x4ea: {  	[tilespmem:s3+$0xE240] =	vst.add.f32.msk $0xffff, v21  }
0x4eb: {  	[tilespmem:s3+$0xE250] =	vst.add.f32.msk $0xffff, v22  }
0x4ec: {  	[tilespmem:s3+$0xE260] =	vst.add.f32.msk $0xffff, v23  }
0x4ed: {  	[tilespmem:s3+$0xE270] =	vst.add.f32.msk $0xffff, v24  }
0x4ee: {  	[tilespmem:s3+$0xE280] =	vst.add.f32.msk $0xffff, v25  }
.Ltmp9:
0x4ef: {  	[tilespmem:s3+$0xE290] =	vst.add.f32.msk $0xffff, v26;
	(pc) =	sbr.rel @p0 .LBB2_20-.Ltmp9, $4  }
0x4f0: {  	[tilespmem:s3+$0xE2A0] =	vst.add.f32.msk $0xffff, v27  }
0x4f1: {  	[tilespmem:s3+$0xE2B0] =	vst.add.f32.msk $0xffff, v28  }
0x4f2: {  	[tilespmem:s3+$0xE2C0] =	vst.add.f32.msk $0xffff, v29  }
0x4f3: {  	s7 =	sadd.s32 $0x800, s7;
	[tilespmem:s3+$0xE2D0] =	vst.add.f32.msk $0xffff, v30  }
0x4f4: {  	[tilespmem:s3+$0xE2E0] =	vst.add.f32.msk $0xffff, v0  }
0x4f5: {  	s26 =	simm.s32 $0x0;
	s7 =	simm.s32 $0xE100;
	s5 =	rddreg [dreg:$0xa]  }
0x4f6: {  	[hbm4b:s5+s26] =	stream.linear.scatter [tilespmem:s7], [sflag:$0x5], $0x4000, $0x38;
	[tilespmem:$0x1E100] =	vst v63  }
0x4f7: {  	_ =	swait.ge [sflag:s28], $0x4000  }
0x4f8: {  	[sflag:s28] =	ssyncset.done $0x0  }
0x4f9: {  	s3 =	simm.s32 $0x0;
	[sflag:s28] =	ssyncadd.s32 $0xFFFFC000  }
0x4fa: {  	v0 =	vld [tilespmem:s3+$0x3EF0]  }
0x4fb: {  	v1 =	vld [tilespmem:s3+$0x3D00]  }
0x4fc: {  	v2 =	vld [tilespmem:s3+$0x3D10]  }
0x4fd: {  	v3 =	vld [tilespmem:s3+$0x3D20]  }
0x4fe: {  	v4 =	vld [tilespmem:s3+$0x3D30]  }
0x4ff: {  	v5 =	vld [tilespmem:s3+$0x3D40]  }
0x500: {  	v6 =	vld [tilespmem:s3+$0x3D50]  }
0x501: {  	v7 =	vld [tilespmem:s3+$0x3D60]  }
0x502: {  	v8 =	vld [tilespmem:s3+$0x3D70]  }
0x503: {  	v9 =	vld [tilespmem:s3+$0x3D80]  }
0x504: {  	v10 =	vld [tilespmem:s3+$0x3D90]  }
0x505: {  	v11 =	vld [tilespmem:s3+$0x3DA0]  }
0x506: {  	v12 =	vld [tilespmem:s3+$0x3DB0]  }
0x507: {  	v13 =	vld [tilespmem:s3+$0x3DC0]  }
0x508: {  	v14 =	vld [tilespmem:s3+$0x3DD0]  }
0x509: {  	v15 =	vld [tilespmem:s3+$0x3DE0]  }
0x50a: {  	v16 =	vld [tilespmem:s3+$0x3DF0]  }
0x50b: {  	v17 =	vld [tilespmem:s3+$0x3E00]  }
0x50c: {  	v18 =	vld [tilespmem:s3+$0x3E10]  }
0x50d: {  	v19 =	vld [tilespmem:s3+$0x3E20]  }
0x50e: {  	v20 =	vld [tilespmem:s3+$0x3E30]  }
0x50f: {  	v21 =	vld [tilespmem:s3+$0x3E40]  }
0x510: {  	v22 =	vld [tilespmem:s3+$0x3E50]  }
0x511: {  	v23 =	vld [tilespmem:s3+$0x3E60]  }
0x512: {  	v24 =	vld [tilespmem:s3+$0x3E70]  }
0x513: {  	v25 =	vld [tilespmem:s3+$0x3E80]  }
0x514: {  	v26 =	vld [tilespmem:s3+$0x3E90]  }
0x515: {  	v27 =	vld [tilespmem:s3+$0x3EA0]  }
0x516: {  	v28 =	vld [tilespmem:s3+$0x3EB0]  }
0x517: {  	v29 =	vld [tilespmem:s3+$0x3EC0]  }
0x518: {  	v30 =	vld [tilespmem:s3+$0x3ED0]  }
0x519: {  	[tilespmem:s3+$0x122F0] =	vst.add.f32.msk $0xffff, v0  }
0x51a: {  	v0 =	vld [tilespmem:s3+$0x3EE0]  }
0x51b: {  	[tilespmem:s3+$0x12100] =	vst.add.f32.msk $0xffff, v1  }
0x51c: {  	[tilespmem:s3+$0x12110] =	vst.add.f32.msk $0xffff, v2  }
0x51d: {  	[tilespmem:s3+$0x12120] =	vst.add.f32.msk $0xffff, v3  }
0x51e: {  	[tilespmem:s3+$0x12130] =	vst.add.f32.msk $0xffff, v4  }
0x51f: {  	[tilespmem:s3+$0x12140] =	vst.add.f32.msk $0xffff, v5  }
0x520: {  	[tilespmem:s3+$0x12150] =	vst.add.f32.msk $0xffff, v6  }
0x521: {  	[tilespmem:s3+$0x12160] =	vst.add.f32.msk $0xffff, v7  }
0x522: {  	[tilespmem:s3+$0x12170] =	vst.add.f32.msk $0xffff, v8  }
0x523: {  	[tilespmem:s3+$0x12180] =	vst.add.f32.msk $0xffff, v9  }
0x524: {  	[tilespmem:s3+$0x12190] =	vst.add.f32.msk $0xffff, v10  }
0x525: {  	[tilespmem:s3+$0x121A0] =	vst.add.f32.msk $0xffff, v11  }
0x526: {  	[tilespmem:s3+$0x121B0] =	vst.add.f32.msk $0xffff, v12  }
0x527: {  	[tilespmem:s3+$0x121C0] =	vst.add.f32.msk $0xffff, v13  }
0x528: {  	[tilespmem:s3+$0x121D0] =	vst.add.f32.msk $0xffff, v14  }
0x529: {  	[tilespmem:s3+$0x121E0] =	vst.add.f32.msk $0xffff, v15  }
0x52a: {  	[tilespmem:s3+$0x121F0] =	vst.add.f32.msk $0xffff, v16  }
0x52b: {  	[tilespmem:s3+$0x12200] =	vst.add.f32.msk $0xffff, v17  }
0x52c: {  	[tilespmem:s3+$0x12210] =	vst.add.f32.msk $0xffff, v18  }
0x52d: {  	[tilespmem:s3+$0x12220] =	vst.add.f32.msk $0xffff, v19  }
0x52e: {  	[tilespmem:s3+$0x12230] =	vst.add.f32.msk $0xffff, v20  }
0x52f: {  	[tilespmem:s3+$0x12240] =	vst.add.f32.msk $0xffff, v21  }
0x530: {  	[tilespmem:s3+$0x12250] =	vst.add.f32.msk $0xffff, v22  }
0x531: {  	[tilespmem:s3+$0x12260] =	vst.add.f32.msk $0xffff, v23  }
0x532: {  	[tilespmem:s3+$0x12270] =	vst.add.f32.msk $0xffff, v24  }
0x533: {  	[tilespmem:s3+$0x12280] =	vst.add.f32.msk $0xffff, v25  }
0x534: {  	[tilespmem:s3+$0x12290] =	vst.add.f32.msk $0xffff, v26  }
0x535: {  	[tilespmem:s3+$0x122A0] =	vst.add.f32.msk $0xffff, v27  }
0x536: {  	[tilespmem:s3+$0x122B0] =	vst.add.f32.msk $0xffff, v28  }
0x537: {  	[tilespmem:s3+$0x122C0] =	vst.add.f32.msk $0xffff, v29  }
0x538: {  	s5 =	simm.s32 $0x0;
	s7 =	simm.s32 $0x800;
	[tilespmem:s3+$0x122D0] =	vst.add.f32.msk $0xffff, v30  }
.LBB2_22:
0x539: {  	s5 =	sadd.s32 $0x4, s5;
	[tilespmem:s3+$0x122E0] =	vst.add.f32.msk $0xffff, v0;
	s3 =	sshra.s32 s7, $0x2  }
0x53a: {  	v0 =	vld [tilespmem:s3+$0x3EF0];
	p0 =	slt.u32 s5, $0x7C  }
0x53b: {  	v1 =	vld [tilespmem:s3+$0x3D00]  }
0x53c: {  	v2 =	vld [tilespmem:s3+$0x3D10]  }
0x53d: {  	v3 =	vld [tilespmem:s3+$0x3D20]  }
0x53e: {  	v4 =	vld [tilespmem:s3+$0x3D30]  }
0x53f: {  	[tilespmem:s3+$0x122F0] =	vst.add.f32.msk $0xffff, v0  }
0x540: {  	v5 =	vld [tilespmem:s3+$0x3D40]  }
0x541: {  	v6 =	vld [tilespmem:s3+$0x3D50]  }
0x542: {  	v7 =	vld [tilespmem:s3+$0x3D60]  }
0x543: {  	v8 =	vld [tilespmem:s3+$0x3D70]  }
0x544: {  	v9 =	vld [tilespmem:s3+$0x3D80]  }
0x545: {  	v10 =	vld [tilespmem:s3+$0x3D90]  }
0x546: {  	v11 =	vld [tilespmem:s3+$0x3DA0]  }
0x547: {  	v12 =	vld [tilespmem:s3+$0x3DB0]  }
0x548: {  	v13 =	vld [tilespmem:s3+$0x3DC0]  }
0x549: {  	v14 =	vld [tilespmem:s3+$0x3DD0]  }
0x54a: {  	v15 =	vld [tilespmem:s3+$0x3DE0]  }
0x54b: {  	v16 =	vld [tilespmem:s3+$0x3DF0]  }
0x54c: {  	v17 =	vld [tilespmem:s3+$0x3E00]  }
0x54d: {  	v18 =	vld [tilespmem:s3+$0x3E10]  }
0x54e: {  	v19 =	vld [tilespmem:s3+$0x3E20]  }
0x54f: {  	v20 =	vld [tilespmem:s3+$0x3E30]  }
0x550: {  	v21 =	vld [tilespmem:s3+$0x3E40]  }
0x551: {  	v22 =	vld [tilespmem:s3+$0x3E50]  }
0x552: {  	v23 =	vld [tilespmem:s3+$0x3E60]  }
0x553: {  	v24 =	vld [tilespmem:s3+$0x3E70]  }
0x554: {  	v25 =	vld [tilespmem:s3+$0x3E80]  }
0x555: {  	v26 =	vld [tilespmem:s3+$0x3E90]  }
0x556: {  	v27 =	vld [tilespmem:s3+$0x3EA0]  }
0x557: {  	v28 =	vld [tilespmem:s3+$0x3EB0]  }
0x558: {  	v29 =	vld [tilespmem:s3+$0x3EC0]  }
0x559: {  	v30 =	vld [tilespmem:s3+$0x3ED0]  }
0x55a: {  	v0 =	vld [tilespmem:s3+$0x3EE0]  }
0x55b: {  	[tilespmem:s3+$0x12100] =	vst.add.f32.msk $0xffff, v1  }
0x55c: {  	[tilespmem:s3+$0x12110] =	vst.add.f32.msk $0xffff, v2  }
0x55d: {  	[tilespmem:s3+$0x12120] =	vst.add.f32.msk $0xffff, v3  }
0x55e: {  	[tilespmem:s3+$0x12130] =	vst.add.f32.msk $0xffff, v4  }
0x55f: {  	[tilespmem:s3+$0x12140] =	vst.add.f32.msk $0xffff, v5  }
0x560: {  	[tilespmem:s3+$0x12150] =	vst.add.f32.msk $0xffff, v6  }
0x561: {  	[tilespmem:s3+$0x12160] =	vst.add.f32.msk $0xffff, v7  }
0x562: {  	[tilespmem:s3+$0x12170] =	vst.add.f32.msk $0xffff, v8  }
0x563: {  	[tilespmem:s3+$0x12180] =	vst.add.f32.msk $0xffff, v9  }
0x564: {  	[tilespmem:s3+$0x12190] =	vst.add.f32.msk $0xffff, v10  }
0x565: {  	[tilespmem:s3+$0x121A0] =	vst.add.f32.msk $0xffff, v11  }
0x566: {  	[tilespmem:s3+$0x121B0] =	vst.add.f32.msk $0xffff, v12  }
0x567: {  	[tilespmem:s3+$0x121C0] =	vst.add.f32.msk $0xffff, v13  }
0x568: {  	[tilespmem:s3+$0x121D0] =	vst.add.f32.msk $0xffff, v14  }
0x569: {  	[tilespmem:s3+$0x121E0] =	vst.add.f32.msk $0xffff, v15  }
0x56a: {  	[tilespmem:s3+$0x121F0] =	vst.add.f32.msk $0xffff, v16  }
0x56b: {  	[tilespmem:s3+$0x12200] =	vst.add.f32.msk $0xffff, v17  }
0x56c: {  	[tilespmem:s3+$0x12210] =	vst.add.f32.msk $0xffff, v18  }
0x56d: {  	[tilespmem:s3+$0x12220] =	vst.add.f32.msk $0xffff, v19  }
0x56e: {  	[tilespmem:s3+$0x12230] =	vst.add.f32.msk $0xffff, v20  }
0x56f: {  	[tilespmem:s3+$0x12240] =	vst.add.f32.msk $0xffff, v21  }
0x570: {  	[tilespmem:s3+$0x12250] =	vst.add.f32.msk $0xffff, v22  }
0x571: {  	[tilespmem:s3+$0x12260] =	vst.add.f32.msk $0xffff, v23  }
0x572: {  	[tilespmem:s3+$0x12270] =	vst.add.f32.msk $0xffff, v24  }
0x573: {  	[tilespmem:s3+$0x12280] =	vst.add.f32.msk $0xffff, v25  }
.Ltmp10:
0x574: {  	[tilespmem:s3+$0x12290] =	vst.add.f32.msk $0xffff, v26;
	(pc) =	sbr.rel @p0 .LBB2_22-.Ltmp10, $4  }
0x575: {  	[tilespmem:s3+$0x122A0] =	vst.add.f32.msk $0xffff, v27  }
0x576: {  	[tilespmem:s3+$0x122B0] =	vst.add.f32.msk $0xffff, v28  }
0x577: {  	[tilespmem:s3+$0x122C0] =	vst.add.f32.msk $0xffff, v29  }
0x578: {  	s7 =	sadd.s32 $0x800, s7;
	[tilespmem:s3+$0x122D0] =	vst.add.f32.msk $0xffff, v30  }
0x579: {  	[tilespmem:s3+$0x122E0] =	vst.add.f32.msk $0xffff, v0  }
0x57a: {  	s3 =	rddreg [dreg:$0xb]  }
0x57b: {  	[hbm4b:s3+s13] =	stream.linear.scatter [tilespmem:s20], [sflag:$0x6], $0x4000, $0x38;
	[tilespmem:$0x1E100] =	vst v63  }
0x57c: {  	_ =	swait.ge [sflag:s0], $0x4000  }
0x57d: {  	[sflag:s0] =	ssyncset.done $0x0  }
0x57e: {  	[sflag:s0] =	ssyncadd.s32 $0xFFFFC000  }
0x57f: {  	_ =	swait.ge [sflag:s15], $0x4000  }
0x580: {  	[sflag:s15] =	ssyncset.done $0x0  }
0x581: {  	[sflag:s15] =	ssyncadd.s32 $0xFFFFC000  }
0x582: {  	_ =	swait.ge [sflag:s29], $0x4000  }
0x583: {  	[sflag:s29] =	ssyncset.done $0x0  }
0x584: {  	[sflag:s29] =	ssyncadd.s32 $0xFFFFC000  }
0x585: {  	_ =	swait.ge [sflag:s31], $0x4000  }
0x586: {  	s5 =	rddreg [dreg:$0xd]  }
0x587: {  	s26 =	rddreg [dreg:$0xc];
	s5 =	sadd.s32 $0x1, s5  }
0x588: {  	p0 =	sne.s32 s5, s26  }
.Ltmp11:
0x589: {  	_ = 	snop;
	(pc) =	sbr.rel @p0 .LBB2_1-.Ltmp11, $3  }
0x58a: {  	_ =	sdelay $0x1  }
0x58b: {  	[sflag:s31] =	ssyncset.done $0x0  }
0x58c: {  	[sflag:s31] =	ssyncadd.s32 $0xFFFFC000  }
0x58d: {  	_ =	sfence.sel $0x180000  }
0x58e: {  	[bflag:$0x0] =	sbarrier.arrive $0xFFFF  }
0x58f: {  	_ =	strace $0x90000047  }
0x590: {  	s0 =	stileid.u32;
	[bflag:$0x2] =	sbarrier.arrive $0xFFFF  }
0x591: {  	p0 =	sne.s32 s0, $0x0;
	s0 =	rddreg [dreg:$0x4]  }
0x592: {  	s0 =	sadd.s32 @!p0 $0x100000, s0  }
0x593: {  	[sflag:s0] =	ssyncadd.tile.s32 @!p0 $0x1;
	_ =	shalt  }
.Lfunc_end2:
_tile_overlayer_lowered:
.L_overlay_start_2:
0x594: {  	(tag) =	ssettag $0x2  }
0x595: {  	s0 =	rddreg [dreg:$0x0];
	s2 =	stileid.u32  }
0x596: {  	s1 =	rddreg [dreg:$0x1];
	p0 =	sne.s32 s2, $0x0  }
0x597: {  	s3 =	rddreg [dreg:$0x2];
	[bflag:$0x3] =	sbarrier.arrive $0xFFFF;
	s2 =	simm.s32 @!p0 $0x1C0A  }
0x598: {  	[timem:s3], [sflag:s2] =	dma.local @!p0 [hbm:s0], s1  }
0x599: {  	s0 =	simm.s32 @!p0 $0xA  }
0x59a: {  	_ =	swait.ge @!p0 [sflag:s0], s1  }
0x59b: {  	s1 =	ssub.s32 @!p0 $0x0, s1;
	[sflag:s0] =	ssyncset.done @!p0 $0x0  }
0x59c: {  	[sflag:s0] =	ssyncadd.s32 @!p0 s1  }
0x59d: {  	[bflag:$0x3] =	sbarrier.arrive $0xFFFF  }
0x59e: {  	_ =	shalt  }

</sc_bundles>
